<compile_context>
chip_gen: v7x
topology: tpu7x:2x2x1
jax: 0.10.2.dev20260603
libtpu: 0.0.44.dev20260713+nightly
codegen_flags: <defaults>
</compile_context>

<pallas_src>
import functools

import jax
import jax.numpy as jnp
from jax import lax
from jax.experimental import pallas as pl
from jax.experimental.pallas import tpu as pltpu
from jax.experimental.pallas import tpu_sc as plsc

N = 10000
E = 320000
F = 64
NC = 2
NS = 16
NW = NC * NS
CHUNK = 128
T = 80
E_PAD = NW * CHUNK * T
PER_W = T * CHUNK
N_PAD = ((N + NS - 1) // NS + 7) // 8 * 8 * NS
ROWS_PER_TILE = N_PAD // NS
TRASH = N_PAD - N

NBLK = 1000
EBLK = 4096

@functools.cache
def _mesh():
    return plsc.VectorSubcoreMesh(core_axis_name="c", subcore_axis_name="s")


def _prep_body(x_ref, batch_ref, sel_ref, wsel_ref, bsel_ref, wu_ref,
               wsrc_ref, be0_ref, wcat_ref, bcat_ref,
               tsrc_ref, tcol_ref, u_ref):
    f32 = jnp.float32
    u_val = jnp.dot(sel_ref[...], wsel_ref[...], preferred_element_type=f32) + bsel_ref[...]
    ug = jnp.dot(u_val, wu_ref[...], preferred_element_type=f32)
    xb = x_ref[...]
    gids = lax.broadcasted_iota(jnp.int32, (NBLK, 8), 1)
    onehot = (batch_ref[...] == gids).astype(f32)
    ts = (jnp.dot(xb, wsrc_ref[...], preferred_element_type=f32)
          + jnp.dot(onehot, ug, preferred_element_type=f32)
          + be0_ref[...])
    tsrc_ref[...] = jnp.concatenate([ts, jnp.zeros((NBLK, F), f32)], axis=1)
    tcol_ref[...] = jnp.dot(xb, wcat_ref[...], preferred_element_type=f32) + bcat_ref[...]
    u_ref[...] = u_val


def _prep(x, batch2, selection, W_sel, b_sel2, W_u, W_src, be02, W_cat, bcat2):
    f32 = jnp.float32
    grid = N // NBLK
    return pl.pallas_call(
        _prep_body,
        grid=(grid,),
        in_specs=[
            pl.BlockSpec((NBLK, 9), lambda i: (i, 0)),
            pl.BlockSpec((NBLK, 1), lambda i: (i, 0)),
            pl.BlockSpec((8, 512), lambda i: (0, 0)),
            pl.BlockSpec((512, F), lambda i: (0, 0)),
            pl.BlockSpec((1, F), lambda i: (0, 0)),
            pl.BlockSpec((F, F), lambda i: (0, 0)),
            pl.BlockSpec((9, F), lambda i: (0, 0)),
            pl.BlockSpec((1, F), lambda i: (0, 0)),
            pl.BlockSpec((9, 2 * F), lambda i: (0, 0)),
            pl.BlockSpec((1, 2 * F), lambda i: (0, 0)),
        ],
        out_specs=[
            pl.BlockSpec((NBLK, 2 * F), lambda i: (i, 0)),
            pl.BlockSpec((NBLK, 2 * F), lambda i: (i, 0)),
            pl.BlockSpec((8, F), lambda i: (0, 0)),
        ],
        out_shape=[
            jax.ShapeDtypeStruct((N, 2 * F), f32),
            jax.ShapeDtypeStruct((N, 2 * F), f32),
            jax.ShapeDtypeStruct((8, F), f32),
        ],
    )(x, batch2, selection, W_sel, b_sel2, W_u, W_src, be02, W_cat, bcat2)


_GS = 3


def _gather_body(tsrc_hbm, tcol_hbm, rowg_hbm, colg_hbm,
                 g1_hbm, g2_hbm, idx_r, idx_c,
                 b1_0, b1_1, b1_2, b2_0, b2_1, b2_2,
                 gs_0, gs_1, gs_2, ws_0, ws_1, ws_2):
    nt = rowg_hbm.shape[1]
    wid = lax.axis_index("c") * NS + lax.axis_index("s")
    base = wid * nt * CHUNK
    bufs1 = (b1_0, b1_1, b1_2)
    bufs2 = (b2_0, b2_1, b2_2)
    gs = (gs_0, gs_1, gs_2)
    ws = (ws_0, ws_1, ws_2)
    pltpu.sync_copy(rowg_hbm.at[wid], idx_r)
    pltpu.sync_copy(colg_hbm.at[wid], idx_c)

    def fire(j, b):
        pltpu.async_copy(tsrc_hbm.at[idx_r.at[j]], bufs1[b], gs[b])
        pltpu.async_copy(tcol_hbm.at[idx_c.at[j]], bufs2[b], gs[b])

    for b in range(_GS):
        fire(b, b)

    def body(g, carry):
        for b in range(_GS):
            j = g * _GS + b

            @pl.when(j < nt)
            def _():
                dst1 = g1_hbm.at[pl.ds(base + j * CHUNK, CHUNK)]
                dst2 = g2_hbm.at[pl.ds(base + j * CHUNK, CHUNK)]
                pltpu.make_async_copy(tsrc_hbm.at[idx_r.at[j]], bufs1[b], gs[b]).wait()
                pltpu.make_async_copy(tcol_hbm.at[idx_c.at[j]], bufs2[b], gs[b]).wait()
                pltpu.async_copy(bufs1[b], dst1, ws[b])
                pltpu.async_copy(bufs2[b], dst2, ws[b])
                pltpu.make_async_copy(bufs1[b], dst1, ws[b]).wait()
                pltpu.make_async_copy(bufs2[b], dst2, ws[b]).wait()

                @pl.when(j + _GS < nt)
                def _():
                    fire(j + _GS, b)

        return carry

    lax.fori_loop(0, (nt + _GS - 1) // _GS, body, 0)


def _sc_gather(tsrc, tcol, rowg, colg):
    nt = rowg.shape[1]
    ne = NW * nt * CHUNK
    f = pl.kernel(
        _gather_body,
        mesh=_mesh(),
        out_type=[
            jax.ShapeDtypeStruct((ne, 2 * F), jnp.float32),
            jax.ShapeDtypeStruct((ne, 2 * F), jnp.float32),
        ],
        scratch_types=(
            [pltpu.VMEM((nt, CHUNK), jnp.int32)] * 2
            + [pltpu.VMEM((CHUNK, 2 * F), jnp.float32)] * (2 * _GS)
            + [pltpu.SemaphoreType.DMA] * (2 * _GS)
        ),
    )
    return f(tsrc, tcol, rowg, colg)


def _edge_body(g1_ref, g2_ref, ea_ref, we1_ref, be1_ref,
               wa_ref, wn1b_ref, bn1b_ref, wea_ref, m_ref):
    f32 = jnp.float32
    g1 = g1_ref[...]
    g2 = g2_ref[...]
    h0 = jnp.maximum(g1[:, 0:F] + g2[:, 0:F] + ea_ref[...] * wea_ref[...], 0.0)
    h1 = jnp.maximum(jnp.dot(h0, we1_ref[...], preferred_element_type=f32) + be1_ref[...], 0.0)
    m1 = jnp.maximum(jnp.dot(h1, wa_ref[...], preferred_element_type=f32) + g2[:, F:2 * F], 0.0)
    m = jnp.maximum(
        jnp.dot(m1, wn1b_ref[...], preferred_element_type=f32) + bn1b_ref[...], 0.0)
    cols = lax.broadcasted_iota(jnp.int32, (EBLK, F), 1)
    cnt1 = jnp.where(cols == 0, 1.0, 0.0).astype(f32)
    m_ref[...] = jnp.concatenate([m, cnt1], axis=1)


def _edge(g1, g2, ea_col, off, We1, be12, W_a, Wn1b, bn1b2, wea2):
    grid = g1.shape[0] // EBLK
    return pl.pallas_call(
        _edge_body,
        grid=(grid,),
        in_specs=[
            pl.BlockSpec((EBLK, 2 * F), lambda i: (i, 0)),
            pl.BlockSpec((EBLK, 2 * F), lambda i: (i, 0)),
            pl.BlockSpec((EBLK, 1), lambda i: (i + off, 0)),
            pl.BlockSpec((F, F), lambda i: (0, 0)),
            pl.BlockSpec((1, F), lambda i: (0, 0)),
            pl.BlockSpec((F, F), lambda i: (0, 0)),
            pl.BlockSpec((F, F), lambda i: (0, 0)),
            pl.BlockSpec((1, F), lambda i: (0, 0)),
            pl.BlockSpec((1, F), lambda i: (0, 0)),
        ],
        out_specs=pl.BlockSpec((EBLK, 2 * F), lambda i: (i, 0)),
        out_shape=jax.ShapeDtypeStruct((g1.shape[0], 2 * F), jnp.float32),
    )(g1, g2, ea_col, We1, be12, W_a, Wn1b, bn1b2, wea2)


def _scatter_body(m_hbm, rown_hbm, acc_hbm, idx, mb_0, mb_1,
                  ls_0, ls_1, zs, acc_sh):
    nt = rown_hbm.shape[1]
    c = lax.axis_index("c")
    s = lax.axis_index("s")
    wid = c * NS + s
    mbufs = (mb_0, mb_1)
    ls = (ls_0, ls_1)
    vzero = jnp.zeros((16,), jnp.float32)

    for b in range(2):
        def zrow(i, carry, _b=b):
            def zcol(k, c2):
                mbufs[_b][i, pl.ds(k * 16, 16)] = vzero
                return c2

            lax.fori_loop(0, 2 * F // 16, zcol, 0)
            return carry

        lax.fori_loop(0, CHUNK, zrow, 0)

    zbase = s * ROWS_PER_TILE
    zdsts = [acc_sh.at[pl.ds(zbase + k * CHUNK, CHUNK)] for k in range(4)]
    ztail = acc_sh.at[pl.ds(zbase + 4 * CHUNK, ROWS_PER_TILE - 4 * CHUNK)]
    for k in range(4):
        pltpu.async_copy(mbufs[k % 2], zdsts[k], zs)
    pltpu.async_copy(mbufs[0].at[pl.ds(0, ROWS_PER_TILE - 4 * CHUNK)], ztail, zs)
    pltpu.sync_copy(rown_hbm.at[wid], idx)
    for k in range(4):
        pltpu.make_async_copy(mbufs[k % 2], zdsts[k], zs).wait()
    pltpu.make_async_copy(mbufs[0].at[pl.ds(0, ROWS_PER_TILE - 4 * CHUNK)], ztail, zs).wait()
    plsc.subcore_barrier()

    def load(j, b):
        pltpu.async_copy(m_hbm.at[pl.ds(wid * nt * CHUNK + j * CHUNK, CHUNK)],
                         mbufs[b], ls[b])

    load(0, 0)
    load(1, 1)

    def body(g, carry):
        for b in range(2):
            j = g * 2 + b
            pltpu.make_async_copy(
                m_hbm.at[pl.ds(wid * nt * CHUNK + j * CHUNK, CHUNK)],
                mbufs[b], ls[b]).wait()
            pltpu.sync_copy(mbufs[b], acc_sh.at[idx.at[j]], add=True)

            @pl.when(j + 2 < nt)
            def _():
                load(j + 2, b)

        return carry

    lax.fori_loop(0, nt // 2, body, 0)
    plsc.subcore_barrier()
    pltpu.sync_copy(acc_sh.at[pl.ds(s * ROWS_PER_TILE, ROWS_PER_TILE)],
                    acc_hbm.at[c, pl.ds(s * ROWS_PER_TILE, ROWS_PER_TILE)])


def _sc_scatter(m, rown):
    nt = rown.shape[1]
    f = pl.kernel(
        _scatter_body,
        mesh=_mesh(),
        compiler_params=pltpu.CompilerParams(use_tc_tiling_on_sc=True),
        out_type=[
            jax.ShapeDtypeStruct((NC, N_PAD, 2 * F), jnp.float32),
        ],
        scratch_types=[
            pltpu.VMEM((nt, CHUNK), jnp.int32),
            pltpu.VMEM((CHUNK, 2 * F), jnp.float32),
            pltpu.VMEM((CHUNK, 2 * F), jnp.float32),
            pltpu.SemaphoreType.DMA,
            pltpu.SemaphoreType.DMA,
            pltpu.SemaphoreType.DMA,
            pltpu.VMEM_SHARED((N_PAD, 2 * F), jnp.float32),
        ],
    )
    return f(m, rown)[0]


def _final_body(x_ref, batch_ref, acc0_ref, acc1_ref,
                u_ref, wx_ref, wagg_ref,
                wu2_ref, bn2a_ref, wn2b_ref, bn2b_ref, out_ref):
    f32 = jnp.float32
    accw = acc0_ref[0] + acc0_ref[1] + acc1_ref[0] + acc1_ref[1]
    denom = jnp.maximum(accw[:, F:F + 1], 1.0)
    agg = accw[:, 0:F] / denom
    gids = lax.broadcasted_iota(jnp.int32, (NBLK, 8), 1)
    onehot = (batch_ref[...] == gids).astype(f32)
    uproj = jnp.dot(u_ref[...], wu2_ref[...], preferred_element_type=f32)
    h2 = jnp.maximum(
        jnp.dot(x_ref[...], wx_ref[...], preferred_element_type=f32)
        + jnp.dot(agg, wagg_ref[...], preferred_element_type=f32)
        + jnp.dot(onehot, uproj, preferred_element_type=f32)
        + bn2a_ref[...], 0.0)
    out_ref[...] = jnp.dot(h2, wn2b_ref[...], preferred_element_type=f32) + bn2b_ref[...]


def _final(x, batch2, accs, u, Wx, Wagg, Wu2, bn2a2, Wn2b, bn2b2):
    grid = N // NBLK
    return pl.pallas_call(
        _final_body,
        grid=(grid,),
        in_specs=[
            pl.BlockSpec((NBLK, 9), lambda i: (i, 0)),
            pl.BlockSpec((NBLK, 1), lambda i: (i, 0)),
            pl.BlockSpec((NC, NBLK, 2 * F), lambda i: (0, i, 0)),
            pl.BlockSpec((NC, NBLK, 2 * F), lambda i: (0, i, 0)),
            pl.BlockSpec((8, F), lambda i: (0, 0)),
            pl.BlockSpec((9, F), lambda i: (0, 0)),
            pl.BlockSpec((F, F), lambda i: (0, 0)),
            pl.BlockSpec((F, F), lambda i: (0, 0)),
            pl.BlockSpec((1, F), lambda i: (0, 0)),
            pl.BlockSpec((F, 1), lambda i: (0, 0)),
            pl.BlockSpec((1, 1), lambda i: (0, 0)),
        ],
        out_specs=pl.BlockSpec((NBLK, 1), lambda i: (i, 0)),
        out_shape=jax.ShapeDtypeStruct((N, 1), jnp.float32),
    )(x, batch2, *accs, u, Wx, Wagg, Wu2, bn2a2, Wn2b, bn2b2)


def kernel(x, edge_index, edge_attr, selection, batch, W_sel, b_sel,
           We0, be0, We1, be1, Wef, bef, Wn1a, bn1a, Wn1b, bn1b,
           Wn2a, bn2a, Wn2b, bn2b):
    f32 = jnp.float32
    i32 = jnp.int32

    W_src = We0[0:9]
    W_dst = We0[9:18]
    w_ea = We0[18:19]
    W_u = We0[19:83]
    Wn1a_x = Wn1a[0:9]
    Wn1a_e = Wn1a[9:73]
    W_a = Wef @ Wn1a_e
    b_a = bef @ Wn1a_e + bn1a
    W_cat = jnp.concatenate([W_dst, Wn1a_x], axis=1)
    bcat = jnp.concatenate([jnp.zeros((F,), f32), b_a])[None]
    Wx = Wn2a[0:9]
    Wagg = Wn2a[9:73]
    Wu2 = Wn2a[73:137]

    batch2 = batch[:, None].astype(i32)
    row = edge_index[0]
    col = edge_index[1]
    pad = E_PAD - E
    pad_g = (jnp.arange(pad, dtype=i32) % jnp.int32(N))
    pad_s = jnp.int32(N) + (jnp.arange(pad, dtype=i32) % jnp.int32(TRASH))
    rowg = jnp.concatenate([row, pad_g])
    colg = jnp.concatenate([col, pad_g])
    rown = jnp.concatenate([row, pad_s])
    ea_pad = jnp.concatenate([edge_attr[:, 0], jnp.zeros((pad,), f32)])

    K = 2
    EH = E_PAD // K
    TH = T // K

    def piece(a, k):
        return a[k * EH:(k + 1) * EH].reshape(NW, TH, CHUNK)

    tsrc, tcol, u = _prep(x, batch2, selection, W_sel, b_sel[None], W_u,
                          W_src, be0[None], W_cat, bcat)
    ea_col = ea_pad.reshape(E_PAD, 1)
    accs = []
    for k in range(K):
        g1k, g2k = _sc_gather(tsrc, tcol, piece(rowg, k), piece(colg, k))
        mk = _edge(g1k, g2k, ea_col, k * (EH // EBLK), We1, be1[None],
                   W_a, Wn1b, bn1b[None], w_ea)
        accs.append(_sc_scatter(mk, piece(rown, k)))
    out = _final(x, batch2, accs, u, Wx, Wagg, Wu2, bn2a[None],
                 Wn2b, bn2b[None])
    return out.reshape(N)

# --- scband reference (transcript-rebuilt; emitter-appended) ---
"""Pipeline reference for scband-ogrenet-50422916055679 (READ-ONLY COPY).

The authoritative reference and input builder live on the scoring server;
editing this copy changes nothing except your own understanding.
"""

import jax, jax.numpy as jnp
import numpy as np

N = 10000
E = 320000
G = 8
U_IN = 512
U_RED = 64
EH = 64
EA1 = 64
NH = 64
X_DIM = 9
EA_IN = 1


def _lin(key, fan_in, fan_out):
    k1, k2 = jax.random.split(key)
    W = jax.random.normal(k1, (fan_in, fan_out), dtype=jnp.float32) / np.sqrt(fan_in)
    b = jax.random.normal(k2, (fan_out,), dtype=jnp.float32) * 0.01
    return W, b


def setup_inputs(seed: int = 0) -> dict:
    key = jax.random.key(seed)
    ks = jax.random.split(key, 16)
    x = jax.random.normal(ks[0], (N, X_DIM), dtype=jnp.float32)
    edge_index = jax.random.randint(ks[1], (2, E), 0, N, dtype=jnp.int32)
    edge_attr = jax.random.normal(ks[2], (E, EA_IN), dtype=jnp.float32)
    selection = jax.random.normal(ks[3], (G, U_IN), dtype=jnp.float32)
    batch = jnp.sort(jax.random.randint(ks[4], (N,), 0, G, dtype=jnp.int32))
    W_sel, b_sel = _lin(ks[5], U_IN, U_RED)
    # EdgeModel: features_in = edge_attr_in + 2*node_attr + u_red = 1 + 18 + 64 = 83
    We0, be0 = _lin(ks[6], EA_IN + 2 * X_DIM + U_RED, EH)
    We1, be1 = _lin(ks[7], EH, EH)
    Wef, bef = _lin(ks[8], EH, EA1)
    # NodeModel mlp1: node_attr + edge_attr_out = 9 + 64 = 73
    Wn1a, bn1a = _lin(ks[9], X_DIM + EA1, NH)
    Wn1b, bn1b = _lin(ks[10], NH, NH)
    # NodeModel mlp2: node_attr + node_h + u_red = 9 + 64 + 64 = 137
    Wn2a, bn2a = _lin(ks[11], X_DIM + NH + U_RED, NH)
    Wn2b, bn2b = _lin(ks[12], NH, 1)
    return {"x": x, "edge_index": edge_index, "edge_attr": edge_attr, "selection": selection, "batch": batch,
            "W_sel": W_sel, "b_sel": b_sel, "We0": We0, "be0": be0, "We1": We1, "be1": be1, "Wef": Wef, "bef": bef,
            "Wn1a": Wn1a, "bn1a": bn1a, "Wn1b": Wn1b, "bn1b": bn1b, "Wn2a": Wn2a, "bn2a": bn2a, "Wn2b": Wn2b, "bn2b": bn2b}


def reference(x, edge_index, edge_attr, selection, batch, W_sel, b_sel, We0, be0, We1, be1, Wef, bef, Wn1a, bn1a, Wn1b, bn1b, Wn2a, bn2a, Wn2b, bn2b):
    u = selection @ W_sel + b_sel  # [G, U_RED]
    row = edge_index[0]
    col = edge_index[1]
    # EdgeModel: src=x[row], dest=x[col], batch indexed per-edge via row
    src = jnp.take(x, row, axis=0)
    dest = jnp.take(x, col, axis=0)
    u_edge = jnp.take(u, jnp.take(batch, row, axis=0), axis=0)
    e_in = jnp.concatenate([src, dest, edge_attr, u_edge], axis=1)
    h = jax.nn.relu(e_in @ We0 + be0)
    h = jax.nn.relu(h @ We1 + be1)
    edge_out = h @ Wef + bef  # [E, EA1]
    # NodeModel
    n_in = jnp.concatenate([dest, edge_out], axis=1)
    m = jax.nn.relu(n_in @ Wn1a + bn1a)
    m = jax.nn.relu(m @ Wn1b + bn1b)
    n_nodes = x.shape[0]
    s = jax.ops.segment_sum(m, row, num_segments=n_nodes)
    cnt = jax.ops.segment_sum(jnp.ones((row.shape[0], 1), dtype=m.dtype), row, num_segments=n_nodes)
    agg = s / jnp.clip(cnt, 1.0, None)  # scatter_mean
    u_node = jnp.take(u, batch, axis=0)
    n2 = jnp.concatenate([x, agg, u_node], axis=1)
    h2 = jax.nn.relu(n2 @ Wn2a + bn2a)
    out = h2 @ Wn2b + bn2b  # [N, 1]
    return jnp.squeeze(out)

if __name__ == "__main__":
    import jax
    _d = setup_inputs()
    print(jax.jit(kernel)(*tuple(_d.values())))

</pallas_src>

<mosaic_0001>
#map = affine_map<(d0, d1) -> (0, 0)>
#map1 = affine_map<(d0, d1) -> (0, 0, 0)>
module attributes {stable_mosaic.version = 14 : i64} {
  func.func @_scatter_body(%arg0: i32, %arg1: i32, %arg2: memref<163840x128xf32, #tpu.memory_space<hbm>>, %arg3: memref<32x40x128xi32, #tpu.memory_space<hbm>>, %arg4: memref<2x10112x128xf32, #tpu.memory_space<hbm>>, %arg5: memref<40x128xi32, #tpu.memory_space<vmem>>, %arg6: memref<128x128xf32, #tpu.memory_space<vmem>>, %arg7: memref<128x128xf32, #tpu.memory_space<vmem>>, %arg8: memref<!tpu.dma_semaphore, #tpu.memory_space<semaphore_mem>>, %arg9: memref<!tpu.dma_semaphore, #tpu.memory_space<semaphore_mem>>, %arg10: memref<!tpu.dma_semaphore, #tpu.memory_space<semaphore_mem>>, %arg11: memref<10112x128xf32, #tpu.memory_space<vmem_shared>>) attributes {dimension_semantics = [#tpu.dimension_semantics<core_parallel>, #tpu.dimension_semantics<subcore_parallel>], iteration_bounds = array<i64: 2, 16>, scalar_prefetch = 0 : i64, scratch_operands = 7 : i64, tpu.core_type = #tpu.core_type<sc_vector_subcore>, window_params = [{transform_indices = #map}, {transform_indices = #map1}, {transform_indices = #map1}]} {
    %mul3A = arith.constant 16 : i32
    %mul3A_0 = arith.muli %arg0, %mul3A : i32
    %add3A = arith.addi %mul3A_0, %arg1 : i32
    %broadcast_in_dim3A = arith.constant 0.000000e+00 : f32
    %broadcast_in_dim3A_1 = vector.broadcast %broadcast_in_dim3A : f32 to vector<16xf32>
    %scan3A = arith.constant 0 : i32
    %scan3A_2 = arith.constant 0 : i32
    %scan3A_3 = arith.constant 128 : i32
    %scan3A_4 = arith.addi %scan3A_2, %scan3A_3 : i32
    %scan3A_5 = arith.constant 1 : i32
    scf.for %scan3A_106 = %scan3A_2 to %scan3A_4 step %scan3A_5  : i32 {
      %scan3A_107 = arith.constant 0 : i32
      %scan3A_108 = arith.constant 0 : i32
      %scan3A_109 = arith.constant 8 : i32
      %scan3A_110 = arith.addi %scan3A_108, %scan3A_109 : i32
      %scan3A_111 = arith.constant 1 : i32
      scf.for %scan3A_113 = %scan3A_108 to %scan3A_110 step %scan3A_111  : i32 {
        %mul3A_114 = arith.constant 16 : i32
        %mul3A_115 = arith.muli %scan3A_113, %mul3A_114 : i32
        %swap3A = arith.index_cast %scan3A_106 : i32 to index
        %swap3A_116 = arith.index_cast %mul3A_115 : i32 to index
        %swap3A_117 = tpu.vector_load %arg6[%swap3A, %swap3A_116] {strides = array<i32>} : memref<128x128xf32, #tpu.memory_space<vmem>>, vector<1x16xf32>,
        %swap3A_118 = vector.shape_cast %swap3A_117 : vector<1x16xf32> to vector<16xf32>
        %swap3A_119 = vector.shape_cast %broadcast_in_dim3A_1 : vector<16xf32> to vector<1x16xf32>
        tpu.vector_store %arg6[%swap3A, %swap3A_116], %swap3A_119 {strides = array<i32>} : memref<128x128xf32, #tpu.memory_space<vmem>>, vector<1x16xf32>,
      }
      %scan3A_112 = arith.constant 8 : i32
    }
    %scan3A_6 = arith.constant 128 : i32
    %scan3A_7 = arith.constant 0 : i32
    %scan3A_8 = arith.constant 0 : i32
    %scan3A_9 = arith.constant 128 : i32
    %scan3A_10 = arith.addi %scan3A_8, %scan3A_9 : i32
    %scan3A_11 = arith.constant 1 : i32
    scf.for %scan3A_106 = %scan3A_8 to %scan3A_10 step %scan3A_11  : i32 {
      %scan3A_107 = arith.constant 0 : i32
      %scan3A_108 = arith.constant 0 : i32
      %scan3A_109 = arith.constant 8 : i32
      %scan3A_110 = arith.addi %scan3A_108, %scan3A_109 : i32
      %scan3A_111 = arith.constant 1 : i32
      scf.for %scan3A_113 = %scan3A_108 to %scan3A_110 step %scan3A_111  : i32 {
        %mul3A_114 = arith.constant 16 : i32
        %mul3A_115 = arith.muli %scan3A_113, %mul3A_114 : i32
        %swap3A = arith.index_cast %scan3A_106 : i32 to index
        %swap3A_116 = arith.index_cast %mul3A_115 : i32 to index
        %swap3A_117 = tpu.vector_load %arg7[%swap3A, %swap3A_116] {strides = array<i32>} : memref<128x128xf32, #tpu.memory_space<vmem>>, vector<1x16xf32>,
        %swap3A_118 = vector.shape_cast %swap3A_117 : vector<1x16xf32> to vector<16xf32>
        %swap3A_119 = vector.shape_cast %broadcast_in_dim3A_1 : vector<16xf32> to vector<1x16xf32>
        tpu.vector_store %arg7[%swap3A, %swap3A_116], %swap3A_119 {strides = array<i32>} : memref<128x128xf32, #tpu.memory_space<vmem>>, vector<1x16xf32>,
      }
      %scan3A_112 = arith.constant 8 : i32
    }
    %scan3A_12 = arith.constant 128 : i32
    %mul3A_13 = arith.constant 632 : i32
    %mul3A_14 = arith.muli %arg1, %mul3A_13 : i32
    %add3A_15 = arith.constant 0 : i32
    %add3A_16 = arith.addi %mul3A_14, %add3A_15 : i32
    %add3A_17 = arith.constant 128 : i32
    %add3A_18 = arith.addi %mul3A_14, %add3A_17 : i32
    %add3A_19 = arith.constant 256 : i32
    %add3A_20 = arith.addi %mul3A_14, %add3A_19 : i32
    %add3A_21 = arith.constant 384 : i32
    %add3A_22 = arith.addi %mul3A_14, %add3A_21 : i32
    %add3A_23 = arith.constant 512 : i32
    %add3A_24 = arith.addi %mul3A_14, %add3A_23 : i32
    %dma_start3A = arith.constant 0 : i32
    %dma_start3A_25 = tpu.memref_slice %arg11[%add3A_16, %dma_start3A] : memref<10112x128xf32, #tpu.memory_space<vmem_shared>> -> memref<128x128xf32, #tpu.memory_space<vmem_shared>>
    %dma_start3A_26 = arith.constant 0 : i32
    %dma_start3A_27 = tpu.memref_slice %arg11[%add3A_16, %dma_start3A_26] : memref<10112x128xf32, #tpu.memory_space<vmem_shared>> -> memref<128x128xf32, #tpu.memory_space<vmem_shared>>
    tpu.enqueue_dma source(%arg6 : memref<128x128xf32, #tpu.memory_space<vmem>>) target(%dma_start3A_27 : memref<128x128xf32, #tpu.memory_space<vmem_shared>>) target_semaphore(%arg10 : memref<!tpu.dma_semaphore, #tpu.memory_space<semaphore_mem>>)
    %dma_start3A_28 = arith.constant 0 : i32
    %dma_start3A_29 = tpu.memref_slice %arg11[%add3A_18, %dma_start3A_28] : memref<10112x128xf32, #tpu.memory_space<vmem_shared>> -> memref<128x128xf32, #tpu.memory_space<vmem_shared>>
    %dma_start3A_30 = arith.constant 0 : i32
    %dma_start3A_31 = tpu.memref_slice %arg11[%add3A_18, %dma_start3A_30] : memref<10112x128xf32, #tpu.memory_space<vmem_shared>> -> memref<128x128xf32, #tpu.memory_space<vmem_shared>>
    tpu.enqueue_dma source(%arg7 : memref<128x128xf32, #tpu.memory_space<vmem>>) target(%dma_start3A_31 : memref<128x128xf32, #tpu.memory_space<vmem_shared>>) target_semaphore(%arg10 : memref<!tpu.dma_semaphore, #tpu.memory_space<semaphore_mem>>)
    %dma_start3A_32 = arith.constant 0 : i32
    %dma_start3A_33 = tpu.memref_slice %arg11[%add3A_20, %dma_start3A_32] : memref<10112x128xf32, #tpu.memory_space<vmem_shared>> -> memref<128x128xf32, #tpu.memory_space<vmem_shared>>
    %dma_start3A_34 = arith.constant 0 : i32
    %dma_start3A_35 = tpu.memref_slice %arg11[%add3A_20, %dma_start3A_34] : memref<10112x128xf32, #tpu.memory_space<vmem_shared>> -> memref<128x128xf32, #tpu.memory_space<vmem_shared>>
    tpu.enqueue_dma source(%arg6 : memref<128x128xf32, #tpu.memory_space<vmem>>) target(%dma_start3A_35 : memref<128x128xf32, #tpu.memory_space<vmem_shared>>) target_semaphore(%arg10 : memref<!tpu.dma_semaphore, #tpu.memory_space<semaphore_mem>>)
    %dma_start3A_36 = arith.constant 0 : i32
    %dma_start3A_37 = tpu.memref_slice %arg11[%add3A_22, %dma_start3A_36] : memref<10112x128xf32, #tpu.memory_space<vmem_shared>> -> memref<128x128xf32, #tpu.memory_space<vmem_shared>>
    %dma_start3A_38 = arith.constant 0 : i32
    %dma_start3A_39 = tpu.memref_slice %arg11[%add3A_22, %dma_start3A_38] : memref<10112x128xf32, #tpu.memory_space<vmem_shared>> -> memref<128x128xf32, #tpu.memory_space<vmem_shared>>
    tpu.enqueue_dma source(%arg7 : memref<128x128xf32, #tpu.memory_space<vmem>>) target(%dma_start3A_39 : memref<128x128xf32, #tpu.memory_space<vmem_shared>>) target_semaphore(%arg10 : memref<!tpu.dma_semaphore, #tpu.memory_space<semaphore_mem>>)
    %dma_start3A_40 = arith.constant 0 : i32
    %dma_start3A_41 = arith.constant 0 : i32
    %dma_start3A_42 = tpu.memref_slice %arg6[%dma_start3A_40, %dma_start3A_41] : memref<128x128xf32, #tpu.memory_space<vmem>> -> memref<120x128xf32, #tpu.memory_space<vmem>>
    %dma_start3A_43 = arith.constant 0 : i32
    %dma_start3A_44 = tpu.memref_slice %arg11[%add3A_24, %dma_start3A_43] : memref<10112x128xf32, #tpu.memory_space<vmem_shared>> -> memref<120x128xf32, #tpu.memory_space<vmem_shared>>
    %dma_start3A_45 = arith.constant 0 : i32
    %dma_start3A_46 = tpu.memref_slice %arg11[%add3A_24, %dma_start3A_45] : memref<10112x128xf32, #tpu.memory_space<vmem_shared>> -> memref<120x128xf32, #tpu.memory_space<vmem_shared>>
    %dma_start3A_47 = arith.constant 0 : i32
    %dma_start3A_48 = arith.constant 0 : i32
    %dma_start3A_49 = tpu.memref_slice %arg6[%dma_start3A_47, %dma_start3A_48] : memref<128x128xf32, #tpu.memory_space<vmem>> -> memref<120x128xf32, #tpu.memory_space<vmem>>
    tpu.enqueue_dma source(%dma_start3A_49 : memref<120x128xf32, #tpu.memory_space<vmem>>) target(%dma_start3A_46 : memref<120x128xf32, #tpu.memory_space<vmem_shared>>) target_semaphore(%arg10 : memref<!tpu.dma_semaphore, #tpu.memory_space<semaphore_mem>>)
    "tpu.region"() ({
      %run_scoped3A = tpu.sem_alloc : memref<!tpu.dma_semaphore, #tpu.memory_space<semaphore_mem>>
      %dma_start3A_106 = arith.constant 0 : i32
      %dma_start3A_107 = arith.constant 0 : i32
      %dma_start3A_108 = tpu.memref_slice %arg3[%add3A, %dma_start3A_106, %dma_start3A_107] : memref<32x40x128xi32, #tpu.memory_space<hbm>> -> memref<1x40x128xi32, #tpu.memory_space<hbm>>
      %dma_start3A_109 = tpu.memref_squeeze %dma_start3A_108 : memref<1x40x128xi32, #tpu.memory_space<hbm>> -> memref<40x128xi32, #tpu.memory_space<hbm>>
      %dma_start3A_110 = arith.constant 0 : i32
      %dma_start3A_111 = arith.constant 0 : i32
      %dma_start3A_112 = tpu.memref_slice %arg3[%add3A, %dma_start3A_110, %dma_start3A_111] : memref<32x40x128xi32, #tpu.memory_space<hbm>> -> memref<1x40x128xi32, #tpu.memory_space<hbm>>
      %dma_start3A_113 = tpu.memref_squeeze %dma_start3A_112 : memref<1x40x128xi32, #tpu.memory_space<hbm>> -> memref<40x128xi32, #tpu.memory_space<hbm>>
      tpu.enqueue_dma source(%dma_start3A_113 : memref<40x128xi32, #tpu.memory_space<hbm>>) target(%arg5 : memref<40x128xi32, #tpu.memory_space<vmem>>) target_semaphore(%run_scoped3A : memref<!tpu.dma_semaphore, #tpu.memory_space<semaphore_mem>>)
      %dma_wait3A_114 = arith.constant 0 : i32
      %dma_wait3A_115 = arith.constant 0 : i32
      %dma_wait3A_116 = tpu.memref_slice %arg3[%add3A, %dma_wait3A_114, %dma_wait3A_115] : memref<32x40x128xi32, #tpu.memory_space<hbm>> -> memref<1x40x128xi32, #tpu.memory_space<hbm>>
      %dma_wait3A_117 = tpu.memref_squeeze %dma_wait3A_116 : memref<1x40x128xi32, #tpu.memory_space<hbm>> -> memref<40x128xi32, #tpu.memory_space<hbm>>
      %dma_wait3A_118 = arith.constant 0 : i32
      %dma_wait3A_119 = arith.constant 0 : i32
      %dma_wait3A_120 = tpu.memref_slice %arg3[%add3A, %dma_wait3A_118, %dma_wait3A_119] : memref<32x40x128xi32, #tpu.memory_space<hbm>> -> memref<1x40x128xi32, #tpu.memory_space<hbm>>
      %dma_wait3A_121 = tpu.memref_squeeze %dma_wait3A_120 : memref<1x40x128xi32, #tpu.memory_space<hbm>> -> memref<40x128xi32, #tpu.memory_space<hbm>>
      tpu.wait_dma2 semaphore(%run_scoped3A : memref<!tpu.dma_semaphore, #tpu.memory_space<semaphore_mem>>) src(%dma_wait3A_121 : memref<40x128xi32, #tpu.memory_space<hbm>>) dst(%arg5 : memref<40x128xi32, #tpu.memory_space<vmem>>)
      tpu.yield
    }) : () -> ()
    %dma_wait3A = arith.constant 0 : i32
    %dma_wait3A_50 = tpu.memref_slice %arg11[%add3A_16, %dma_wait3A] : memref<10112x128xf32, #tpu.memory_space<vmem_shared>> -> memref<128x128xf32, #tpu.memory_space<vmem_shared>>
    %dma_wait3A_51 = arith.constant 0 : i32
    %dma_wait3A_52 = tpu.memref_slice %arg11[%add3A_16, %dma_wait3A_51] : memref<10112x128xf32, #tpu.memory_space<vmem_shared>> -> memref<128x128xf32, #tpu.memory_space<vmem_shared>>
    tpu.wait_dma2 semaphore(%arg10 : memref<!tpu.dma_semaphore, #tpu.memory_space<semaphore_mem>>) src(%arg6 : memref<128x128xf32, #tpu.memory_space<vmem>>) dst(%dma_wait3A_52 : memref<128x128xf32, #tpu.memory_space<vmem_shared>>)
    %dma_wait3A_53 = arith.constant 0 : i32
    %dma_wait3A_54 = tpu.memref_slice %arg11[%add3A_18, %dma_wait3A_53] : memref<10112x128xf32, #tpu.memory_space<vmem_shared>> -> memref<128x128xf32, #tpu.memory_space<vmem_shared>>
    %dma_wait3A_55 = arith.constant 0 : i32
    %dma_wait3A_56 = tpu.memref_slice %arg11[%add3A_18, %dma_wait3A_55] : memref<10112x128xf32, #tpu.memory_space<vmem_shared>> -> memref<128x128xf32, #tpu.memory_space<vmem_shared>>
    tpu.wait_dma2 semaphore(%arg10 : memref<!tpu.dma_semaphore, #tpu.memory_space<semaphore_mem>>) src(%arg7 : memref<128x128xf32, #tpu.memory_space<vmem>>) dst(%dma_wait3A_56 : memref<128x128xf32, #tpu.memory_space<vmem_shared>>)
    %dma_wait3A_57 = arith.constant 0 : i32
    %dma_wait3A_58 = tpu.memref_slice %arg11[%add3A_20, %dma_wait3A_57] : memref<10112x128xf32, #tpu.memory_space<vmem_shared>> -> memref<128x128xf32, #tpu.memory_space<vmem_shared>>
    %dma_wait3A_59 = arith.constant 0 : i32
    %dma_wait3A_60 = tpu.memref_slice %arg11[%add3A_20, %dma_wait3A_59] : memref<10112x128xf32, #tpu.memory_space<vmem_shared>> -> memref<128x128xf32, #tpu.memory_space<vmem_shared>>
    tpu.wait_dma2 semaphore(%arg10 : memref<!tpu.dma_semaphore, #tpu.memory_space<semaphore_mem>>) src(%arg6 : memref<128x128xf32, #tpu.memory_space<vmem>>) dst(%dma_wait3A_60 : memref<128x128xf32, #tpu.memory_space<vmem_shared>>)
    %dma_wait3A_61 = arith.constant 0 : i32
    %dma_wait3A_62 = tpu.memref_slice %arg11[%add3A_22, %dma_wait3A_61] : memref<10112x128xf32, #tpu.memory_space<vmem_shared>> -> memref<128x128xf32, #tpu.memory_space<vmem_shared>>
    %dma_wait3A_63 = arith.constant 0 : i32
    %dma_wait3A_64 = tpu.memref_slice %arg11[%add3A_22, %dma_wait3A_63] : memref<10112x128xf32, #tpu.memory_space<vmem_shared>> -> memref<128x128xf32, #tpu.memory_space<vmem_shared>>
    tpu.wait_dma2 semaphore(%arg10 : memref<!tpu.dma_semaphore, #tpu.memory_space<semaphore_mem>>) src(%arg7 : memref<128x128xf32, #tpu.memory_space<vmem>>) dst(%dma_wait3A_64 : memref<128x128xf32, #tpu.memory_space<vmem_shared>>)
    %dma_wait3A_65 = arith.constant 0 : i32
    %dma_wait3A_66 = arith.constant 0 : i32
    %dma_wait3A_67 = tpu.memref_slice %arg6[%dma_wait3A_65, %dma_wait3A_66] : memref<128x128xf32, #tpu.memory_space<vmem>> -> memref<120x128xf32, #tpu.memory_space<vmem>>
    %dma_wait3A_68 = arith.constant 0 : i32
    %dma_wait3A_69 = tpu.memref_slice %arg11[%add3A_24, %dma_wait3A_68] : memref<10112x128xf32, #tpu.memory_space<vmem_shared>> -> memref<120x128xf32, #tpu.memory_space<vmem_shared>>
    %dma_wait3A_70 = arith.constant 0 : i32
    %dma_wait3A_71 = tpu.memref_slice %arg11[%add3A_24, %dma_wait3A_70] : memref<10112x128xf32, #tpu.memory_space<vmem_shared>> -> memref<120x128xf32, #tpu.memory_space<vmem_shared>>
    %dma_wait3A_72 = arith.constant 0 : i32
    %dma_wait3A_73 = arith.constant 0 : i32
    %dma_wait3A_74 = tpu.memref_slice %arg6[%dma_wait3A_72, %dma_wait3A_73] : memref<128x128xf32, #tpu.memory_space<vmem>> -> memref<120x128xf32, #tpu.memory_space<vmem>>
    tpu.wait_dma2 semaphore(%arg10 : memref<!tpu.dma_semaphore, #tpu.memory_space<semaphore_mem>>) src(%dma_wait3A_74 : memref<120x128xf32, #tpu.memory_space<vmem>>) dst(%dma_wait3A_71 : memref<120x128xf32, #tpu.memory_space<vmem_shared>>)
    %barrier3A = arith.constant 0 : index
    tpu.barrier barrier_id(%barrier3A)
    %mul3A_75 = arith.constant 40 : i32
    %mul3A_76 = arith.muli %add3A, %mul3A_75 : i32
    %mul3A_77 = arith.constant 128 : i32
    %mul3A_78 = arith.muli %mul3A_76, %mul3A_77 : i32
    %add3A_79 = arith.constant 0 : i32
    %add3A_80 = arith.addi %mul3A_78, %add3A_79 : i32
    %dma_start3A_81 = arith.constant 0 : i32
    %dma_start3A_82 = tpu.memref_slice %arg2[%add3A_80, %dma_start3A_81] : memref<163840x128xf32, #tpu.memory_space<hbm>> -> memref<128x128xf32, #tpu.memory_space<hbm>>
    %dma_start3A_83 = arith.constant 0 : i32
    %dma_start3A_84 = tpu.memref_slice %arg2[%add3A_80, %dma_start3A_83] : memref<163840x128xf32, #tpu.memory_space<hbm>> -> memref<128x128xf32, #tpu.memory_space<hbm>>
    tpu.enqueue_dma source(%dma_start3A_84 : memref<128x128xf32, #tpu.memory_space<hbm>>) target(%arg6 : memref<128x128xf32, #tpu.memory_space<vmem>>) target_semaphore(%arg8 : memref<!tpu.dma_semaphore, #tpu.memory_space<semaphore_mem>>)
    %mul3A_85 = arith.constant 40 : i32
    %mul3A_86 = arith.muli %add3A, %mul3A_85 : i32
    %mul3A_87 = arith.constant 128 : i32
    %mul3A_88 = arith.muli %mul3A_86, %mul3A_87 : i32
    %add3A_89 = arith.constant 128 : i32
    %add3A_90 = arith.addi %mul3A_88, %add3A_89 : i32
    %dma_start3A_91 = arith.constant 0 : i32
    %dma_start3A_92 = tpu.memref_slice %arg2[%add3A_90, %dma_start3A_91] : memref<163840x128xf32, #tpu.memory_space<hbm>> -> memref<128x128xf32, #tpu.memory_space<hbm>>
    %dma_start3A_93 = arith.constant 0 : i32
    %dma_start3A_94 = tpu.memref_slice %arg2[%add3A_90, %dma_start3A_93] : memref<163840x128xf32, #tpu.memory_space<hbm>> -> memref<128x128xf32, #tpu.memory_space<hbm>>
    tpu.enqueue_dma source(%dma_start3A_94 : memref<128x128xf32, #tpu.memory_space<hbm>>) target(%arg7 : memref<128x128xf32, #tpu.memory_space<vmem>>) target_semaphore(%arg9 : memref<!tpu.dma_semaphore, #tpu.memory_space<semaphore_mem>>)
    %scan3A_95 = arith.constant 0 : i32
    %scan3A_96 = arith.constant 0 : i32
    %scan3A_97 = arith.constant 20 : i32
    %scan3A_98 = arith.addi %scan3A_96, %scan3A_97 : i32
    %scan3A_99 = arith.constant 1 : i32
    scf.for %scan3A_106 = %scan3A_96 to %scan3A_98 step %scan3A_99  : i32 {
      %mul3A_107 = arith.constant 2 : i32
      %mul3A_108 = arith.muli %scan3A_106, %mul3A_107 : i32
      %add3A_109 = arith.constant 0 : i32
      %add3A_110 = arith.addi %mul3A_108, %add3A_109 : i32
      %mul3A_111 = arith.constant 40 : i32
      %mul3A_112 = arith.muli %add3A, %mul3A_111 : i32
      %mul3A_113 = arith.constant 128 : i32
      %mul3A_114 = arith.muli %mul3A_112, %mul3A_113 : i32
      %mul3A_115 = arith.constant 128 : i32
      %mul3A_116 = arith.muli %add3A_110, %mul3A_115 : i32
      %add3A_117 = arith.addi %mul3A_114, %mul3A_116 : i32
      %dma_wait3A_118 = arith.constant 0 : i32
      %dma_wait3A_119 = tpu.memref_slice %arg2[%add3A_117, %dma_wait3A_118] : memref<163840x128xf32, #tpu.memory_space<hbm>> -> memref<128x128xf32, #tpu.memory_space<hbm>>
      %dma_wait3A_120 = arith.constant 0 : i32
      %dma_wait3A_121 = tpu.memref_slice %arg2[%add3A_117, %dma_wait3A_120] : memref<163840x128xf32, #tpu.memory_space<hbm>> -> memref<128x128xf32, #tpu.memory_space<hbm>>
      tpu.wait_dma2 semaphore(%arg8 : memref<!tpu.dma_semaphore, #tpu.memory_space<semaphore_mem>>) src(%dma_wait3A_121 : memref<128x128xf32, #tpu.memory_space<hbm>>) dst(%arg6 : memref<128x128xf32, #tpu.memory_space<vmem>>)
      "tpu.region"() ({
        %run_scoped3A = tpu.sem_alloc : memref<!tpu.dma_semaphore, #tpu.memory_space<semaphore_mem>>
        %dma_start3A_148 = arith.constant 0 : i32
        %dma_start3A_149 = tpu.memref_slice %arg5[%add3A_110, %dma_start3A_148] : memref<40x128xi32, #tpu.memory_space<vmem>> -> memref<1x128xi32, #tpu.memory_space<vmem>>
        %dma_start3A_150 = tpu.memref_squeeze %dma_start3A_149 : memref<1x128xi32, #tpu.memory_space<vmem>> -> memref<128xi32, #tpu.memory_space<vmem>>
        %dma_start3A_151 = arith.constant 0 : i32
        %dma_start3A_152 = arith.constant 0 : i32
        %dma_start3A_153 = tpu.memref_slice %arg11[%dma_start3A_151, %dma_start3A_152] : memref<10112x128xf32, #tpu.memory_space<vmem_shared>> -> memref<10112x128xf32, #tpu.memory_space<vmem_shared>>
        tpu.enqueue_indirect_dma source(%arg6 : memref<128x128xf32, #tpu.memory_space<vmem>>) target(%dma_start3A_153 : memref<10112x128xf32, #tpu.memory_space<vmem_shared>>) offsets(%dma_start3A_150 : memref<128xi32, #tpu.memory_space<vmem>>) semaphore(%run_scoped3A : memref<!tpu.dma_semaphore, #tpu.memory_space<semaphore_mem>>) {add = true}
        %dma_wait3A_154 = arith.constant 0 : i32
        %dma_wait3A_155 = tpu.memref_slice %arg5[%add3A_110, %dma_wait3A_154] : memref<40x128xi32, #tpu.memory_space<vmem>> -> memref<1x128xi32, #tpu.memory_space<vmem>>
        %dma_wait3A_156 = tpu.memref_squeeze %dma_wait3A_155 : memref<1x128xi32, #tpu.memory_space<vmem>> -> memref<128xi32, #tpu.memory_space<vmem>>
        %dma_wait3A_157 = arith.constant 0 : i32
        %dma_wait3A_158 = arith.constant 0 : i32
        %dma_wait3A_159 = tpu.memref_slice %arg11[%dma_wait3A_157, %dma_wait3A_158] : memref<10112x128xf32, #tpu.memory_space<vmem_shared>> -> memref<10112x128xf32, #tpu.memory_space<vmem_shared>>
        tpu.wait_indirect_dma semaphore(%run_scoped3A : memref<!tpu.dma_semaphore, #tpu.memory_space<semaphore_mem>>) src(%arg6 : memref<128x128xf32, #tpu.memory_space<vmem>>) dst(%dma_wait3A_159 : memref<10112x128xf32, #tpu.memory_space<vmem_shared>>)
        tpu.yield
      }) : () -> ()
      %add3A_122 = arith.constant 2 : i32
      %add3A_123 = arith.addi %add3A_110, %add3A_122 : i32
      %lt3A = arith.constant 40 : i32
      %lt3A_124 = arith.cmpi slt, %add3A_123, %lt3A : i32
      %convert_element_type3A = arith.extui %lt3A_124 : i1 to i32
      %cond3A = arith.constant 0 : i32
      %cond3A_125 = arith.cmpi ne, %convert_element_type3A, %cond3A : i32
      scf.if %cond3A_125 {
        %add3A_148 = arith.constant 2 : i32
        %add3A_149 = arith.addi %add3A_110, %add3A_148 : i32
        %mul3A_150 = arith.constant 40 : i32
        %mul3A_151 = arith.muli %add3A, %mul3A_150 : i32
        %mul3A_152 = arith.constant 128 : i32
        %mul3A_153 = arith.muli %mul3A_151, %mul3A_152 : i32
        %mul3A_154 = arith.constant 128 : i32
        %mul3A_155 = arith.muli %add3A_149, %mul3A_154 : i32
        %add3A_156 = arith.addi %mul3A_153, %mul3A_155 : i32
        %dma_start3A_157 = arith.constant 0 : i32
        %dma_start3A_158 = tpu.memref_slice %arg2[%add3A_156, %dma_start3A_157] : memref<163840x128xf32, #tpu.memory_space<hbm>> -> memref<128x128xf32, #tpu.memory_space<hbm>>
        %dma_start3A_159 = arith.constant 0 : i32
        %dma_start3A_160 = tpu.memref_slice %arg2[%add3A_156, %dma_start3A_159] : memref<163840x128xf32, #tpu.memory_space<hbm>> -> memref<128x128xf32, #tpu.memory_space<hbm>>
        tpu.enqueue_dma source(%dma_start3A_160 : memref<128x128xf32, #tpu.memory_space<hbm>>) target(%arg6 : memref<128x128xf32, #tpu.memory_space<vmem>>) target_semaphore(%arg8 : memref<!tpu.dma_semaphore, #tpu.memory_space<semaphore_mem>>)
      } else {
      }
      %mul3A_126 = arith.constant 2 : i32
      %mul3A_127 = arith.muli %scan3A_106, %mul3A_126 : i32
      %add3A_128 = arith.constant 1 : i32
      %add3A_129 = arith.addi %mul3A_127, %add3A_128 : i32
      %mul3A_130 = arith.constant 40 : i32
      %mul3A_131 = arith.muli %add3A, %mul3A_130 : i32
      %mul3A_132 = arith.constant 128 : i32
      %mul3A_133 = arith.muli %mul3A_131, %mul3A_132 : i32
      %mul3A_134 = arith.constant 128 : i32
      %mul3A_135 = arith.muli %add3A_129, %mul3A_134 : i32
      %add3A_136 = arith.addi %mul3A_133, %mul3A_135 : i32
      %dma_wait3A_137 = arith.constant 0 : i32
      %dma_wait3A_138 = tpu.memref_slice %arg2[%add3A_136, %dma_wait3A_137] : memref<163840x128xf32, #tpu.memory_space<hbm>> -> memref<128x128xf32, #tpu.memory_space<hbm>>
      %dma_wait3A_139 = arith.constant 0 : i32
      %dma_wait3A_140 = tpu.memref_slice %arg2[%add3A_136, %dma_wait3A_139] : memref<163840x128xf32, #tpu.memory_space<hbm>> -> memref<128x128xf32, #tpu.memory_space<hbm>>
      tpu.wait_dma2 semaphore(%arg9 : memref<!tpu.dma_semaphore, #tpu.memory_space<semaphore_mem>>) src(%dma_wait3A_140 : memref<128x128xf32, #tpu.memory_space<hbm>>) dst(%arg7 : memref<128x128xf32, #tpu.memory_space<vmem>>)
      "tpu.region"() ({
        %run_scoped3A = tpu.sem_alloc : memref<!tpu.dma_semaphore, #tpu.memory_space<semaphore_mem>>
        %dma_start3A_148 = arith.constant 0 : i32
        %dma_start3A_149 = tpu.memref_slice %arg5[%add3A_129, %dma_start3A_148] : memref<40x128xi32, #tpu.memory_space<vmem>> -> memref<1x128xi32, #tpu.memory_space<vmem>>
        %dma_start3A_150 = tpu.memref_squeeze %dma_start3A_149 : memref<1x128xi32, #tpu.memory_space<vmem>> -> memref<128xi32, #tpu.memory_space<vmem>>
        %dma_start3A_151 = arith.constant 0 : i32
        %dma_start3A_152 = arith.constant 0 : i32
        %dma_start3A_153 = tpu.memref_slice %arg11[%dma_start3A_151, %dma_start3A_152] : memref<10112x128xf32, #tpu.memory_space<vmem_shared>> -> memref<10112x128xf32, #tpu.memory_space<vmem_shared>>
        tpu.enqueue_indirect_dma source(%arg7 : memref<128x128xf32, #tpu.memory_space<vmem>>) target(%dma_start3A_153 : memref<10112x128xf32, #tpu.memory_space<vmem_shared>>) offsets(%dma_start3A_150 : memref<128xi32, #tpu.memory_space<vmem>>) semaphore(%run_scoped3A : memref<!tpu.dma_semaphore, #tpu.memory_space<semaphore_mem>>) {add = true}
        %dma_wait3A_154 = arith.constant 0 : i32
        %dma_wait3A_155 = tpu.memref_slice %arg5[%add3A_129, %dma_wait3A_154] : memref<40x128xi32, #tpu.memory_space<vmem>> -> memref<1x128xi32, #tpu.memory_space<vmem>>
        %dma_wait3A_156 = tpu.memref_squeeze %dma_wait3A_155 : memref<1x128xi32, #tpu.memory_space<vmem>> -> memref<128xi32, #tpu.memory_space<vmem>>
        %dma_wait3A_157 = arith.constant 0 : i32
        %dma_wait3A_158 = arith.constant 0 : i32
        %dma_wait3A_159 = tpu.memref_slice %arg11[%dma_wait3A_157, %dma_wait3A_158] : memref<10112x128xf32, #tpu.memory_space<vmem_shared>> -> memref<10112x128xf32, #tpu.memory_space<vmem_shared>>
        tpu.wait_indirect_dma semaphore(%run_scoped3A : memref<!tpu.dma_semaphore, #tpu.memory_space<semaphore_mem>>) src(%arg7 : memref<128x128xf32, #tpu.memory_space<vmem>>) dst(%dma_wait3A_159 : memref<10112x128xf32, #tpu.memory_space<vmem_shared>>)
        tpu.yield
      }) : () -> ()
      %add3A_141 = arith.constant 2 : i32
      %add3A_142 = arith.addi %add3A_129, %add3A_141 : i32
      %lt3A_143 = arith.constant 40 : i32
      %lt3A_144 = arith.cmpi slt, %add3A_142, %lt3A_143 : i32
      %convert_element_type3A_145 = arith.extui %lt3A_144 : i1 to i32
      %cond3A_146 = arith.constant 0 : i32
      %cond3A_147 = arith.cmpi ne, %convert_element_type3A_145, %cond3A_146 : i32
      scf.if %cond3A_147 {
        %add3A_148 = arith.constant 2 : i32
        %add3A_149 = arith.addi %add3A_129, %add3A_148 : i32
        %mul3A_150 = arith.constant 40 : i32
        %mul3A_151 = arith.muli %add3A, %mul3A_150 : i32
        %mul3A_152 = arith.constant 128 : i32
        %mul3A_153 = arith.muli %mul3A_151, %mul3A_152 : i32
        %mul3A_154 = arith.constant 128 : i32
        %mul3A_155 = arith.muli %add3A_149, %mul3A_154 : i32
        %add3A_156 = arith.addi %mul3A_153, %mul3A_155 : i32
        %dma_start3A_157 = arith.constant 0 : i32
        %dma_start3A_158 = tpu.memref_slice %arg2[%add3A_156, %dma_start3A_157] : memref<163840x128xf32, #tpu.memory_space<hbm>> -> memref<128x128xf32, #tpu.memory_space<hbm>>
        %dma_start3A_159 = arith.constant 0 : i32
        %dma_start3A_160 = tpu.memref_slice %arg2[%add3A_156, %dma_start3A_159] : memref<163840x128xf32, #tpu.memory_space<hbm>> -> memref<128x128xf32, #tpu.memory_space<hbm>>
        tpu.enqueue_dma source(%dma_start3A_160 : memref<128x128xf32, #tpu.memory_space<hbm>>) target(%arg7 : memref<128x128xf32, #tpu.memory_space<vmem>>) target_semaphore(%arg9 : memref<!tpu.dma_semaphore, #tpu.memory_space<semaphore_mem>>)
      } else {
      }
    }
    %scan3A_100 = arith.constant 20 : i32
    %barrier3A_101 = arith.constant 0 : index
    tpu.barrier barrier_id(%barrier3A_101)
    %mul3A_102 = arith.constant 632 : i32
    %mul3A_103 = arith.muli %arg1, %mul3A_102 : i32
    %mul3A_104 = arith.constant 632 : i32
    %mul3A_105 = arith.muli %arg1, %mul3A_104 : i32
    "tpu.region"() ({
      %run_scoped3A = tpu.sem_alloc : memref<!tpu.dma_semaphore, #tpu.memory_space<semaphore_mem>>
      %dma_start3A_106 = arith.constant 0 : i32
      %dma_start3A_107 = tpu.memref_slice %arg4[%arg0, %mul3A_105, %dma_start3A_106] : memref<2x10112x128xf32, #tpu.memory_space<hbm>> -> memref<1x632x128xf32, #tpu.memory_space<hbm>>
      %dma_start3A_108 = tpu.memref_squeeze %dma_start3A_107 : memref<1x632x128xf32, #tpu.memory_space<hbm>> -> memref<632x128xf32, #tpu.memory_space<hbm>>
      %dma_start3A_109 = arith.constant 0 : i32
      %dma_start3A_110 = tpu.memref_slice %arg11[%mul3A_103, %dma_start3A_109] : memref<10112x128xf32, #tpu.memory_space<vmem_shared>> -> memref<632x128xf32, #tpu.memory_space<vmem_shared>>
      tpu.enqueue_dma source(%dma_start3A_110 : memref<632x128xf32, #tpu.memory_space<vmem_shared>>) target(%dma_start3A_108 : memref<632x128xf32, #tpu.memory_space<hbm>>) target_semaphore(%run_scoped3A : memref<!tpu.dma_semaphore, #tpu.memory_space<semaphore_mem>>)
      %dma_wait3A_111 = arith.constant 0 : i32
      %dma_wait3A_112 = tpu.memref_slice %arg4[%arg0, %mul3A_105, %dma_wait3A_111] : memref<2x10112x128xf32, #tpu.memory_space<hbm>> -> memref<1x632x128xf32, #tpu.memory_space<hbm>>
      %dma_wait3A_113 = tpu.memref_squeeze %dma_wait3A_112 : memref<1x632x128xf32, #tpu.memory_space<hbm>> -> memref<632x128xf32, #tpu.memory_space<hbm>>
      %dma_wait3A_114 = arith.constant 0 : i32
      %dma_wait3A_115 = tpu.memref_slice %arg11[%mul3A_103, %dma_wait3A_114] : memref<10112x128xf32, #tpu.memory_space<vmem_shared>> -> memref<632x128xf32, #tpu.memory_space<vmem_shared>>
      tpu.wait_dma2 semaphore(%run_scoped3A : memref<!tpu.dma_semaphore, #tpu.memory_space<semaphore_mem>>) src(%dma_wait3A_115 : memref<632x128xf32, #tpu.memory_space<vmem_shared>>) dst(%dma_wait3A_113 : memref<632x128xf32, #tpu.memory_space<hbm>>)
      tpu.yield
    }) : () -> ()
    return
  }
}

#map = affine_map<(d0, d1) -> (0, 0)>
#map1 = affine_map<(d0, d1) -> (0, 0, 0)>
module attributes {stable_mosaic.version = 14 : i64} {
  func.func @_gather_body(%arg0: i32, %arg1: i32, %arg2: memref<10000x128xf32, #tpu.memory_space<hbm>>, %arg3: memref<10000x128xf32, #tpu.memory_space<hbm>>, %arg4: memref<32x40x128xi32, #tpu.memory_space<hbm>>, %arg5: memref<32x40x128xi32, #tpu.memory_space<hbm>>, %arg6: memref<163840x128xf32, #tpu.memory_space<hbm>>, %arg7: memref<163840x128xf32, #tpu.memory_space<hbm>>, %arg8: memref<40x128xi32, #tpu.memory_space<vmem>>, %arg9: memref<40x128xi32, #tpu.memory_space<vmem>>, %arg10: memref<128x128xf32, #tpu.memory_space<vmem>>, %arg11: memref<128x128xf32, #tpu.memory_space<vmem>>, %arg12: memref<128x128xf32, #tpu.memory_space<vmem>>, %arg13: memref<128x128xf32, #tpu.memory_space<vmem>>, %arg14: memref<128x128xf32, #tpu.memory_space<vmem>>, %arg15: memref<128x128xf32, #tpu.memory_space<vmem>>, %arg16: memref<!tpu.dma_semaphore, #tpu.memory_space<semaphore_mem>>, %arg17: memref<!tpu.dma_semaphore, #tpu.memory_space<semaphore_mem>>, %arg18: memref<!tpu.dma_semaphore, #tpu.memory_space<semaphore_mem>>, %arg19: memref<!tpu.dma_semaphore, #tpu.memory_space<semaphore_mem>>, %arg20: memref<!tpu.dma_semaphore, #tpu.memory_space<semaphore_mem>>, %arg21: memref<!tpu.dma_semaphore, #tpu.memory_space<semaphore_mem>>) attributes {dimension_semantics = [#tpu.dimension_semantics<core_parallel>, #tpu.dimension_semantics<subcore_parallel>], iteration_bounds = array<i64: 2, 16>, scalar_prefetch = 0 : i64, scratch_operands = 14 : i64, tpu.core_type = #tpu.core_type<sc_vector_subcore>, window_params = [{transform_indices = #map}, {transform_indices = #map}, {transform_indices = #map1}, {transform_indices = #map1}, {transform_indices = #map}, {transform_indices = #map}]} {
    %mul3A = arith.constant 16 : i32
    %mul3A_0 = arith.muli %arg0, %mul3A : i32
    %add3A = arith.addi %mul3A_0, %arg1 : i32
    %mul3A_1 = arith.constant 40 : i32
    %mul3A_2 = arith.muli %add3A, %mul3A_1 : i32
    %mul3A_3 = arith.constant 128 : i32
    %mul3A_4 = arith.muli %mul3A_2, %mul3A_3 : i32
    "tpu.region"() ({
      %run_scoped3A = tpu.sem_alloc : memref<!tpu.dma_semaphore, #tpu.memory_space<semaphore_mem>>
      %dma_start3A_51 = arith.constant 0 : i32
      %dma_start3A_52 = arith.constant 0 : i32
      %dma_start3A_53 = tpu.memref_slice %arg4[%add3A, %dma_start3A_51, %dma_start3A_52] : memref<32x40x128xi32, #tpu.memory_space<hbm>> -> memref<1x40x128xi32, #tpu.memory_space<hbm>>
      %dma_start3A_54 = tpu.memref_squeeze %dma_start3A_53 : memref<1x40x128xi32, #tpu.memory_space<hbm>> -> memref<40x128xi32, #tpu.memory_space<hbm>>
      %dma_start3A_55 = arith.constant 0 : i32
      %dma_start3A_56 = arith.constant 0 : i32
      %dma_start3A_57 = tpu.memref_slice %arg4[%add3A, %dma_start3A_55, %dma_start3A_56] : memref<32x40x128xi32, #tpu.memory_space<hbm>> -> memref<1x40x128xi32, #tpu.memory_space<hbm>>
      %dma_start3A_58 = tpu.memref_squeeze %dma_start3A_57 : memref<1x40x128xi32, #tpu.memory_space<hbm>> -> memref<40x128xi32, #tpu.memory_space<hbm>>
      tpu.enqueue_dma source(%dma_start3A_58 : memref<40x128xi32, #tpu.memory_space<hbm>>) target(%arg8 : memref<40x128xi32, #tpu.memory_space<vmem>>) target_semaphore(%run_scoped3A : memref<!tpu.dma_semaphore, #tpu.memory_space<semaphore_mem>>)
      %dma_wait3A = arith.constant 0 : i32
      %dma_wait3A_59 = arith.constant 0 : i32
      %dma_wait3A_60 = tpu.memref_slice %arg4[%add3A, %dma_wait3A, %dma_wait3A_59] : memref<32x40x128xi32, #tpu.memory_space<hbm>> -> memref<1x40x128xi32, #tpu.memory_space<hbm>>
      %dma_wait3A_61 = tpu.memref_squeeze %dma_wait3A_60 : memref<1x40x128xi32, #tpu.memory_space<hbm>> -> memref<40x128xi32, #tpu.memory_space<hbm>>
      %dma_wait3A_62 = arith.constant 0 : i32
      %dma_wait3A_63 = arith.constant 0 : i32
      %dma_wait3A_64 = tpu.memref_slice %arg4[%add3A, %dma_wait3A_62, %dma_wait3A_63] : memref<32x40x128xi32, #tpu.memory_space<hbm>> -> memref<1x40x128xi32, #tpu.memory_space<hbm>>
      %dma_wait3A_65 = tpu.memref_squeeze %dma_wait3A_64 : memref<1x40x128xi32, #tpu.memory_space<hbm>> -> memref<40x128xi32, #tpu.memory_space<hbm>>
      tpu.wait_dma2 semaphore(%run_scoped3A : memref<!tpu.dma_semaphore, #tpu.memory_space<semaphore_mem>>) src(%dma_wait3A_65 : memref<40x128xi32, #tpu.memory_space<hbm>>) dst(%arg8 : memref<40x128xi32, #tpu.memory_space<vmem>>)
      tpu.yield
    }) : () -> ()
    "tpu.region"() ({
      %run_scoped3A = tpu.sem_alloc : memref<!tpu.dma_semaphore, #tpu.memory_space<semaphore_mem>>
      %dma_start3A_51 = arith.constant 0 : i32
      %dma_start3A_52 = arith.constant 0 : i32
      %dma_start3A_53 = tpu.memref_slice %arg5[%add3A, %dma_start3A_51, %dma_start3A_52] : memref<32x40x128xi32, #tpu.memory_space<hbm>> -> memref<1x40x128xi32, #tpu.memory_space<hbm>>
      %dma_start3A_54 = tpu.memref_squeeze %dma_start3A_53 : memref<1x40x128xi32, #tpu.memory_space<hbm>> -> memref<40x128xi32, #tpu.memory_space<hbm>>
      %dma_start3A_55 = arith.constant 0 : i32
      %dma_start3A_56 = arith.constant 0 : i32
      %dma_start3A_57 = tpu.memref_slice %arg5[%add3A, %dma_start3A_55, %dma_start3A_56] : memref<32x40x128xi32, #tpu.memory_space<hbm>> -> memref<1x40x128xi32, #tpu.memory_space<hbm>>
      %dma_start3A_58 = tpu.memref_squeeze %dma_start3A_57 : memref<1x40x128xi32, #tpu.memory_space<hbm>> -> memref<40x128xi32, #tpu.memory_space<hbm>>
      tpu.enqueue_dma source(%dma_start3A_58 : memref<40x128xi32, #tpu.memory_space<hbm>>) target(%arg9 : memref<40x128xi32, #tpu.memory_space<vmem>>) target_semaphore(%run_scoped3A : memref<!tpu.dma_semaphore, #tpu.memory_space<semaphore_mem>>)
      %dma_wait3A = arith.constant 0 : i32
      %dma_wait3A_59 = arith.constant 0 : i32
      %dma_wait3A_60 = tpu.memref_slice %arg5[%add3A, %dma_wait3A, %dma_wait3A_59] : memref<32x40x128xi32, #tpu.memory_space<hbm>> -> memref<1x40x128xi32, #tpu.memory_space<hbm>>
      %dma_wait3A_61 = tpu.memref_squeeze %dma_wait3A_60 : memref<1x40x128xi32, #tpu.memory_space<hbm>> -> memref<40x128xi32, #tpu.memory_space<hbm>>
      %dma_wait3A_62 = arith.constant 0 : i32
      %dma_wait3A_63 = arith.constant 0 : i32
      %dma_wait3A_64 = tpu.memref_slice %arg5[%add3A, %dma_wait3A_62, %dma_wait3A_63] : memref<32x40x128xi32, #tpu.memory_space<hbm>> -> memref<1x40x128xi32, #tpu.memory_space<hbm>>
      %dma_wait3A_65 = tpu.memref_squeeze %dma_wait3A_64 : memref<1x40x128xi32, #tpu.memory_space<hbm>> -> memref<40x128xi32, #tpu.memory_space<hbm>>
      tpu.wait_dma2 semaphore(%run_scoped3A : memref<!tpu.dma_semaphore, #tpu.memory_space<semaphore_mem>>) src(%dma_wait3A_65 : memref<40x128xi32, #tpu.memory_space<hbm>>) dst(%arg9 : memref<40x128xi32, #tpu.memory_space<vmem>>)
      tpu.yield
    }) : () -> ()
    %dma_start3A = arith.constant 0 : i32
    %dma_start3A_5 = arith.constant 0 : i32
    %dma_start3A_6 = tpu.memref_slice %arg8[%dma_start3A, %dma_start3A_5] : memref<40x128xi32, #tpu.memory_space<vmem>> -> memref<1x128xi32, #tpu.memory_space<vmem>>
    %dma_start3A_7 = tpu.memref_squeeze %dma_start3A_6 : memref<1x128xi32, #tpu.memory_space<vmem>> -> memref<128xi32, #tpu.memory_space<vmem>>
    %dma_start3A_8 = arith.constant 0 : i32
    %dma_start3A_9 = arith.constant 0 : i32
    %dma_start3A_10 = tpu.memref_slice %arg2[%dma_start3A_8, %dma_start3A_9] : memref<10000x128xf32, #tpu.memory_space<hbm>> -> memref<10000x128xf32, #tpu.memory_space<hbm>>
    tpu.enqueue_indirect_dma source(%dma_start3A_10 : memref<10000x128xf32, #tpu.memory_space<hbm>>) target(%arg10 : memref<128x128xf32, #tpu.memory_space<vmem>>) offsets(%dma_start3A_7 : memref<128xi32, #tpu.memory_space<vmem>>) semaphore(%arg16 : memref<!tpu.dma_semaphore, #tpu.memory_space<semaphore_mem>>)
    %dma_start3A_11 = arith.constant 0 : i32
    %dma_start3A_12 = arith.constant 0 : i32
    %dma_start3A_13 = tpu.memref_slice %arg9[%dma_start3A_11, %dma_start3A_12] : memref<40x128xi32, #tpu.memory_space<vmem>> -> memref<1x128xi32, #tpu.memory_space<vmem>>
    %dma_start3A_14 = tpu.memref_squeeze %dma_start3A_13 : memref<1x128xi32, #tpu.memory_space<vmem>> -> memref<128xi32, #tpu.memory_space<vmem>>
    %dma_start3A_15 = arith.constant 0 : i32
    %dma_start3A_16 = arith.constant 0 : i32
    %dma_start3A_17 = tpu.memref_slice %arg3[%dma_start3A_15, %dma_start3A_16] : memref<10000x128xf32, #tpu.memory_space<hbm>> -> memref<10000x128xf32, #tpu.memory_space<hbm>>
    tpu.enqueue_indirect_dma source(%dma_start3A_17 : memref<10000x128xf32, #tpu.memory_space<hbm>>) target(%arg13 : memref<128x128xf32, #tpu.memory_space<vmem>>) offsets(%dma_start3A_14 : memref<128xi32, #tpu.memory_space<vmem>>) semaphore(%arg16 : memref<!tpu.dma_semaphore, #tpu.memory_space<semaphore_mem>>)
    %dma_start3A_18 = arith.constant 1 : i32
    %dma_start3A_19 = arith.constant 0 : i32
    %dma_start3A_20 = tpu.memref_slice %arg8[%dma_start3A_18, %dma_start3A_19] : memref<40x128xi32, #tpu.memory_space<vmem>> -> memref<1x128xi32, #tpu.memory_space<vmem>>
    %dma_start3A_21 = tpu.memref_squeeze %dma_start3A_20 : memref<1x128xi32, #tpu.memory_space<vmem>> -> memref<128xi32, #tpu.memory_space<vmem>>
    %dma_start3A_22 = arith.constant 0 : i32
    %dma_start3A_23 = arith.constant 0 : i32
    %dma_start3A_24 = tpu.memref_slice %arg2[%dma_start3A_22, %dma_start3A_23] : memref<10000x128xf32, #tpu.memory_space<hbm>> -> memref<10000x128xf32, #tpu.memory_space<hbm>>
    tpu.enqueue_indirect_dma source(%dma_start3A_24 : memref<10000x128xf32, #tpu.memory_space<hbm>>) target(%arg11 : memref<128x128xf32, #tpu.memory_space<vmem>>) offsets(%dma_start3A_21 : memref<128xi32, #tpu.memory_space<vmem>>) semaphore(%arg17 : memref<!tpu.dma_semaphore, #tpu.memory_space<semaphore_mem>>)
    %dma_start3A_25 = arith.constant 1 : i32
    %dma_start3A_26 = arith.constant 0 : i32
    %dma_start3A_27 = tpu.memref_slice %arg9[%dma_start3A_25, %dma_start3A_26] : memref<40x128xi32, #tpu.memory_space<vmem>> -> memref<1x128xi32, #tpu.memory_space<vmem>>
    %dma_start3A_28 = tpu.memref_squeeze %dma_start3A_27 : memref<1x128xi32, #tpu.memory_space<vmem>> -> memref<128xi32, #tpu.memory_space<vmem>>
    %dma_start3A_29 = arith.constant 0 : i32
    %dma_start3A_30 = arith.constant 0 : i32
    %dma_start3A_31 = tpu.memref_slice %arg3[%dma_start3A_29, %dma_start3A_30] : memref<10000x128xf32, #tpu.memory_space<hbm>> -> memref<10000x128xf32, #tpu.memory_space<hbm>>
    tpu.enqueue_indirect_dma source(%dma_start3A_31 : memref<10000x128xf32, #tpu.memory_space<hbm>>) target(%arg14 : memref<128x128xf32, #tpu.memory_space<vmem>>) offsets(%dma_start3A_28 : memref<128xi32, #tpu.memory_space<vmem>>) semaphore(%arg17 : memref<!tpu.dma_semaphore, #tpu.memory_space<semaphore_mem>>)
    %dma_start3A_32 = arith.constant 2 : i32
    %dma_start3A_33 = arith.constant 0 : i32
    %dma_start3A_34 = tpu.memref_slice %arg8[%dma_start3A_32, %dma_start3A_33] : memref<40x128xi32, #tpu.memory_space<vmem>> -> memref<1x128xi32, #tpu.memory_space<vmem>>
    %dma_start3A_35 = tpu.memref_squeeze %dma_start3A_34 : memref<1x128xi32, #tpu.memory_space<vmem>> -> memref<128xi32, #tpu.memory_space<vmem>>
    %dma_start3A_36 = arith.constant 0 : i32
    %dma_start3A_37 = arith.constant 0 : i32
    %dma_start3A_38 = tpu.memref_slice %arg2[%dma_start3A_36, %dma_start3A_37] : memref<10000x128xf32, #tpu.memory_space<hbm>> -> memref<10000x128xf32, #tpu.memory_space<hbm>>
    tpu.enqueue_indirect_dma source(%dma_start3A_38 : memref<10000x128xf32, #tpu.memory_space<hbm>>) target(%arg12 : memref<128x128xf32, #tpu.memory_space<vmem>>) offsets(%dma_start3A_35 : memref<128xi32, #tpu.memory_space<vmem>>) semaphore(%arg18 : memref<!tpu.dma_semaphore, #tpu.memory_space<semaphore_mem>>)
    %dma_start3A_39 = arith.constant 2 : i32
    %dma_start3A_40 = arith.constant 0 : i32
    %dma_start3A_41 = tpu.memref_slice %arg9[%dma_start3A_39, %dma_start3A_40] : memref<40x128xi32, #tpu.memory_space<vmem>> -> memref<1x128xi32, #tpu.memory_space<vmem>>
    %dma_start3A_42 = tpu.memref_squeeze %dma_start3A_41 : memref<1x128xi32, #tpu.memory_space<vmem>> -> memref<128xi32, #tpu.memory_space<vmem>>
    %dma_start3A_43 = arith.constant 0 : i32
    %dma_start3A_44 = arith.constant 0 : i32
    %dma_start3A_45 = tpu.memref_slice %arg3[%dma_start3A_43, %dma_start3A_44] : memref<10000x128xf32, #tpu.memory_space<hbm>> -> memref<10000x128xf32, #tpu.memory_space<hbm>>
    tpu.enqueue_indirect_dma source(%dma_start3A_45 : memref<10000x128xf32, #tpu.memory_space<hbm>>) target(%arg15 : memref<128x128xf32, #tpu.memory_space<vmem>>) offsets(%dma_start3A_42 : memref<128xi32, #tpu.memory_space<vmem>>) semaphore(%arg18 : memref<!tpu.dma_semaphore, #tpu.memory_space<semaphore_mem>>)
    %scan3A = arith.constant 0 : i32
    %scan3A_46 = arith.constant 0 : i32
    %scan3A_47 = arith.constant 14 : i32
    %scan3A_48 = arith.addi %scan3A_46, %scan3A_47 : i32
    %scan3A_49 = arith.constant 1 : i32
    scf.for %scan3A_51 = %scan3A_46 to %scan3A_48 step %scan3A_49  : i32 {
      %mul3A_52 = arith.constant 3 : i32
      %mul3A_53 = arith.muli %scan3A_51, %mul3A_52 : i32
      %add3A_54 = arith.constant 0 : i32
      %add3A_55 = arith.addi %mul3A_53, %add3A_54 : i32
      %lt3A = arith.constant 40 : i32
      %lt3A_56 = arith.cmpi slt, %add3A_55, %lt3A : i32
      %convert_element_type3A = arith.extui %lt3A_56 : i1 to i32
      %cond3A = arith.constant 0 : i32
      %cond3A_57 = arith.cmpi ne, %convert_element_type3A, %cond3A : i32
      scf.if %cond3A_57 {
        %mul3A_76 = arith.constant 128 : i32
        %mul3A_77 = arith.muli %add3A_55, %mul3A_76 : i32
        %add3A_78 = arith.addi %mul3A_4, %mul3A_77 : i32
        %mul3A_79 = arith.constant 128 : i32
        %mul3A_80 = arith.muli %add3A_55, %mul3A_79 : i32
        %add3A_81 = arith.addi %mul3A_4, %mul3A_80 : i32
        %dma_wait3A = arith.constant 0 : i32
        %dma_wait3A_82 = tpu.memref_slice %arg8[%add3A_55, %dma_wait3A] : memref<40x128xi32, #tpu.memory_space<vmem>> -> memref<1x128xi32, #tpu.memory_space<vmem>>
        %dma_wait3A_83 = tpu.memref_squeeze %dma_wait3A_82 : memref<1x128xi32, #tpu.memory_space<vmem>> -> memref<128xi32, #tpu.memory_space<vmem>>
        %dma_wait3A_84 = arith.constant 0 : i32
        %dma_wait3A_85 = arith.constant 0 : i32
        %dma_wait3A_86 = tpu.memref_slice %arg2[%dma_wait3A_84, %dma_wait3A_85] : memref<10000x128xf32, #tpu.memory_space<hbm>> -> memref<10000x128xf32, #tpu.memory_space<hbm>>
        tpu.wait_indirect_dma semaphore(%arg16 : memref<!tpu.dma_semaphore, #tpu.memory_space<semaphore_mem>>) src(%dma_wait3A_86 : memref<10000x128xf32, #tpu.memory_space<hbm>>) dst(%arg10 : memref<128x128xf32, #tpu.memory_space<vmem>>)
        %dma_wait3A_87 = arith.constant 0 : i32
        %dma_wait3A_88 = tpu.memref_slice %arg9[%add3A_55, %dma_wait3A_87] : memref<40x128xi32, #tpu.memory_space<vmem>> -> memref<1x128xi32, #tpu.memory_space<vmem>>
        %dma_wait3A_89 = tpu.memref_squeeze %dma_wait3A_88 : memref<1x128xi32, #tpu.memory_space<vmem>> -> memref<128xi32, #tpu.memory_space<vmem>>
        %dma_wait3A_90 = arith.constant 0 : i32
        %dma_wait3A_91 = arith.constant 0 : i32
        %dma_wait3A_92 = tpu.memref_slice %arg3[%dma_wait3A_90, %dma_wait3A_91] : memref<10000x128xf32, #tpu.memory_space<hbm>> -> memref<10000x128xf32, #tpu.memory_space<hbm>>
        tpu.wait_indirect_dma semaphore(%arg16 : memref<!tpu.dma_semaphore, #tpu.memory_space<semaphore_mem>>) src(%dma_wait3A_92 : memref<10000x128xf32, #tpu.memory_space<hbm>>) dst(%arg13 : memref<128x128xf32, #tpu.memory_space<vmem>>)
        %dma_start3A_93 = arith.constant 0 : i32
        %dma_start3A_94 = tpu.memref_slice %arg6[%add3A_78, %dma_start3A_93] : memref<163840x128xf32, #tpu.memory_space<hbm>> -> memref<128x128xf32, #tpu.memory_space<hbm>>
        %dma_start3A_95 = arith.constant 0 : i32
        %dma_start3A_96 = tpu.memref_slice %arg6[%add3A_78, %dma_start3A_95] : memref<163840x128xf32, #tpu.memory_space<hbm>> -> memref<128x128xf32, #tpu.memory_space<hbm>>
        tpu.enqueue_dma source(%arg10 : memref<128x128xf32, #tpu.memory_space<vmem>>) target(%dma_start3A_96 : memref<128x128xf32, #tpu.memory_space<hbm>>) target_semaphore(%arg19 : memref<!tpu.dma_semaphore, #tpu.memory_space<semaphore_mem>>)
        %dma_start3A_97 = arith.constant 0 : i32
        %dma_start3A_98 = tpu.memref_slice %arg7[%add3A_81, %dma_start3A_97] : memref<163840x128xf32, #tpu.memory_space<hbm>> -> memref<128x128xf32, #tpu.memory_space<hbm>>
        %dma_start3A_99 = arith.constant 0 : i32
        %dma_start3A_100 = tpu.memref_slice %arg7[%add3A_81, %dma_start3A_99] : memref<163840x128xf32, #tpu.memory_space<hbm>> -> memref<128x128xf32, #tpu.memory_space<hbm>>
        tpu.enqueue_dma source(%arg13 : memref<128x128xf32, #tpu.memory_space<vmem>>) target(%dma_start3A_100 : memref<128x128xf32, #tpu.memory_space<hbm>>) target_semaphore(%arg19 : memref<!tpu.dma_semaphore, #tpu.memory_space<semaphore_mem>>)
        %dma_wait3A_101 = arith.constant 0 : i32
        %dma_wait3A_102 = tpu.memref_slice %arg6[%add3A_78, %dma_wait3A_101] : memref<163840x128xf32, #tpu.memory_space<hbm>> -> memref<128x128xf32, #tpu.memory_space<hbm>>
        %dma_wait3A_103 = arith.constant 0 : i32
        %dma_wait3A_104 = tpu.memref_slice %arg6[%add3A_78, %dma_wait3A_103] : memref<163840x128xf32, #tpu.memory_space<hbm>> -> memref<128x128xf32, #tpu.memory_space<hbm>>
        tpu.wait_dma2 semaphore(%arg19 : memref<!tpu.dma_semaphore, #tpu.memory_space<semaphore_mem>>) src(%arg10 : memref<128x128xf32, #tpu.memory_space<vmem>>) dst(%dma_wait3A_104 : memref<128x128xf32, #tpu.memory_space<hbm>>)
        %dma_wait3A_105 = arith.constant 0 : i32
        %dma_wait3A_106 = tpu.memref_slice %arg7[%add3A_81, %dma_wait3A_105] : memref<163840x128xf32, #tpu.memory_space<hbm>> -> memref<128x128xf32, #tpu.memory_space<hbm>>
        %dma_wait3A_107 = arith.constant 0 : i32
        %dma_wait3A_108 = tpu.memref_slice %arg7[%add3A_81, %dma_wait3A_107] : memref<163840x128xf32, #tpu.memory_space<hbm>> -> memref<128x128xf32, #tpu.memory_space<hbm>>
        tpu.wait_dma2 semaphore(%arg19 : memref<!tpu.dma_semaphore, #tpu.memory_space<semaphore_mem>>) src(%arg13 : memref<128x128xf32, #tpu.memory_space<vmem>>) dst(%dma_wait3A_108 : memref<128x128xf32, #tpu.memory_space<hbm>>)
        %add3A_109 = arith.constant 3 : i32
        %add3A_110 = arith.addi %add3A_55, %add3A_109 : i32
        %lt3A_111 = arith.constant 40 : i32
        %lt3A_112 = arith.cmpi slt, %add3A_110, %lt3A_111 : i32
        %convert_element_type3A_113 = arith.extui %lt3A_112 : i1 to i32
        %cond3A_114 = arith.constant 0 : i32
        %cond3A_115 = arith.cmpi ne, %convert_element_type3A_113, %cond3A_114 : i32
        scf.if %cond3A_115 {
          %add3A_116 = arith.constant 3 : i32
          %add3A_117 = arith.addi %add3A_55, %add3A_116 : i32
          %dma_start3A_118 = arith.constant 0 : i32
          %dma_start3A_119 = tpu.memref_slice %arg8[%add3A_117, %dma_start3A_118] : memref<40x128xi32, #tpu.memory_space<vmem>> -> memref<1x128xi32, #tpu.memory_space<vmem>>
          %dma_start3A_120 = tpu.memref_squeeze %dma_start3A_119 : memref<1x128xi32, #tpu.memory_space<vmem>> -> memref<128xi32, #tpu.memory_space<vmem>>
          %dma_start3A_121 = arith.constant 0 : i32
          %dma_start3A_122 = arith.constant 0 : i32
          %dma_start3A_123 = tpu.memref_slice %arg2[%dma_start3A_121, %dma_start3A_122] : memref<10000x128xf32, #tpu.memory_space<hbm>> -> memref<10000x128xf32, #tpu.memory_space<hbm>>
          tpu.enqueue_indirect_dma source(%dma_start3A_123 : memref<10000x128xf32, #tpu.memory_space<hbm>>) target(%arg10 : memref<128x128xf32, #tpu.memory_space<vmem>>) offsets(%dma_start3A_120 : memref<128xi32, #tpu.memory_space<vmem>>) semaphore(%arg16 : memref<!tpu.dma_semaphore, #tpu.memory_space<semaphore_mem>>)
          %dma_start3A_124 = arith.constant 0 : i32
          %dma_start3A_125 = tpu.memref_slice %arg9[%add3A_117, %dma_start3A_124] : memref<40x128xi32, #tpu.memory_space<vmem>> -> memref<1x128xi32, #tpu.memory_space<vmem>>
          %dma_start3A_126 = tpu.memref_squeeze %dma_start3A_125 : memref<1x128xi32, #tpu.memory_space<vmem>> -> memref<128xi32, #tpu.memory_space<vmem>>
          %dma_start3A_127 = arith.constant 0 : i32
          %dma_start3A_128 = arith.constant 0 : i32
          %dma_start3A_129 = tpu.memref_slice %arg3[%dma_start3A_127, %dma_start3A_128] : memref<10000x128xf32, #tpu.memory_space<hbm>> -> memref<10000x128xf32, #tpu.memory_space<hbm>>
          tpu.enqueue_indirect_dma source(%dma_start3A_129 : memref<10000x128xf32, #tpu.memory_space<hbm>>) target(%arg13 : memref<128x128xf32, #tpu.memory_space<vmem>>) offsets(%dma_start3A_126 : memref<128xi32, #tpu.memory_space<vmem>>) semaphore(%arg16 : memref<!tpu.dma_semaphore, #tpu.memory_space<semaphore_mem>>)
        } else {
        }
      } else {
      }
      %mul3A_58 = arith.constant 3 : i32
      %mul3A_59 = arith.muli %scan3A_51, %mul3A_58 : i32
      %add3A_60 = arith.constant 1 : i32
      %add3A_61 = arith.addi %mul3A_59, %add3A_60 : i32
      %lt3A_62 = arith.constant 40 : i32
      %lt3A_63 = arith.cmpi slt, %add3A_61, %lt3A_62 : i32
      %convert_element_type3A_64 = arith.extui %lt3A_63 : i1 to i32
      %cond3A_65 = arith.constant 0 : i32
      %cond3A_66 = arith.cmpi ne, %convert_element_type3A_64, %cond3A_65 : i32
      scf.if %cond3A_66 {
        %mul3A_76 = arith.constant 128 : i32
        %mul3A_77 = arith.muli %add3A_61, %mul3A_76 : i32
        %add3A_78 = arith.addi %mul3A_4, %mul3A_77 : i32
        %mul3A_79 = arith.constant 128 : i32
        %mul3A_80 = arith.muli %add3A_61, %mul3A_79 : i32
        %add3A_81 = arith.addi %mul3A_4, %mul3A_80 : i32
        %dma_wait3A = arith.constant 0 : i32
        %dma_wait3A_82 = tpu.memref_slice %arg8[%add3A_61, %dma_wait3A] : memref<40x128xi32, #tpu.memory_space<vmem>> -> memref<1x128xi32, #tpu.memory_space<vmem>>
        %dma_wait3A_83 = tpu.memref_squeeze %dma_wait3A_82 : memref<1x128xi32, #tpu.memory_space<vmem>> -> memref<128xi32, #tpu.memory_space<vmem>>
        %dma_wait3A_84 = arith.constant 0 : i32
        %dma_wait3A_85 = arith.constant 0 : i32
        %dma_wait3A_86 = tpu.memref_slice %arg2[%dma_wait3A_84, %dma_wait3A_85] : memref<10000x128xf32, #tpu.memory_space<hbm>> -> memref<10000x128xf32, #tpu.memory_space<hbm>>
        tpu.wait_indirect_dma semaphore(%arg17 : memref<!tpu.dma_semaphore, #tpu.memory_space<semaphore_mem>>) src(%dma_wait3A_86 : memref<10000x128xf32, #tpu.memory_space<hbm>>) dst(%arg11 : memref<128x128xf32, #tpu.memory_space<vmem>>)
        %dma_wait3A_87 = arith.constant 0 : i32
        %dma_wait3A_88 = tpu.memref_slice %arg9[%add3A_61, %dma_wait3A_87] : memref<40x128xi32, #tpu.memory_space<vmem>> -> memref<1x128xi32, #tpu.memory_space<vmem>>
        %dma_wait3A_89 = tpu.memref_squeeze %dma_wait3A_88 : memref<1x128xi32, #tpu.memory_space<vmem>> -> memref<128xi32, #tpu.memory_space<vmem>>
        %dma_wait3A_90 = arith.constant 0 : i32
        %dma_wait3A_91 = arith.constant 0 : i32
        %dma_wait3A_92 = tpu.memref_slice %arg3[%dma_wait3A_90, %dma_wait3A_91] : memref<10000x128xf32, #tpu.memory_space<hbm>> -> memref<10000x128xf32, #tpu.memory_space<hbm>>
        tpu.wait_indirect_dma semaphore(%arg17 : memref<!tpu.dma_semaphore, #tpu.memory_space<semaphore_mem>>) src(%dma_wait3A_92 : memref<10000x128xf32, #tpu.memory_space<hbm>>) dst(%arg14 : memref<128x128xf32, #tpu.memory_space<vmem>>)
        %dma_start3A_93 = arith.constant 0 : i32
        %dma_start3A_94 = tpu.memref_slice %arg6[%add3A_78, %dma_start3A_93] : memref<163840x128xf32, #tpu.memory_space<hbm>> -> memref<128x128xf32, #tpu.memory_space<hbm>>
        %dma_start3A_95 = arith.constant 0 : i32
        %dma_start3A_96 = tpu.memref_slice %arg6[%add3A_78, %dma_start3A_95] : memref<163840x128xf32, #tpu.memory_space<hbm>> -> memref<128x128xf32, #tpu.memory_space<hbm>>
        tpu.enqueue_dma source(%arg11 : memref<128x128xf32, #tpu.memory_space<vmem>>) target(%dma_start3A_96 : memref<128x128xf32, #tpu.memory_space<hbm>>) target_semaphore(%arg20 : memref<!tpu.dma_semaphore, #tpu.memory_space<semaphore_mem>>)
        %dma_start3A_97 = arith.constant 0 : i32
        %dma_start3A_98 = tpu.memref_slice %arg7[%add3A_81, %dma_start3A_97] : memref<163840x128xf32, #tpu.memory_space<hbm>> -> memref<128x128xf32, #tpu.memory_space<hbm>>
        %dma_start3A_99 = arith.constant 0 : i32
        %dma_start3A_100 = tpu.memref_slice %arg7[%add3A_81, %dma_start3A_99] : memref<163840x128xf32, #tpu.memory_space<hbm>> -> memref<128x128xf32, #tpu.memory_space<hbm>>
        tpu.enqueue_dma source(%arg14 : memref<128x128xf32, #tpu.memory_space<vmem>>) target(%dma_start3A_100 : memref<128x128xf32, #tpu.memory_space<hbm>>) target_semaphore(%arg20 : memref<!tpu.dma_semaphore, #tpu.memory_space<semaphore_mem>>)
        %dma_wait3A_101 = arith.constant 0 : i32
        %dma_wait3A_102 = tpu.memref_slice %arg6[%add3A_78, %dma_wait3A_101] : memref<163840x128xf32, #tpu.memory_space<hbm>> -> memref<128x128xf32, #tpu.memory_space<hbm>>
        %dma_wait3A_103 = arith.constant 0 : i32
        %dma_wait3A_104 = tpu.memref_slice %arg6[%add3A_78, %dma_wait3A_103] : memref<163840x128xf32, #tpu.memory_space<hbm>> -> memref<128x128xf32, #tpu.memory_space<hbm>>
        tpu.wait_dma2 semaphore(%arg20 : memref<!tpu.dma_semaphore, #tpu.memory_space<semaphore_mem>>) src(%arg11 : memref<128x128xf32, #tpu.memory_space<vmem>>) dst(%dma_wait3A_104 : memref<128x128xf32, #tpu.memory_space<hbm>>)
        %dma_wait3A_105 = arith.constant 0 : i32
        %dma_wait3A_106 = tpu.memref_slice %arg7[%add3A_81, %dma_wait3A_105] : memref<163840x128xf32, #tpu.memory_space<hbm>> -> memref<128x128xf32, #tpu.memory_space<hbm>>
        %dma_wait3A_107 = arith.constant 0 : i32
        %dma_wait3A_108 = tpu.memref_slice %arg7[%add3A_81, %dma_wait3A_107] : memref<163840x128xf32, #tpu.memory_space<hbm>> -> memref<128x128xf32, #tpu.memory_space<hbm>>
        tpu.wait_dma2 semaphore(%arg20 : memref<!tpu.dma_semaphore, #tpu.memory_space<semaphore_mem>>) src(%arg14 : memref<128x128xf32, #tpu.memory_space<vmem>>) dst(%dma_wait3A_108 : memref<128x128xf32, #tpu.memory_space<hbm>>)
        %add3A_109 = arith.constant 3 : i32
        %add3A_110 = arith.addi %add3A_61, %add3A_109 : i32
        %lt3A_111 = arith.constant 40 : i32
        %lt3A_112 = arith.cmpi slt, %add3A_110, %lt3A_111 : i32
        %convert_element_type3A_113 = arith.extui %lt3A_112 : i1 to i32
        %cond3A_114 = arith.constant 0 : i32
        %cond3A_115 = arith.cmpi ne, %convert_element_type3A_113, %cond3A_114 : i32
        scf.if %cond3A_115 {
          %add3A_116 = arith.constant 3 : i32
          %add3A_117 = arith.addi %add3A_61, %add3A_116 : i32
          %dma_start3A_118 = arith.constant 0 : i32
          %dma_start3A_119 = tpu.memref_slice %arg8[%add3A_117, %dma_start3A_118] : memref<40x128xi32, #tpu.memory_space<vmem>> -> memref<1x128xi32, #tpu.memory_space<vmem>>
          %dma_start3A_120 = tpu.memref_squeeze %dma_start3A_119 : memref<1x128xi32, #tpu.memory_space<vmem>> -> memref<128xi32, #tpu.memory_space<vmem>>
          %dma_start3A_121 = arith.constant 0 : i32
          %dma_start3A_122 = arith.constant 0 : i32
          %dma_start3A_123 = tpu.memref_slice %arg2[%dma_start3A_121, %dma_start3A_122] : memref<10000x128xf32, #tpu.memory_space<hbm>> -> memref<10000x128xf32, #tpu.memory_space<hbm>>
          tpu.enqueue_indirect_dma source(%dma_start3A_123 : memref<10000x128xf32, #tpu.memory_space<hbm>>) target(%arg11 : memref<128x128xf32, #tpu.memory_space<vmem>>) offsets(%dma_start3A_120 : memref<128xi32, #tpu.memory_space<vmem>>) semaphore(%arg17 : memref<!tpu.dma_semaphore, #tpu.memory_space<semaphore_mem>>)
          %dma_start3A_124 = arith.constant 0 : i32
          %dma_start3A_125 = tpu.memref_slice %arg9[%add3A_117, %dma_start3A_124] : memref<40x128xi32, #tpu.memory_space<vmem>> -> memref<1x128xi32, #tpu.memory_space<vmem>>
          %dma_start3A_126 = tpu.memref_squeeze %dma_start3A_125 : memref<1x128xi32, #tpu.memory_space<vmem>> -> memref<128xi32, #tpu.memory_space<vmem>>
          %dma_start3A_127 = arith.constant 0 : i32
          %dma_start3A_128 = arith.constant 0 : i32
          %dma_start3A_129 = tpu.memref_slice %arg3[%dma_start3A_127, %dma_start3A_128] : memref<10000x128xf32, #tpu.memory_space<hbm>> -> memref<10000x128xf32, #tpu.memory_space<hbm>>
          tpu.enqueue_indirect_dma source(%dma_start3A_129 : memref<10000x128xf32, #tpu.memory_space<hbm>>) target(%arg14 : memref<128x128xf32, #tpu.memory_space<vmem>>) offsets(%dma_start3A_126 : memref<128xi32, #tpu.memory_space<vmem>>) semaphore(%arg17 : memref<!tpu.dma_semaphore, #tpu.memory_space<semaphore_mem>>)
        } else {
        }
      } else {
      }
      %mul3A_67 = arith.constant 3 : i32
      %mul3A_68 = arith.muli %scan3A_51, %mul3A_67 : i32
      %add3A_69 = arith.constant 2 : i32
      %add3A_70 = arith.addi %mul3A_68, %add3A_69 : i32
      %lt3A_71 = arith.constant 40 : i32
      %lt3A_72 = arith.cmpi slt, %add3A_70, %lt3A_71 : i32
      %convert_element_type3A_73 = arith.extui %lt3A_72 : i1 to i32
      %cond3A_74 = arith.constant 0 : i32
      %cond3A_75 = arith.cmpi ne, %convert_element_type3A_73, %cond3A_74 : i32
      scf.if %cond3A_75 {
        %mul3A_76 = arith.constant 128 : i32
        %mul3A_77 = arith.muli %add3A_70, %mul3A_76 : i32
        %add3A_78 = arith.addi %mul3A_4, %mul3A_77 : i32
        %mul3A_79 = arith.constant 128 : i32
        %mul3A_80 = arith.muli %add3A_70, %mul3A_79 : i32
        %add3A_81 = arith.addi %mul3A_4, %mul3A_80 : i32
        %dma_wait3A = arith.constant 0 : i32
        %dma_wait3A_82 = tpu.memref_slice %arg8[%add3A_70, %dma_wait3A] : memref<40x128xi32, #tpu.memory_space<vmem>> -> memref<1x128xi32, #tpu.memory_space<vmem>>
        %dma_wait3A_83 = tpu.memref_squeeze %dma_wait3A_82 : memref<1x128xi32, #tpu.memory_space<vmem>> -> memref<128xi32, #tpu.memory_space<vmem>>
        %dma_wait3A_84 = arith.constant 0 : i32
        %dma_wait3A_85 = arith.constant 0 : i32
        %dma_wait3A_86 = tpu.memref_slice %arg2[%dma_wait3A_84, %dma_wait3A_85] : memref<10000x128xf32, #tpu.memory_space<hbm>> -> memref<10000x128xf32, #tpu.memory_space<hbm>>
        tpu.wait_indirect_dma semaphore(%arg18 : memref<!tpu.dma_semaphore, #tpu.memory_space<semaphore_mem>>) src(%dma_wait3A_86 : memref<10000x128xf32, #tpu.memory_space<hbm>>) dst(%arg12 : memref<128x128xf32, #tpu.memory_space<vmem>>)
        %dma_wait3A_87 = arith.constant 0 : i32
        %dma_wait3A_88 = tpu.memref_slice %arg9[%add3A_70, %dma_wait3A_87] : memref<40x128xi32, #tpu.memory_space<vmem>> -> memref<1x128xi32, #tpu.memory_space<vmem>>
        %dma_wait3A_89 = tpu.memref_squeeze %dma_wait3A_88 : memref<1x128xi32, #tpu.memory_space<vmem>> -> memref<128xi32, #tpu.memory_space<vmem>>
        %dma_wait3A_90 = arith.constant 0 : i32
        %dma_wait3A_91 = arith.constant 0 : i32
        %dma_wait3A_92 = tpu.memref_slice %arg3[%dma_wait3A_90, %dma_wait3A_91] : memref<10000x128xf32, #tpu.memory_space<hbm>> -> memref<10000x128xf32, #tpu.memory_space<hbm>>
        tpu.wait_indirect_dma semaphore(%arg18 : memref<!tpu.dma_semaphore, #tpu.memory_space<semaphore_mem>>) src(%dma_wait3A_92 : memref<10000x128xf32, #tpu.memory_space<hbm>>) dst(%arg15 : memref<128x128xf32, #tpu.memory_space<vmem>>)
        %dma_start3A_93 = arith.constant 0 : i32
        %dma_start3A_94 = tpu.memref_slice %arg6[%add3A_78, %dma_start3A_93] : memref<163840x128xf32, #tpu.memory_space<hbm>> -> memref<128x128xf32, #tpu.memory_space<hbm>>
        %dma_start3A_95 = arith.constant 0 : i32
        %dma_start3A_96 = tpu.memref_slice %arg6[%add3A_78, %dma_start3A_95] : memref<163840x128xf32, #tpu.memory_space<hbm>> -> memref<128x128xf32, #tpu.memory_space<hbm>>
        tpu.enqueue_dma source(%arg12 : memref<128x128xf32, #tpu.memory_space<vmem>>) target(%dma_start3A_96 : memref<128x128xf32, #tpu.memory_space<hbm>>) target_semaphore(%arg21 : memref<!tpu.dma_semaphore, #tpu.memory_space<semaphore_mem>>)
        %dma_start3A_97 = arith.constant 0 : i32
        %dma_start3A_98 = tpu.memref_slice %arg7[%add3A_81, %dma_start3A_97] : memref<163840x128xf32, #tpu.memory_space<hbm>> -> memref<128x128xf32, #tpu.memory_space<hbm>>
        %dma_start3A_99 = arith.constant 0 : i32
        %dma_start3A_100 = tpu.memref_slice %arg7[%add3A_81, %dma_start3A_99] : memref<163840x128xf32, #tpu.memory_space<hbm>> -> memref<128x128xf32, #tpu.memory_space<hbm>>
        tpu.enqueue_dma source(%arg15 : memref<128x128xf32, #tpu.memory_space<vmem>>) target(%dma_start3A_100 : memref<128x128xf32, #tpu.memory_space<hbm>>) target_semaphore(%arg21 : memref<!tpu.dma_semaphore, #tpu.memory_space<semaphore_mem>>)
        %dma_wait3A_101 = arith.constant 0 : i32
        %dma_wait3A_102 = tpu.memref_slice %arg6[%add3A_78, %dma_wait3A_101] : memref<163840x128xf32, #tpu.memory_space<hbm>> -> memref<128x128xf32, #tpu.memory_space<hbm>>
        %dma_wait3A_103 = arith.constant 0 : i32
        %dma_wait3A_104 = tpu.memref_slice %arg6[%add3A_78, %dma_wait3A_103] : memref<163840x128xf32, #tpu.memory_space<hbm>> -> memref<128x128xf32, #tpu.memory_space<hbm>>
        tpu.wait_dma2 semaphore(%arg21 : memref<!tpu.dma_semaphore, #tpu.memory_space<semaphore_mem>>) src(%arg12 : memref<128x128xf32, #tpu.memory_space<vmem>>) dst(%dma_wait3A_104 : memref<128x128xf32, #tpu.memory_space<hbm>>)
        %dma_wait3A_105 = arith.constant 0 : i32
        %dma_wait3A_106 = tpu.memref_slice %arg7[%add3A_81, %dma_wait3A_105] : memref<163840x128xf32, #tpu.memory_space<hbm>> -> memref<128x128xf32, #tpu.memory_space<hbm>>
        %dma_wait3A_107 = arith.constant 0 : i32
        %dma_wait3A_108 = tpu.memref_slice %arg7[%add3A_81, %dma_wait3A_107] : memref<163840x128xf32, #tpu.memory_space<hbm>> -> memref<128x128xf32, #tpu.memory_space<hbm>>
        tpu.wait_dma2 semaphore(%arg21 : memref<!tpu.dma_semaphore, #tpu.memory_space<semaphore_mem>>) src(%arg15 : memref<128x128xf32, #tpu.memory_space<vmem>>) dst(%dma_wait3A_108 : memref<128x128xf32, #tpu.memory_space<hbm>>)
        %add3A_109 = arith.constant 3 : i32
        %add3A_110 = arith.addi %add3A_70, %add3A_109 : i32
        %lt3A_111 = arith.constant 40 : i32
        %lt3A_112 = arith.cmpi slt, %add3A_110, %lt3A_111 : i32
        %convert_element_type3A_113 = arith.extui %lt3A_112 : i1 to i32
        %cond3A_114 = arith.constant 0 : i32
        %cond3A_115 = arith.cmpi ne, %convert_element_type3A_113, %cond3A_114 : i32
        scf.if %cond3A_115 {
          %add3A_116 = arith.constant 3 : i32
          %add3A_117 = arith.addi %add3A_70, %add3A_116 : i32
          %dma_start3A_118 = arith.constant 0 : i32
          %dma_start3A_119 = tpu.memref_slice %arg8[%add3A_117, %dma_start3A_118] : memref<40x128xi32, #tpu.memory_space<vmem>> -> memref<1x128xi32, #tpu.memory_space<vmem>>
          %dma_start3A_120 = tpu.memref_squeeze %dma_start3A_119 : memref<1x128xi32, #tpu.memory_space<vmem>> -> memref<128xi32, #tpu.memory_space<vmem>>
          %dma_start3A_121 = arith.constant 0 : i32
          %dma_start3A_122 = arith.constant 0 : i32
          %dma_start3A_123 = tpu.memref_slice %arg2[%dma_start3A_121, %dma_start3A_122] : memref<10000x128xf32, #tpu.memory_space<hbm>> -> memref<10000x128xf32, #tpu.memory_space<hbm>>
          tpu.enqueue_indirect_dma source(%dma_start3A_123 : memref<10000x128xf32, #tpu.memory_space<hbm>>) target(%arg12 : memref<128x128xf32, #tpu.memory_space<vmem>>) offsets(%dma_start3A_120 : memref<128xi32, #tpu.memory_space<vmem>>) semaphore(%arg18 : memref<!tpu.dma_semaphore, #tpu.memory_space<semaphore_mem>>)
          %dma_start3A_124 = arith.constant 0 : i32
          %dma_start3A_125 = tpu.memref_slice %arg9[%add3A_117, %dma_start3A_124] : memref<40x128xi32, #tpu.memory_space<vmem>> -> memref<1x128xi32, #tpu.memory_space<vmem>>
          %dma_start3A_126 = tpu.memref_squeeze %dma_start3A_125 : memref<1x128xi32, #tpu.memory_space<vmem>> -> memref<128xi32, #tpu.memory_space<vmem>>
          %dma_start3A_127 = arith.constant 0 : i32
          %dma_start3A_128 = arith.constant 0 : i32
          %dma_start3A_129 = tpu.memref_slice %arg3[%dma_start3A_127, %dma_start3A_128] : memref<10000x128xf32, #tpu.memory_space<hbm>> -> memref<10000x128xf32, #tpu.memory_space<hbm>>
          tpu.enqueue_indirect_dma source(%dma_start3A_129 : memref<10000x128xf32, #tpu.memory_space<hbm>>) target(%arg15 : memref<128x128xf32, #tpu.memory_space<vmem>>) offsets(%dma_start3A_126 : memref<128xi32, #tpu.memory_space<vmem>>) semaphore(%arg18 : memref<!tpu.dma_semaphore, #tpu.memory_space<semaphore_mem>>)
        } else {
        }
      } else {
      }
    }
    %scan3A_50 = arith.constant 14 : i32
    return
  }
}

#map = affine_map<(d0, d1) -> (0, 0)>
#map1 = affine_map<(d0, d1) -> (0, 0, 0)>
module attributes {stable_mosaic.version = 14 : i64} {
  func.func @_gather_body(%arg0: i32, %arg1: i32, %arg2: memref<10000x128xf32, #tpu.memory_space<hbm>>, %arg3: memref<10000x128xf32, #tpu.memory_space<hbm>>, %arg4: memref<32x40x128xi32, #tpu.memory_space<hbm>>, %arg5: memref<32x40x128xi32, #tpu.memory_space<hbm>>, %arg6: memref<163840x128xf32, #tpu.memory_space<hbm>>, %arg7: memref<163840x128xf32, #tpu.memory_space<hbm>>, %arg8: memref<40x128xi32, #tpu.memory_space<vmem>>, %arg9: memref<40x128xi32, #tpu.memory_space<vmem>>, %arg10: memref<128x128xf32, #tpu.memory_space<vmem>>, %arg11: memref<128x128xf32, #tpu.memory_space<vmem>>, %arg12: memref<128x128xf32, #tpu.memory_space<vmem>>, %arg13: memref<128x128xf32, #tpu.memory_space<vmem>>, %arg14: memref<128x128xf32, #tpu.memory_space<vmem>>, %arg15: memref<128x128xf32, #tpu.memory_space<vmem>>, %arg16: memref<!tpu.dma_semaphore, #tpu.memory_space<semaphore_mem>>, %arg17: memref<!tpu.dma_semaphore, #tpu.memory_space<semaphore_mem>>, %arg18: memref<!tpu.dma_semaphore, #tpu.memory_space<semaphore_mem>>, %arg19: memref<!tpu.dma_semaphore, #tpu.memory_space<semaphore_mem>>, %arg20: memref<!tpu.dma_semaphore, #tpu.memory_space<semaphore_mem>>, %arg21: memref<!tpu.dma_semaphore, #tpu.memory_space<semaphore_mem>>) attributes {dimension_semantics = [#tpu.dimension_semantics<core_parallel>, #tpu.dimension_semantics<subcore_parallel>], iteration_bounds = array<i64: 2, 16>, scalar_prefetch = 0 : i64, scratch_operands = 14 : i64, tpu.core_type = #tpu.core_type<sc_vector_subcore>, window_params = [{transform_indices = #map}, {transform_indices = #map}, {transform_indices = #map1}, {transform_indices = #map1}, {transform_indices = #map}, {transform_indices = #map}]} {
    %mul3A = arith.constant 16 : i32
    %mul3A_0 = arith.muli %arg0, %mul3A : i32
    %add3A = arith.addi %mul3A_0, %arg1 : i32
    %mul3A_1 = arith.constant 40 : i32
    %mul3A_2 = arith.muli %add3A, %mul3A_1 : i32
    %mul3A_3 = arith.constant 128 : i32
    %mul3A_4 = arith.muli %mul3A_2, %mul3A_3 : i32
    "tpu.region"() ({
      %run_scoped3A = tpu.sem_alloc : memref<!tpu.dma_semaphore, #tpu.memory_space<semaphore_mem>>
      %dma_start3A_51 = arith.constant 0 : i32
      %dma_start3A_52 = arith.constant 0 : i32
      %dma_start3A_53 = tpu.memref_slice %arg4[%add3A, %dma_start3A_51, %dma_start3A_52] : memref<32x40x128xi32, #tpu.memory_space<hbm>> -> memref<1x40x128xi32, #tpu.memory_space<hbm>>
      %dma_start3A_54 = tpu.memref_squeeze %dma_start3A_53 : memref<1x40x128xi32, #tpu.memory_space<hbm>> -> memref<40x128xi32, #tpu.memory_space<hbm>>
      %dma_start3A_55 = arith.constant 0 : i32
      %dma_start3A_56 = arith.constant 0 : i32
      %dma_start3A_57 = tpu.memref_slice %arg4[%add3A, %dma_start3A_55, %dma_start3A_56] : memref<32x40x128xi32, #tpu.memory_space<hbm>> -> memref<1x40x128xi32, #tpu.memory_space<hbm>>
      %dma_start3A_58 = tpu.memref_squeeze %dma_start3A_57 : memref<1x40x128xi32, #tpu.memory_space<hbm>> -> memref<40x128xi32, #tpu.memory_space<hbm>>
      tpu.enqueue_dma source(%dma_start3A_58 : memref<40x128xi32, #tpu.memory_space<hbm>>) target(%arg8 : memref<40x128xi32, #tpu.memory_space<vmem>>) target_semaphore(%run_scoped3A : memref<!tpu.dma_semaphore, #tpu.memory_space<semaphore_mem>>)
      %dma_wait3A = arith.constant 0 : i32
      %dma_wait3A_59 = arith.constant 0 : i32
      %dma_wait3A_60 = tpu.memref_slice %arg4[%add3A, %dma_wait3A, %dma_wait3A_59] : memref<32x40x128xi32, #tpu.memory_space<hbm>> -> memref<1x40x128xi32, #tpu.memory_space<hbm>>
      %dma_wait3A_61 = tpu.memref_squeeze %dma_wait3A_60 : memref<1x40x128xi32, #tpu.memory_space<hbm>> -> memref<40x128xi32, #tpu.memory_space<hbm>>
      %dma_wait3A_62 = arith.constant 0 : i32
      %dma_wait3A_63 = arith.constant 0 : i32
      %dma_wait3A_64 = tpu.memref_slice %arg4[%add3A, %dma_wait3A_62, %dma_wait3A_63] : memref<32x40x128xi32, #tpu.memory_space<hbm>> -> memref<1x40x128xi32, #tpu.memory_space<hbm>>
      %dma_wait3A_65 = tpu.memref_squeeze %dma_wait3A_64 : memref<1x40x128xi32, #tpu.memory_space<hbm>> -> memref<40x128xi32, #tpu.memory_space<hbm>>
      tpu.wait_dma2 semaphore(%run_scoped3A : memref<!tpu.dma_semaphore, #tpu.memory_space<semaphore_mem>>) src(%dma_wait3A_65 : memref<40x128xi32, #tpu.memory_space<hbm>>) dst(%arg8 : memref<40x128xi32, #tpu.memory_space<vmem>>)
      tpu.yield
    }) : () -> ()
    "tpu.region"() ({
      %run_scoped3A = tpu.sem_alloc : memref<!tpu.dma_semaphore, #tpu.memory_space<semaphore_mem>>
      %dma_start3A_51 = arith.constant 0 : i32
      %dma_start3A_52 = arith.constant 0 : i32
      %dma_start3A_53 = tpu.memref_slice %arg5[%add3A, %dma_start3A_51, %dma_start3A_52] : memref<32x40x128xi32, #tpu.memory_space<hbm>> -> memref<1x40x128xi32, #tpu.memory_space<hbm>>
      %dma_start3A_54 = tpu.memref_squeeze %dma_start3A_53 : memref<1x40x128xi32, #tpu.memory_space<hbm>> -> memref<40x128xi32, #tpu.memory_space<hbm>>
      %dma_start3A_55 = arith.constant 0 : i32
      %dma_start3A_56 = arith.constant 0 : i32
      %dma_start3A_57 = tpu.memref_slice %arg5[%add3A, %dma_start3A_55, %dma_start3A_56] : memref<32x40x128xi32, #tpu.memory_space<hbm>> -> memref<1x40x128xi32, #tpu.memory_space<hbm>>
      %dma_start3A_58 = tpu.memref_squeeze %dma_start3A_57 : memref<1x40x128xi32, #tpu.memory_space<hbm>> -> memref<40x128xi32, #tpu.memory_space<hbm>>
      tpu.enqueue_dma source(%dma_start3A_58 : memref<40x128xi32, #tpu.memory_space<hbm>>) target(%arg9 : memref<40x128xi32, #tpu.memory_space<vmem>>) target_semaphore(%run_scoped3A : memref<!tpu.dma_semaphore, #tpu.memory_space<semaphore_mem>>)
      %dma_wait3A = arith.constant 0 : i32
      %dma_wait3A_59 = arith.constant 0 : i32
      %dma_wait3A_60 = tpu.memref_slice %arg5[%add3A, %dma_wait3A, %dma_wait3A_59] : memref<32x40x128xi32, #tpu.memory_space<hbm>> -> memref<1x40x128xi32, #tpu.memory_space<hbm>>
      %dma_wait3A_61 = tpu.memref_squeeze %dma_wait3A_60 : memref<1x40x128xi32, #tpu.memory_space<hbm>> -> memref<40x128xi32, #tpu.memory_space<hbm>>
      %dma_wait3A_62 = arith.constant 0 : i32
      %dma_wait3A_63 = arith.constant 0 : i32
      %dma_wait3A_64 = tpu.memref_slice %arg5[%add3A, %dma_wait3A_62, %dma_wait3A_63] : memref<32x40x128xi32, #tpu.memory_space<hbm>> -> memref<1x40x128xi32, #tpu.memory_space<hbm>>
      %dma_wait3A_65 = tpu.memref_squeeze %dma_wait3A_64 : memref<1x40x128xi32, #tpu.memory_space<hbm>> -> memref<40x128xi32, #tpu.memory_space<hbm>>
      tpu.wait_dma2 semaphore(%run_scoped3A : memref<!tpu.dma_semaphore, #tpu.memory_space<semaphore_mem>>) src(%dma_wait3A_65 : memref<40x128xi32, #tpu.memory_space<hbm>>) dst(%arg9 : memref<40x128xi32, #tpu.memory_space<vmem>>)
      tpu.yield
    }) : () -> ()
    %dma_start3A = arith.constant 0 : i32
    %dma_start3A_5 = arith.constant 0 : i32
    %dma_start3A_6 = tpu.memref_slice %arg8[%dma_start3A, %dma_start3A_5] : memref<40x128xi32, #tpu.memory_space<vmem>> -> memref<1x128xi32, #tpu.memory_space<vmem>>
    %dma_start3A_7 = tpu.memref_squeeze %dma_start3A_6 : memref<1x128xi32, #tpu.memory_space<vmem>> -> memref<128xi32, #tpu.memory_space<vmem>>
    %dma_start3A_8 = arith.constant 0 : i32
    %dma_start3A_9 = arith.constant 0 : i32
    %dma_start3A_10 = tpu.memref_slice %arg2[%dma_start3A_8, %dma_start3A_9] : memref<10000x128xf32, #tpu.memory_space<hbm>> -> memref<10000x128xf32, #tpu.memory_space<hbm>>
    tpu.enqueue_indirect_dma source(%dma_start3A_10 : memref<10000x128xf32, #tpu.memory_space<hbm>>) target(%arg10 : memref<128x128xf32, #tpu.memory_space<vmem>>) offsets(%dma_start3A_7 : memref<128xi32, #tpu.memory_space<vmem>>) semaphore(%arg16 : memref<!tpu.dma_semaphore, #tpu.memory_space<semaphore_mem>>)
    %dma_start3A_11 = arith.constant 0 : i32
    %dma_start3A_12 = arith.constant 0 : i32
    %dma_start3A_13 = tpu.memref_slice %arg9[%dma_start3A_11, %dma_start3A_12] : memref<40x128xi32, #tpu.memory_space<vmem>> -> memref<1x128xi32, #tpu.memory_space<vmem>>
    %dma_start3A_14 = tpu.memref_squeeze %dma_start3A_13 : memref<1x128xi32, #tpu.memory_space<vmem>> -> memref<128xi32, #tpu.memory_space<vmem>>
    %dma_start3A_15 = arith.constant 0 : i32
    %dma_start3A_16 = arith.constant 0 : i32
    %dma_start3A_17 = tpu.memref_slice %arg3[%dma_start3A_15, %dma_start3A_16] : memref<10000x128xf32, #tpu.memory_space<hbm>> -> memref<10000x128xf32, #tpu.memory_space<hbm>>
    tpu.enqueue_indirect_dma source(%dma_start3A_17 : memref<10000x128xf32, #tpu.memory_space<hbm>>) target(%arg13 : memref<128x128xf32, #tpu.memory_space<vmem>>) offsets(%dma_start3A_14 : memref<128xi32, #tpu.memory_space<vmem>>) semaphore(%arg16 : memref<!tpu.dma_semaphore, #tpu.memory_space<semaphore_mem>>)
    %dma_start3A_18 = arith.constant 1 : i32
    %dma_start3A_19 = arith.constant 0 : i32
    %dma_start3A_20 = tpu.memref_slice %arg8[%dma_start3A_18, %dma_start3A_19] : memref<40x128xi32, #tpu.memory_space<vmem>> -> memref<1x128xi32, #tpu.memory_space<vmem>>
    %dma_start3A_21 = tpu.memref_squeeze %dma_start3A_20 : memref<1x128xi32, #tpu.memory_space<vmem>> -> memref<128xi32, #tpu.memory_space<vmem>>
    %dma_start3A_22 = arith.constant 0 : i32
    %dma_start3A_23 = arith.constant 0 : i32
    %dma_start3A_24 = tpu.memref_slice %arg2[%dma_start3A_22, %dma_start3A_23] : memref<10000x128xf32, #tpu.memory_space<hbm>> -> memref<10000x128xf32, #tpu.memory_space<hbm>>
    tpu.enqueue_indirect_dma source(%dma_start3A_24 : memref<10000x128xf32, #tpu.memory_space<hbm>>) target(%arg11 : memref<128x128xf32, #tpu.memory_space<vmem>>) offsets(%dma_start3A_21 : memref<128xi32, #tpu.memory_space<vmem>>) semaphore(%arg17 : memref<!tpu.dma_semaphore, #tpu.memory_space<semaphore_mem>>)
    %dma_start3A_25 = arith.constant 1 : i32
    %dma_start3A_26 = arith.constant 0 : i32
    %dma_start3A_27 = tpu.memref_slice %arg9[%dma_start3A_25, %dma_start3A_26] : memref<40x128xi32, #tpu.memory_space<vmem>> -> memref<1x128xi32, #tpu.memory_space<vmem>>
    %dma_start3A_28 = tpu.memref_squeeze %dma_start3A_27 : memref<1x128xi32, #tpu.memory_space<vmem>> -> memref<128xi32, #tpu.memory_space<vmem>>
    %dma_start3A_29 = arith.constant 0 : i32
    %dma_start3A_30 = arith.constant 0 : i32
    %dma_start3A_31 = tpu.memref_slice %arg3[%dma_start3A_29, %dma_start3A_30] : memref<10000x128xf32, #tpu.memory_space<hbm>> -> memref<10000x128xf32, #tpu.memory_space<hbm>>
    tpu.enqueue_indirect_dma source(%dma_start3A_31 : memref<10000x128xf32, #tpu.memory_space<hbm>>) target(%arg14 : memref<128x128xf32, #tpu.memory_space<vmem>>) offsets(%dma_start3A_28 : memref<128xi32, #tpu.memory_space<vmem>>) semaphore(%arg17 : memref<!tpu.dma_semaphore, #tpu.memory_space<semaphore_mem>>)
    %dma_start3A_32 = arith.constant 2 : i32
    %dma_start3A_33 = arith.constant 0 : i32
    %dma_start3A_34 = tpu.memref_slice %arg8[%dma_start3A_32, %dma_start3A_33] : memref<40x128xi32, #tpu.memory_space<vmem>> -> memref<1x128xi32, #tpu.memory_space<vmem>>
    %dma_start3A_35 = tpu.memref_squeeze %dma_start3A_34 : memref<1x128xi32, #tpu.memory_space<vmem>> -> memref<128xi32, #tpu.memory_space<vmem>>
    %dma_start3A_36 = arith.constant 0 : i32
    %dma_start3A_37 = arith.constant 0 : i32
    %dma_start3A_38 = tpu.memref_slice %arg2[%dma_start3A_36, %dma_start3A_37] : memref<10000x128xf32, #tpu.memory_space<hbm>> -> memref<10000x128xf32, #tpu.memory_space<hbm>>
    tpu.enqueue_indirect_dma source(%dma_start3A_38 : memref<10000x128xf32, #tpu.memory_space<hbm>>) target(%arg12 : memref<128x128xf32, #tpu.memory_space<vmem>>) offsets(%dma_start3A_35 : memref<128xi32, #tpu.memory_space<vmem>>) semaphore(%arg18 : memref<!tpu.dma_semaphore, #tpu.memory_space<semaphore_mem>>)
    %dma_start3A_39 = arith.constant 2 : i32
    %dma_start3A_40 = arith.constant 0 : i32
    %dma_start3A_41 = tpu.memref_slice %arg9[%dma_start3A_39, %dma_start3A_40] : memref<40x128xi32, #tpu.memory_space<vmem>> -> memref<1x128xi32, #tpu.memory_space<vmem>>
    %dma_start3A_42 = tpu.memref_squeeze %dma_start3A_41 : memref<1x128xi32, #tpu.memory_space<vmem>> -> memref<128xi32, #tpu.memory_space<vmem>>
    %dma_start3A_43 = arith.constant 0 : i32
    %dma_start3A_44 = arith.constant 0 : i32
    %dma_start3A_45 = tpu.memref_slice %arg3[%dma_start3A_43, %dma_start3A_44] : memref<10000x128xf32, #tpu.memory_space<hbm>> -> memref<10000x128xf32, #tpu.memory_space<hbm>>
    tpu.enqueue_indirect_dma source(%dma_start3A_45 : memref<10000x128xf32, #tpu.memory_space<hbm>>) target(%arg15 : memref<128x128xf32, #tpu.memory_space<vmem>>) offsets(%dma_start3A_42 : memref<128xi32, #tpu.memory_space<vmem>>) semaphore(%arg18 : memref<!tpu.dma_semaphore, #tpu.memory_space<semaphore_mem>>)
    %scan3A = arith.constant 0 : i32
    %scan3A_46 = arith.constant 0 : i32
    %scan3A_47 = arith.constant 14 : i32
    %scan3A_48 = arith.addi %scan3A_46, %scan3A_47 : i32
    %scan3A_49 = arith.constant 1 : i32
    scf.for %scan3A_51 = %scan3A_46 to %scan3A_48 step %scan3A_49  : i32 {
      %mul3A_52 = arith.constant 3 : i32
      %mul3A_53 = arith.muli %scan3A_51, %mul3A_52 : i32
      %add3A_54 = arith.constant 0 : i32
      %add3A_55 = arith.addi %mul3A_53, %add3A_54 : i32
      %lt3A = arith.constant 40 : i32
      %lt3A_56 = arith.cmpi slt, %add3A_55, %lt3A : i32
      %convert_element_type3A = arith.extui %lt3A_56 : i1 to i32
      %cond3A = arith.constant 0 : i32
      %cond3A_57 = arith.cmpi ne, %convert_element_type3A, %cond3A : i32
      scf.if %cond3A_57 {
        %mul3A_76 = arith.constant 128 : i32
        %mul3A_77 = arith.muli %add3A_55, %mul3A_76 : i32
        %add3A_78 = arith.addi %mul3A_4, %mul3A_77 : i32
        %mul3A_79 = arith.constant 128 : i32
        %mul3A_80 = arith.muli %add3A_55, %mul3A_79 : i32
        %add3A_81 = arith.addi %mul3A_4, %mul3A_80 : i32
        %dma_wait3A = arith.constant 0 : i32
        %dma_wait3A_82 = tpu.memref_slice %arg8[%add3A_55, %dma_wait3A] : memref<40x128xi32, #tpu.memory_space<vmem>> -> memref<1x128xi32, #tpu.memory_space<vmem>>
        %dma_wait3A_83 = tpu.memref_squeeze %dma_wait3A_82 : memref<1x128xi32, #tpu.memory_space<vmem>> -> memref<128xi32, #tpu.memory_space<vmem>>
        %dma_wait3A_84 = arith.constant 0 : i32
        %dma_wait3A_85 = arith.constant 0 : i32
        %dma_wait3A_86 = tpu.memref_slice %arg2[%dma_wait3A_84, %dma_wait3A_85] : memref<10000x128xf32, #tpu.memory_space<hbm>> -> memref<10000x128xf32, #tpu.memory_space<hbm>>
        tpu.wait_indirect_dma semaphore(%arg16 : memref<!tpu.dma_semaphore, #tpu.memory_space<semaphore_mem>>) src(%dma_wait3A_86 : memref<10000x128xf32, #tpu.memory_space<hbm>>) dst(%arg10 : memref<128x128xf32, #tpu.memory_space<vmem>>)
        %dma_wait3A_87 = arith.constant 0 : i32
        %dma_wait3A_88 = tpu.memref_slice %arg9[%add3A_55, %dma_wait3A_87] : memref<40x128xi32, #tpu.memory_space<vmem>> -> memref<1x128xi32, #tpu.memory_space<vmem>>
        %dma_wait3A_89 = tpu.memref_squeeze %dma_wait3A_88 : memref<1x128xi32, #tpu.memory_space<vmem>> -> memref<128xi32, #tpu.memory_space<vmem>>
        %dma_wait3A_90 = arith.constant 0 : i32
        %dma_wait3A_91 = arith.constant 0 : i32
        %dma_wait3A_92 = tpu.memref_slice %arg3[%dma_wait3A_90, %dma_wait3A_91] : memref<10000x128xf32, #tpu.memory_space<hbm>> -> memref<10000x128xf32, #tpu.memory_space<hbm>>
        tpu.wait_indirect_dma semaphore(%arg16 : memref<!tpu.dma_semaphore, #tpu.memory_space<semaphore_mem>>) src(%dma_wait3A_92 : memref<10000x128xf32, #tpu.memory_space<hbm>>) dst(%arg13 : memref<128x128xf32, #tpu.memory_space<vmem>>)
        %dma_start3A_93 = arith.constant 0 : i32
        %dma_start3A_94 = tpu.memref_slice %arg6[%add3A_78, %dma_start3A_93] : memref<163840x128xf32, #tpu.memory_space<hbm>> -> memref<128x128xf32, #tpu.memory_space<hbm>>
        %dma_start3A_95 = arith.constant 0 : i32
        %dma_start3A_96 = tpu.memref_slice %arg6[%add3A_78, %dma_start3A_95] : memref<163840x128xf32, #tpu.memory_space<hbm>> -> memref<128x128xf32, #tpu.memory_space<hbm>>
        tpu.enqueue_dma source(%arg10 : memref<128x128xf32, #tpu.memory_space<vmem>>) target(%dma_start3A_96 : memref<128x128xf32, #tpu.memory_space<hbm>>) target_semaphore(%arg19 : memref<!tpu.dma_semaphore, #tpu.memory_space<semaphore_mem>>)
        %dma_start3A_97 = arith.constant 0 : i32
        %dma_start3A_98 = tpu.memref_slice %arg7[%add3A_81, %dma_start3A_97] : memref<163840x128xf32, #tpu.memory_space<hbm>> -> memref<128x128xf32, #tpu.memory_space<hbm>>
        %dma_start3A_99 = arith.constant 0 : i32
        %dma_start3A_100 = tpu.memref_slice %arg7[%add3A_81, %dma_start3A_99] : memref<163840x128xf32, #tpu.memory_space<hbm>> -> memref<128x128xf32, #tpu.memory_space<hbm>>
        tpu.enqueue_dma source(%arg13 : memref<128x128xf32, #tpu.memory_space<vmem>>) target(%dma_start3A_100 : memref<128x128xf32, #tpu.memory_space<hbm>>) target_semaphore(%arg19 : memref<!tpu.dma_semaphore, #tpu.memory_space<semaphore_mem>>)
        %dma_wait3A_101 = arith.constant 0 : i32
        %dma_wait3A_102 = tpu.memref_slice %arg6[%add3A_78, %dma_wait3A_101] : memref<163840x128xf32, #tpu.memory_space<hbm>> -> memref<128x128xf32, #tpu.memory_space<hbm>>
        %dma_wait3A_103 = arith.constant 0 : i32
        %dma_wait3A_104 = tpu.memref_slice %arg6[%add3A_78, %dma_wait3A_103] : memref<163840x128xf32, #tpu.memory_space<hbm>> -> memref<128x128xf32, #tpu.memory_space<hbm>>
        tpu.wait_dma2 semaphore(%arg19 : memref<!tpu.dma_semaphore, #tpu.memory_space<semaphore_mem>>) src(%arg10 : memref<128x128xf32, #tpu.memory_space<vmem>>) dst(%dma_wait3A_104 : memref<128x128xf32, #tpu.memory_space<hbm>>)
        %dma_wait3A_105 = arith.constant 0 : i32
        %dma_wait3A_106 = tpu.memref_slice %arg7[%add3A_81, %dma_wait3A_105] : memref<163840x128xf32, #tpu.memory_space<hbm>> -> memref<128x128xf32, #tpu.memory_space<hbm>>
        %dma_wait3A_107 = arith.constant 0 : i32
        %dma_wait3A_108 = tpu.memref_slice %arg7[%add3A_81, %dma_wait3A_107] : memref<163840x128xf32, #tpu.memory_space<hbm>> -> memref<128x128xf32, #tpu.memory_space<hbm>>
        tpu.wait_dma2 semaphore(%arg19 : memref<!tpu.dma_semaphore, #tpu.memory_space<semaphore_mem>>) src(%arg13 : memref<128x128xf32, #tpu.memory_space<vmem>>) dst(%dma_wait3A_108 : memref<128x128xf32, #tpu.memory_space<hbm>>)
        %add3A_109 = arith.constant 3 : i32
        %add3A_110 = arith.addi %add3A_55, %add3A_109 : i32
        %lt3A_111 = arith.constant 40 : i32
        %lt3A_112 = arith.cmpi slt, %add3A_110, %lt3A_111 : i32
        %convert_element_type3A_113 = arith.extui %lt3A_112 : i1 to i32
        %cond3A_114 = arith.constant 0 : i32
        %cond3A_115 = arith.cmpi ne, %convert_element_type3A_113, %cond3A_114 : i32
        scf.if %cond3A_115 {
          %add3A_116 = arith.constant 3 : i32
          %add3A_117 = arith.addi %add3A_55, %add3A_116 : i32
          %dma_start3A_118 = arith.constant 0 : i32
          %dma_start3A_119 = tpu.memref_slice %arg8[%add3A_117, %dma_start3A_118] : memref<40x128xi32, #tpu.memory_space<vmem>> -> memref<1x128xi32, #tpu.memory_space<vmem>>
          %dma_start3A_120 = tpu.memref_squeeze %dma_start3A_119 : memref<1x128xi32, #tpu.memory_space<vmem>> -> memref<128xi32, #tpu.memory_space<vmem>>
          %dma_start3A_121 = arith.constant 0 : i32
          %dma_start3A_122 = arith.constant 0 : i32
          %dma_start3A_123 = tpu.memref_slice %arg2[%dma_start3A_121, %dma_start3A_122] : memref<10000x128xf32, #tpu.memory_space<hbm>> -> memref<10000x128xf32, #tpu.memory_space<hbm>>
          tpu.enqueue_indirect_dma source(%dma_start3A_123 : memref<10000x128xf32, #tpu.memory_space<hbm>>) target(%arg10 : memref<128x128xf32, #tpu.memory_space<vmem>>) offsets(%dma_start3A_120 : memref<128xi32, #tpu.memory_space<vmem>>) semaphore(%arg16 : memref<!tpu.dma_semaphore, #tpu.memory_space<semaphore_mem>>)
          %dma_start3A_124 = arith.constant 0 : i32
          %dma_start3A_125 = tpu.memref_slice %arg9[%add3A_117, %dma_start3A_124] : memref<40x128xi32, #tpu.memory_space<vmem>> -> memref<1x128xi32, #tpu.memory_space<vmem>>
          %dma_start3A_126 = tpu.memref_squeeze %dma_start3A_125 : memref<1x128xi32, #tpu.memory_space<vmem>> -> memref<128xi32, #tpu.memory_space<vmem>>
          %dma_start3A_127 = arith.constant 0 : i32
          %dma_start3A_128 = arith.constant 0 : i32
          %dma_start3A_129 = tpu.memref_slice %arg3[%dma_start3A_127, %dma_start3A_128] : memref<10000x128xf32, #tpu.memory_space<hbm>> -> memref<10000x128xf32, #tpu.memory_space<hbm>>
          tpu.enqueue_indirect_dma source(%dma_start3A_129 : memref<10000x128xf32, #tpu.memory_space<hbm>>) target(%arg13 : memref<128x128xf32, #tpu.memory_space<vmem>>) offsets(%dma_start3A_126 : memref<128xi32, #tpu.memory_space<vmem>>) semaphore(%arg16 : memref<!tpu.dma_semaphore, #tpu.memory_space<semaphore_mem>>)
        } else {
        }
      } else {
      }
      %mul3A_58 = arith.constant 3 : i32
      %mul3A_59 = arith.muli %scan3A_51, %mul3A_58 : i32
      %add3A_60 = arith.constant 1 : i32
      %add3A_61 = arith.addi %mul3A_59, %add3A_60 : i32
      %lt3A_62 = arith.constant 40 : i32
      %lt3A_63 = arith.cmpi slt, %add3A_61, %lt3A_62 : i32
      %convert_element_type3A_64 = arith.extui %lt3A_63 : i1 to i32
      %cond3A_65 = arith.constant 0 : i32
      %cond3A_66 = arith.cmpi ne, %convert_element_type3A_64, %cond3A_65 : i32
      scf.if %cond3A_66 {
        %mul3A_76 = arith.constant 128 : i32
        %mul3A_77 = arith.muli %add3A_61, %mul3A_76 : i32
        %add3A_78 = arith.addi %mul3A_4, %mul3A_77 : i32
        %mul3A_79 = arith.constant 128 : i32
        %mul3A_80 = arith.muli %add3A_61, %mul3A_79 : i32
        %add3A_81 = arith.addi %mul3A_4, %mul3A_80 : i32
        %dma_wait3A = arith.constant 0 : i32
        %dma_wait3A_82 = tpu.memref_slice %arg8[%add3A_61, %dma_wait3A] : memref<40x128xi32, #tpu.memory_space<vmem>> -> memref<1x128xi32, #tpu.memory_space<vmem>>
        %dma_wait3A_83 = tpu.memref_squeeze %dma_wait3A_82 : memref<1x128xi32, #tpu.memory_space<vmem>> -> memref<128xi32, #tpu.memory_space<vmem>>
        %dma_wait3A_84 = arith.constant 0 : i32
        %dma_wait3A_85 = arith.constant 0 : i32
        %dma_wait3A_86 = tpu.memref_slice %arg2[%dma_wait3A_84, %dma_wait3A_85] : memref<10000x128xf32, #tpu.memory_space<hbm>> -> memref<10000x128xf32, #tpu.memory_space<hbm>>
        tpu.wait_indirect_dma semaphore(%arg17 : memref<!tpu.dma_semaphore, #tpu.memory_space<semaphore_mem>>) src(%dma_wait3A_86 : memref<10000x128xf32, #tpu.memory_space<hbm>>) dst(%arg11 : memref<128x128xf32, #tpu.memory_space<vmem>>)
        %dma_wait3A_87 = arith.constant 0 : i32
        %dma_wait3A_88 = tpu.memref_slice %arg9[%add3A_61, %dma_wait3A_87] : memref<40x128xi32, #tpu.memory_space<vmem>> -> memref<1x128xi32, #tpu.memory_space<vmem>>
        %dma_wait3A_89 = tpu.memref_squeeze %dma_wait3A_88 : memref<1x128xi32, #tpu.memory_space<vmem>> -> memref<128xi32, #tpu.memory_space<vmem>>
        %dma_wait3A_90 = arith.constant 0 : i32
        %dma_wait3A_91 = arith.constant 0 : i32
        %dma_wait3A_92 = tpu.memref_slice %arg3[%dma_wait3A_90, %dma_wait3A_91] : memref<10000x128xf32, #tpu.memory_space<hbm>> -> memref<10000x128xf32, #tpu.memory_space<hbm>>
        tpu.wait_indirect_dma semaphore(%arg17 : memref<!tpu.dma_semaphore, #tpu.memory_space<semaphore_mem>>) src(%dma_wait3A_92 : memref<10000x128xf32, #tpu.memory_space<hbm>>) dst(%arg14 : memref<128x128xf32, #tpu.memory_space<vmem>>)
        %dma_start3A_93 = arith.constant 0 : i32
        %dma_start3A_94 = tpu.memref_slice %arg6[%add3A_78, %dma_start3A_93] : memref<163840x128xf32, #tpu.memory_space<hbm>> -> memref<128x128xf32, #tpu.memory_space<hbm>>
        %dma_start3A_95 = arith.constant 0 : i32
        %dma_start3A_96 = tpu.memref_slice %arg6[%add3A_78, %dma_start3A_95] : memref<163840x128xf32, #tpu.memory_space<hbm>> -> memref<128x128xf32, #tpu.memory_space<hbm>>
        tpu.enqueue_dma source(%arg11 : memref<128x128xf32, #tpu.memory_space<vmem>>) target(%dma_start3A_96 : memref<128x128xf32, #tpu.memory_space<hbm>>) target_semaphore(%arg20 : memref<!tpu.dma_semaphore, #tpu.memory_space<semaphore_mem>>)
        %dma_start3A_97 = arith.constant 0 : i32
        %dma_start3A_98 = tpu.memref_slice %arg7[%add3A_81, %dma_start3A_97] : memref<163840x128xf32, #tpu.memory_space<hbm>> -> memref<128x128xf32, #tpu.memory_space<hbm>>
        %dma_start3A_99 = arith.constant 0 : i32
        %dma_start3A_100 = tpu.memref_slice %arg7[%add3A_81, %dma_start3A_99] : memref<163840x128xf32, #tpu.memory_space<hbm>> -> memref<128x128xf32, #tpu.memory_space<hbm>>
        tpu.enqueue_dma source(%arg14 : memref<128x128xf32, #tpu.memory_space<vmem>>) target(%dma_start3A_100 : memref<128x128xf32, #tpu.memory_space<hbm>>) target_semaphore(%arg20 : memref<!tpu.dma_semaphore, #tpu.memory_space<semaphore_mem>>)
        %dma_wait3A_101 = arith.constant 0 : i32
        %dma_wait3A_102 = tpu.memref_slice %arg6[%add3A_78, %dma_wait3A_101] : memref<163840x128xf32, #tpu.memory_space<hbm>> -> memref<128x128xf32, #tpu.memory_space<hbm>>
        %dma_wait3A_103 = arith.constant 0 : i32
        %dma_wait3A_104 = tpu.memref_slice %arg6[%add3A_78, %dma_wait3A_103] : memref<163840x128xf32, #tpu.memory_space<hbm>> -> memref<128x128xf32, #tpu.memory_space<hbm>>
        tpu.wait_dma2 semaphore(%arg20 : memref<!tpu.dma_semaphore, #tpu.memory_space<semaphore_mem>>) src(%arg11 : memref<128x128xf32, #tpu.memory_space<vmem>>) dst(%dma_wait3A_104 : memref<128x128xf32, #tpu.memory_space<hbm>>)
        %dma_wait3A_105 = arith.constant 0 : i32
        %dma_wait3A_106 = tpu.memref_slice %arg7[%add3A_81, %dma_wait3A_105] : memref<163840x128xf32, #tpu.memory_space<hbm>> -> memref<128x128xf32, #tpu.memory_space<hbm>>
        %dma_wait3A_107 = arith.constant 0 : i32
        %dma_wait3A_108 = tpu.memref_slice %arg7[%add3A_81, %dma_wait3A_107] : memref<163840x128xf32, #tpu.memory_space<hbm>> -> memref<128x128xf32, #tpu.memory_space<hbm>>
        tpu.wait_dma2 semaphore(%arg20 : memref<!tpu.dma_semaphore, #tpu.memory_space<semaphore_mem>>) src(%arg14 : memref<128x128xf32, #tpu.memory_space<vmem>>) dst(%dma_wait3A_108 : memref<128x128xf32, #tpu.memory_space<hbm>>)
        %add3A_109 = arith.constant 3 : i32
        %add3A_110 = arith.addi %add3A_61, %add3A_109 : i32
        %lt3A_111 = arith.constant 40 : i32
        %lt3A_112 = arith.cmpi slt, %add3A_110, %lt3A_111 : i32
        %convert_element_type3A_113 = arith.extui %lt3A_112 : i1 to i32
        %cond3A_114 = arith.constant 0 : i32
        %cond3A_115 = arith.cmpi ne, %convert_element_type3A_113, %cond3A_114 : i32
        scf.if %cond3A_115 {
          %add3A_116 = arith.constant 3 : i32
          %add3A_117 = arith.addi %add3A_61, %add3A_116 : i32
          %dma_start3A_118 = arith.constant 0 : i32
          %dma_start3A_119 = tpu.memref_slice %arg8[%add3A_117, %dma_start3A_118] : memref<40x128xi32, #tpu.memory_space<vmem>> -> memref<1x128xi32, #tpu.memory_space<vmem>>
          %dma_start3A_120 = tpu.memref_squeeze %dma_start3A_119 : memref<1x128xi32, #tpu.memory_space<vmem>> -> memref<128xi32, #tpu.memory_space<vmem>>
          %dma_start3A_121 = arith.constant 0 : i32
          %dma_start3A_122 = arith.constant 0 : i32
          %dma_start3A_123 = tpu.memref_slice %arg2[%dma_start3A_121, %dma_start3A_122] : memref<10000x128xf32, #tpu.memory_space<hbm>> -> memref<10000x128xf32, #tpu.memory_space<hbm>>
          tpu.enqueue_indirect_dma source(%dma_start3A_123 : memref<10000x128xf32, #tpu.memory_space<hbm>>) target(%arg11 : memref<128x128xf32, #tpu.memory_space<vmem>>) offsets(%dma_start3A_120 : memref<128xi32, #tpu.memory_space<vmem>>) semaphore(%arg17 : memref<!tpu.dma_semaphore, #tpu.memory_space<semaphore_mem>>)
          %dma_start3A_124 = arith.constant 0 : i32
          %dma_start3A_125 = tpu.memref_slice %arg9[%add3A_117, %dma_start3A_124] : memref<40x128xi32, #tpu.memory_space<vmem>> -> memref<1x128xi32, #tpu.memory_space<vmem>>
          %dma_start3A_126 = tpu.memref_squeeze %dma_start3A_125 : memref<1x128xi32, #tpu.memory_space<vmem>> -> memref<128xi32, #tpu.memory_space<vmem>>
          %dma_start3A_127 = arith.constant 0 : i32
          %dma_start3A_128 = arith.constant 0 : i32
          %dma_start3A_129 = tpu.memref_slice %arg3[%dma_start3A_127, %dma_start3A_128] : memref<10000x128xf32, #tpu.memory_space<hbm>> -> memref<10000x128xf32, #tpu.memory_space<hbm>>
          tpu.enqueue_indirect_dma source(%dma_start3A_129 : memref<10000x128xf32, #tpu.memory_space<hbm>>) target(%arg14 : memref<128x128xf32, #tpu.memory_space<vmem>>) offsets(%dma_start3A_126 : memref<128xi32, #tpu.memory_space<vmem>>) semaphore(%arg17 : memref<!tpu.dma_semaphore, #tpu.memory_space<semaphore_mem>>)
        } else {
        }
      } else {
      }
      %mul3A_67 = arith.constant 3 : i32
      %mul3A_68 = arith.muli %scan3A_51, %mul3A_67 : i32
      %add3A_69 = arith.constant 2 : i32
      %add3A_70 = arith.addi %mul3A_68, %add3A_69 : i32
      %lt3A_71 = arith.constant 40 : i32
      %lt3A_72 = arith.cmpi slt, %add3A_70, %lt3A_71 : i32
      %convert_element_type3A_73 = arith.extui %lt3A_72 : i1 to i32
      %cond3A_74 = arith.constant 0 : i32
      %cond3A_75 = arith.cmpi ne, %convert_element_type3A_73, %cond3A_74 : i32
      scf.if %cond3A_75 {
        %mul3A_76 = arith.constant 128 : i32
        %mul3A_77 = arith.muli %add3A_70, %mul3A_76 : i32
        %add3A_78 = arith.addi %mul3A_4, %mul3A_77 : i32
        %mul3A_79 = arith.constant 128 : i32
        %mul3A_80 = arith.muli %add3A_70, %mul3A_79 : i32
        %add3A_81 = arith.addi %mul3A_4, %mul3A_80 : i32
        %dma_wait3A = arith.constant 0 : i32
        %dma_wait3A_82 = tpu.memref_slice %arg8[%add3A_70, %dma_wait3A] : memref<40x128xi32, #tpu.memory_space<vmem>> -> memref<1x128xi32, #tpu.memory_space<vmem>>
        %dma_wait3A_83 = tpu.memref_squeeze %dma_wait3A_82 : memref<1x128xi32, #tpu.memory_space<vmem>> -> memref<128xi32, #tpu.memory_space<vmem>>
        %dma_wait3A_84 = arith.constant 0 : i32
        %dma_wait3A_85 = arith.constant 0 : i32
        %dma_wait3A_86 = tpu.memref_slice %arg2[%dma_wait3A_84, %dma_wait3A_85] : memref<10000x128xf32, #tpu.memory_space<hbm>> -> memref<10000x128xf32, #tpu.memory_space<hbm>>
        tpu.wait_indirect_dma semaphore(%arg18 : memref<!tpu.dma_semaphore, #tpu.memory_space<semaphore_mem>>) src(%dma_wait3A_86 : memref<10000x128xf32, #tpu.memory_space<hbm>>) dst(%arg12 : memref<128x128xf32, #tpu.memory_space<vmem>>)
        %dma_wait3A_87 = arith.constant 0 : i32
        %dma_wait3A_88 = tpu.memref_slice %arg9[%add3A_70, %dma_wait3A_87] : memref<40x128xi32, #tpu.memory_space<vmem>> -> memref<1x128xi32, #tpu.memory_space<vmem>>
        %dma_wait3A_89 = tpu.memref_squeeze %dma_wait3A_88 : memref<1x128xi32, #tpu.memory_space<vmem>> -> memref<128xi32, #tpu.memory_space<vmem>>
        %dma_wait3A_90 = arith.constant 0 : i32
        %dma_wait3A_91 = arith.constant 0 : i32
        %dma_wait3A_92 = tpu.memref_slice %arg3[%dma_wait3A_90, %dma_wait3A_91] : memref<10000x128xf32, #tpu.memory_space<hbm>> -> memref<10000x128xf32, #tpu.memory_space<hbm>>
        tpu.wait_indirect_dma semaphore(%arg18 : memref<!tpu.dma_semaphore, #tpu.memory_space<semaphore_mem>>) src(%dma_wait3A_92 : memref<10000x128xf32, #tpu.memory_space<hbm>>) dst(%arg15 : memref<128x128xf32, #tpu.memory_space<vmem>>)
        %dma_start3A_93 = arith.constant 0 : i32
        %dma_start3A_94 = tpu.memref_slice %arg6[%add3A_78, %dma_start3A_93] : memref<163840x128xf32, #tpu.memory_space<hbm>> -> memref<128x128xf32, #tpu.memory_space<hbm>>
        %dma_start3A_95 = arith.constant 0 : i32
        %dma_start3A_96 = tpu.memref_slice %arg6[%add3A_78, %dma_start3A_95] : memref<163840x128xf32, #tpu.memory_space<hbm>> -> memref<128x128xf32, #tpu.memory_space<hbm>>
        tpu.enqueue_dma source(%arg12 : memref<128x128xf32, #tpu.memory_space<vmem>>) target(%dma_start3A_96 : memref<128x128xf32, #tpu.memory_space<hbm>>) target_semaphore(%arg21 : memref<!tpu.dma_semaphore, #tpu.memory_space<semaphore_mem>>)
        %dma_start3A_97 = arith.constant 0 : i32
        %dma_start3A_98 = tpu.memref_slice %arg7[%add3A_81, %dma_start3A_97] : memref<163840x128xf32, #tpu.memory_space<hbm>> -> memref<128x128xf32, #tpu.memory_space<hbm>>
        %dma_start3A_99 = arith.constant 0 : i32
        %dma_start3A_100 = tpu.memref_slice %arg7[%add3A_81, %dma_start3A_99] : memref<163840x128xf32, #tpu.memory_space<hbm>> -> memref<128x128xf32, #tpu.memory_space<hbm>>
        tpu.enqueue_dma source(%arg15 : memref<128x128xf32, #tpu.memory_space<vmem>>) target(%dma_start3A_100 : memref<128x128xf32, #tpu.memory_space<hbm>>) target_semaphore(%arg21 : memref<!tpu.dma_semaphore, #tpu.memory_space<semaphore_mem>>)
        %dma_wait3A_101 = arith.constant 0 : i32
        %dma_wait3A_102 = tpu.memref_slice %arg6[%add3A_78, %dma_wait3A_101] : memref<163840x128xf32, #tpu.memory_space<hbm>> -> memref<128x128xf32, #tpu.memory_space<hbm>>
        %dma_wait3A_103 = arith.constant 0 : i32
        %dma_wait3A_104 = tpu.memref_slice %arg6[%add3A_78, %dma_wait3A_103] : memref<163840x128xf32, #tpu.memory_space<hbm>> -> memref<128x128xf32, #tpu.memory_space<hbm>>
        tpu.wait_dma2 semaphore(%arg21 : memref<!tpu.dma_semaphore, #tpu.memory_space<semaphore_mem>>) src(%arg12 : memref<128x128xf32, #tpu.memory_space<vmem>>) dst(%dma_wait3A_104 : memref<128x128xf32, #tpu.memory_space<hbm>>)
        %dma_wait3A_105 = arith.constant 0 : i32
        %dma_wait3A_106 = tpu.memref_slice %arg7[%add3A_81, %dma_wait3A_105] : memref<163840x128xf32, #tpu.memory_space<hbm>> -> memref<128x128xf32, #tpu.memory_space<hbm>>
        %dma_wait3A_107 = arith.constant 0 : i32
        %dma_wait3A_108 = tpu.memref_slice %arg7[%add3A_81, %dma_wait3A_107] : memref<163840x128xf32, #tpu.memory_space<hbm>> -> memref<128x128xf32, #tpu.memory_space<hbm>>
        tpu.wait_dma2 semaphore(%arg21 : memref<!tpu.dma_semaphore, #tpu.memory_space<semaphore_mem>>) src(%arg15 : memref<128x128xf32, #tpu.memory_space<vmem>>) dst(%dma_wait3A_108 : memref<128x128xf32, #tpu.memory_space<hbm>>)
        %add3A_109 = arith.constant 3 : i32
        %add3A_110 = arith.addi %add3A_70, %add3A_109 : i32
        %lt3A_111 = arith.constant 40 : i32
        %lt3A_112 = arith.cmpi slt, %add3A_110, %lt3A_111 : i32
        %convert_element_type3A_113 = arith.extui %lt3A_112 : i1 to i32
        %cond3A_114 = arith.constant 0 : i32
        %cond3A_115 = arith.cmpi ne, %convert_element_type3A_113, %cond3A_114 : i32
        scf.if %cond3A_115 {
          %add3A_116 = arith.constant 3 : i32
          %add3A_117 = arith.addi %add3A_70, %add3A_116 : i32
          %dma_start3A_118 = arith.constant 0 : i32
          %dma_start3A_119 = tpu.memref_slice %arg8[%add3A_117, %dma_start3A_118] : memref<40x128xi32, #tpu.memory_space<vmem>> -> memref<1x128xi32, #tpu.memory_space<vmem>>
          %dma_start3A_120 = tpu.memref_squeeze %dma_start3A_119 : memref<1x128xi32, #tpu.memory_space<vmem>> -> memref<128xi32, #tpu.memory_space<vmem>>
          %dma_start3A_121 = arith.constant 0 : i32
          %dma_start3A_122 = arith.constant 0 : i32
          %dma_start3A_123 = tpu.memref_slice %arg2[%dma_start3A_121, %dma_start3A_122] : memref<10000x128xf32, #tpu.memory_space<hbm>> -> memref<10000x128xf32, #tpu.memory_space<hbm>>
          tpu.enqueue_indirect_dma source(%dma_start3A_123 : memref<10000x128xf32, #tpu.memory_space<hbm>>) target(%arg12 : memref<128x128xf32, #tpu.memory_space<vmem>>) offsets(%dma_start3A_120 : memref<128xi32, #tpu.memory_space<vmem>>) semaphore(%arg18 : memref<!tpu.dma_semaphore, #tpu.memory_space<semaphore_mem>>)
          %dma_start3A_124 = arith.constant 0 : i32
          %dma_start3A_125 = tpu.memref_slice %arg9[%add3A_117, %dma_start3A_124] : memref<40x128xi32, #tpu.memory_space<vmem>> -> memref<1x128xi32, #tpu.memory_space<vmem>>
          %dma_start3A_126 = tpu.memref_squeeze %dma_start3A_125 : memref<1x128xi32, #tpu.memory_space<vmem>> -> memref<128xi32, #tpu.memory_space<vmem>>
          %dma_start3A_127 = arith.constant 0 : i32
          %dma_start3A_128 = arith.constant 0 : i32
          %dma_start3A_129 = tpu.memref_slice %arg3[%dma_start3A_127, %dma_start3A_128] : memref<10000x128xf32, #tpu.memory_space<hbm>> -> memref<10000x128xf32, #tpu.memory_space<hbm>>
          tpu.enqueue_indirect_dma source(%dma_start3A_129 : memref<10000x128xf32, #tpu.memory_space<hbm>>) target(%arg15 : memref<128x128xf32, #tpu.memory_space<vmem>>) offsets(%dma_start3A_126 : memref<128xi32, #tpu.memory_space<vmem>>) semaphore(%arg18 : memref<!tpu.dma_semaphore, #tpu.memory_space<semaphore_mem>>)
        } else {
        }
      } else {
      }
    }
    %scan3A_50 = arith.constant 14 : i32
    return
  }
}

#map = affine_map<(d0, d1) -> (0, 0)>
#map1 = affine_map<(d0, d1) -> (0, 0, 0)>
module attributes {stable_mosaic.version = 14 : i64} {
  func.func @_scatter_body(%arg0: i32, %arg1: i32, %arg2: memref<163840x128xf32, #tpu.memory_space<hbm>>, %arg3: memref<32x40x128xi32, #tpu.memory_space<hbm>>, %arg4: memref<2x10112x128xf32, #tpu.memory_space<hbm>>, %arg5: memref<40x128xi32, #tpu.memory_space<vmem>>, %arg6: memref<128x128xf32, #tpu.memory_space<vmem>>, %arg7: memref<128x128xf32, #tpu.memory_space<vmem>>, %arg8: memref<!tpu.dma_semaphore, #tpu.memory_space<semaphore_mem>>, %arg9: memref<!tpu.dma_semaphore, #tpu.memory_space<semaphore_mem>>, %arg10: memref<!tpu.dma_semaphore, #tpu.memory_space<semaphore_mem>>, %arg11: memref<10112x128xf32, #tpu.memory_space<vmem_shared>>) attributes {dimension_semantics = [#tpu.dimension_semantics<core_parallel>, #tpu.dimension_semantics<subcore_parallel>], iteration_bounds = array<i64: 2, 16>, scalar_prefetch = 0 : i64, scratch_operands = 7 : i64, tpu.core_type = #tpu.core_type<sc_vector_subcore>, window_params = [{transform_indices = #map}, {transform_indices = #map1}, {transform_indices = #map1}]} {
    %mul3A = arith.constant 16 : i32
    %mul3A_0 = arith.muli %arg0, %mul3A : i32
    %add3A = arith.addi %mul3A_0, %arg1 : i32
    %broadcast_in_dim3A = arith.constant 0.000000e+00 : f32
    %broadcast_in_dim3A_1 = vector.broadcast %broadcast_in_dim3A : f32 to vector<16xf32>
    %scan3A = arith.constant 0 : i32
    %scan3A_2 = arith.constant 0 : i32
    %scan3A_3 = arith.constant 128 : i32
    %scan3A_4 = arith.addi %scan3A_2, %scan3A_3 : i32
    %scan3A_5 = arith.constant 1 : i32
    scf.for %scan3A_106 = %scan3A_2 to %scan3A_4 step %scan3A_5  : i32 {
      %scan3A_107 = arith.constant 0 : i32
      %scan3A_108 = arith.constant 0 : i32
      %scan3A_109 = arith.constant 8 : i32
      %scan3A_110 = arith.addi %scan3A_108, %scan3A_109 : i32
      %scan3A_111 = arith.constant 1 : i32
      scf.for %scan3A_113 = %scan3A_108 to %scan3A_110 step %scan3A_111  : i32 {
        %mul3A_114 = arith.constant 16 : i32
        %mul3A_115 = arith.muli %scan3A_113, %mul3A_114 : i32
        %swap3A = arith.index_cast %scan3A_106 : i32 to index
        %swap3A_116 = arith.index_cast %mul3A_115 : i32 to index
        %swap3A_117 = tpu.vector_load %arg6[%swap3A, %swap3A_116] {strides = array<i32>} : memref<128x128xf32, #tpu.memory_space<vmem>>, vector<1x16xf32>,
        %swap3A_118 = vector.shape_cast %swap3A_117 : vector<1x16xf32> to vector<16xf32>
        %swap3A_119 = vector.shape_cast %broadcast_in_dim3A_1 : vector<16xf32> to vector<1x16xf32>
        tpu.vector_store %arg6[%swap3A, %swap3A_116], %swap3A_119 {strides = array<i32>} : memref<128x128xf32, #tpu.memory_space<vmem>>, vector<1x16xf32>,
      }
      %scan3A_112 = arith.constant 8 : i32
    }
    %scan3A_6 = arith.constant 128 : i32
    %scan3A_7 = arith.constant 0 : i32
    %scan3A_8 = arith.constant 0 : i32
    %scan3A_9 = arith.constant 128 : i32
    %scan3A_10 = arith.addi %scan3A_8, %scan3A_9 : i32
    %scan3A_11 = arith.constant 1 : i32
    scf.for %scan3A_106 = %scan3A_8 to %scan3A_10 step %scan3A_11  : i32 {
      %scan3A_107 = arith.constant 0 : i32
      %scan3A_108 = arith.constant 0 : i32
      %scan3A_109 = arith.constant 8 : i32
      %scan3A_110 = arith.addi %scan3A_108, %scan3A_109 : i32
      %scan3A_111 = arith.constant 1 : i32
      scf.for %scan3A_113 = %scan3A_108 to %scan3A_110 step %scan3A_111  : i32 {
        %mul3A_114 = arith.constant 16 : i32
        %mul3A_115 = arith.muli %scan3A_113, %mul3A_114 : i32
        %swap3A = arith.index_cast %scan3A_106 : i32 to index
        %swap3A_116 = arith.index_cast %mul3A_115 : i32 to index
        %swap3A_117 = tpu.vector_load %arg7[%swap3A, %swap3A_116] {strides = array<i32>} : memref<128x128xf32, #tpu.memory_space<vmem>>, vector<1x16xf32>,
        %swap3A_118 = vector.shape_cast %swap3A_117 : vector<1x16xf32> to vector<16xf32>
        %swap3A_119 = vector.shape_cast %broadcast_in_dim3A_1 : vector<16xf32> to vector<1x16xf32>
        tpu.vector_store %arg7[%swap3A, %swap3A_116], %swap3A_119 {strides = array<i32>} : memref<128x128xf32, #tpu.memory_space<vmem>>, vector<1x16xf32>,
      }
      %scan3A_112 = arith.constant 8 : i32
    }
    %scan3A_12 = arith.constant 128 : i32
    %mul3A_13 = arith.constant 632 : i32
    %mul3A_14 = arith.muli %arg1, %mul3A_13 : i32
    %add3A_15 = arith.constant 0 : i32
    %add3A_16 = arith.addi %mul3A_14, %add3A_15 : i32
    %add3A_17 = arith.constant 128 : i32
    %add3A_18 = arith.addi %mul3A_14, %add3A_17 : i32
    %add3A_19 = arith.constant 256 : i32
    %add3A_20 = arith.addi %mul3A_14, %add3A_19 : i32
    %add3A_21 = arith.constant 384 : i32
    %add3A_22 = arith.addi %mul3A_14, %add3A_21 : i32
    %add3A_23 = arith.constant 512 : i32
    %add3A_24 = arith.addi %mul3A_14, %add3A_23 : i32
    %dma_start3A = arith.constant 0 : i32
    %dma_start3A_25 = tpu.memref_slice %arg11[%add3A_16, %dma_start3A] : memref<10112x128xf32, #tpu.memory_space<vmem_shared>> -> memref<128x128xf32, #tpu.memory_space<vmem_shared>>
    %dma_start3A_26 = arith.constant 0 : i32
    %dma_start3A_27 = tpu.memref_slice %arg11[%add3A_16, %dma_start3A_26] : memref<10112x128xf32, #tpu.memory_space<vmem_shared>> -> memref<128x128xf32, #tpu.memory_space<vmem_shared>>
    tpu.enqueue_dma source(%arg6 : memref<128x128xf32, #tpu.memory_space<vmem>>) target(%dma_start3A_27 : memref<128x128xf32, #tpu.memory_space<vmem_shared>>) target_semaphore(%arg10 : memref<!tpu.dma_semaphore, #tpu.memory_space<semaphore_mem>>)
    %dma_start3A_28 = arith.constant 0 : i32
    %dma_start3A_29 = tpu.memref_slice %arg11[%add3A_18, %dma_start3A_28] : memref<10112x128xf32, #tpu.memory_space<vmem_shared>> -> memref<128x128xf32, #tpu.memory_space<vmem_shared>>
    %dma_start3A_30 = arith.constant 0 : i32
    %dma_start3A_31 = tpu.memref_slice %arg11[%add3A_18, %dma_start3A_30] : memref<10112x128xf32, #tpu.memory_space<vmem_shared>> -> memref<128x128xf32, #tpu.memory_space<vmem_shared>>
    tpu.enqueue_dma source(%arg7 : memref<128x128xf32, #tpu.memory_space<vmem>>) target(%dma_start3A_31 : memref<128x128xf32, #tpu.memory_space<vmem_shared>>) target_semaphore(%arg10 : memref<!tpu.dma_semaphore, #tpu.memory_space<semaphore_mem>>)
    %dma_start3A_32 = arith.constant 0 : i32
    %dma_start3A_33 = tpu.memref_slice %arg11[%add3A_20, %dma_start3A_32] : memref<10112x128xf32, #tpu.memory_space<vmem_shared>> -> memref<128x128xf32, #tpu.memory_space<vmem_shared>>
    %dma_start3A_34 = arith.constant 0 : i32
    %dma_start3A_35 = tpu.memref_slice %arg11[%add3A_20, %dma_start3A_34] : memref<10112x128xf32, #tpu.memory_space<vmem_shared>> -> memref<128x128xf32, #tpu.memory_space<vmem_shared>>
    tpu.enqueue_dma source(%arg6 : memref<128x128xf32, #tpu.memory_space<vmem>>) target(%dma_start3A_35 : memref<128x128xf32, #tpu.memory_space<vmem_shared>>) target_semaphore(%arg10 : memref<!tpu.dma_semaphore, #tpu.memory_space<semaphore_mem>>)
    %dma_start3A_36 = arith.constant 0 : i32
    %dma_start3A_37 = tpu.memref_slice %arg11[%add3A_22, %dma_start3A_36] : memref<10112x128xf32, #tpu.memory_space<vmem_shared>> -> memref<128x128xf32, #tpu.memory_space<vmem_shared>>
    %dma_start3A_38 = arith.constant 0 : i32
    %dma_start3A_39 = tpu.memref_slice %arg11[%add3A_22, %dma_start3A_38] : memref<10112x128xf32, #tpu.memory_space<vmem_shared>> -> memref<128x128xf32, #tpu.memory_space<vmem_shared>>
    tpu.enqueue_dma source(%arg7 : memref<128x128xf32, #tpu.memory_space<vmem>>) target(%dma_start3A_39 : memref<128x128xf32, #tpu.memory_space<vmem_shared>>) target_semaphore(%arg10 : memref<!tpu.dma_semaphore, #tpu.memory_space<semaphore_mem>>)
    %dma_start3A_40 = arith.constant 0 : i32
    %dma_start3A_41 = arith.constant 0 : i32
    %dma_start3A_42 = tpu.memref_slice %arg6[%dma_start3A_40, %dma_start3A_41] : memref<128x128xf32, #tpu.memory_space<vmem>> -> memref<120x128xf32, #tpu.memory_space<vmem>>
    %dma_start3A_43 = arith.constant 0 : i32
    %dma_start3A_44 = tpu.memref_slice %arg11[%add3A_24, %dma_start3A_43] : memref<10112x128xf32, #tpu.memory_space<vmem_shared>> -> memref<120x128xf32, #tpu.memory_space<vmem_shared>>
    %dma_start3A_45 = arith.constant 0 : i32
    %dma_start3A_46 = tpu.memref_slice %arg11[%add3A_24, %dma_start3A_45] : memref<10112x128xf32, #tpu.memory_space<vmem_shared>> -> memref<120x128xf32, #tpu.memory_space<vmem_shared>>
    %dma_start3A_47 = arith.constant 0 : i32
    %dma_start3A_48 = arith.constant 0 : i32
    %dma_start3A_49 = tpu.memref_slice %arg6[%dma_start3A_47, %dma_start3A_48] : memref<128x128xf32, #tpu.memory_space<vmem>> -> memref<120x128xf32, #tpu.memory_space<vmem>>
    tpu.enqueue_dma source(%dma_start3A_49 : memref<120x128xf32, #tpu.memory_space<vmem>>) target(%dma_start3A_46 : memref<120x128xf32, #tpu.memory_space<vmem_shared>>) target_semaphore(%arg10 : memref<!tpu.dma_semaphore, #tpu.memory_space<semaphore_mem>>)
    "tpu.region"() ({
      %run_scoped3A = tpu.sem_alloc : memref<!tpu.dma_semaphore, #tpu.memory_space<semaphore_mem>>
      %dma_start3A_106 = arith.constant 0 : i32
      %dma_start3A_107 = arith.constant 0 : i32
      %dma_start3A_108 = tpu.memref_slice %arg3[%add3A, %dma_start3A_106, %dma_start3A_107] : memref<32x40x128xi32, #tpu.memory_space<hbm>> -> memref<1x40x128xi32, #tpu.memory_space<hbm>>
      %dma_start3A_109 = tpu.memref_squeeze %dma_start3A_108 : memref<1x40x128xi32, #tpu.memory_space<hbm>> -> memref<40x128xi32, #tpu.memory_space<hbm>>
      %dma_start3A_110 = arith.constant 0 : i32
      %dma_start3A_111 = arith.constant 0 : i32
      %dma_start3A_112 = tpu.memref_slice %arg3[%add3A, %dma_start3A_110, %dma_start3A_111] : memref<32x40x128xi32, #tpu.memory_space<hbm>> -> memref<1x40x128xi32, #tpu.memory_space<hbm>>
      %dma_start3A_113 = tpu.memref_squeeze %dma_start3A_112 : memref<1x40x128xi32, #tpu.memory_space<hbm>> -> memref<40x128xi32, #tpu.memory_space<hbm>>
      tpu.enqueue_dma source(%dma_start3A_113 : memref<40x128xi32, #tpu.memory_space<hbm>>) target(%arg5 : memref<40x128xi32, #tpu.memory_space<vmem>>) target_semaphore(%run_scoped3A : memref<!tpu.dma_semaphore, #tpu.memory_space<semaphore_mem>>)
      %dma_wait3A_114 = arith.constant 0 : i32
      %dma_wait3A_115 = arith.constant 0 : i32
      %dma_wait3A_116 = tpu.memref_slice %arg3[%add3A, %dma_wait3A_114, %dma_wait3A_115] : memref<32x40x128xi32, #tpu.memory_space<hbm>> -> memref<1x40x128xi32, #tpu.memory_space<hbm>>
      %dma_wait3A_117 = tpu.memref_squeeze %dma_wait3A_116 : memref<1x40x128xi32, #tpu.memory_space<hbm>> -> memref<40x128xi32, #tpu.memory_space<hbm>>
      %dma_wait3A_118 = arith.constant 0 : i32
      %dma_wait3A_119 = arith.constant 0 : i32
      %dma_wait3A_120 = tpu.memref_slice %arg3[%add3A, %dma_wait3A_118, %dma_wait3A_119] : memref<32x40x128xi32, #tpu.memory_space<hbm>> -> memref<1x40x128xi32, #tpu.memory_space<hbm>>
      %dma_wait3A_121 = tpu.memref_squeeze %dma_wait3A_120 : memref<1x40x128xi32, #tpu.memory_space<hbm>> -> memref<40x128xi32, #tpu.memory_space<hbm>>
      tpu.wait_dma2 semaphore(%run_scoped3A : memref<!tpu.dma_semaphore, #tpu.memory_space<semaphore_mem>>) src(%dma_wait3A_121 : memref<40x128xi32, #tpu.memory_space<hbm>>) dst(%arg5 : memref<40x128xi32, #tpu.memory_space<vmem>>)
      tpu.yield
    }) : () -> ()
    %dma_wait3A = arith.constant 0 : i32
    %dma_wait3A_50 = tpu.memref_slice %arg11[%add3A_16, %dma_wait3A] : memref<10112x128xf32, #tpu.memory_space<vmem_shared>> -> memref<128x128xf32, #tpu.memory_space<vmem_shared>>
    %dma_wait3A_51 = arith.constant 0 : i32
    %dma_wait3A_52 = tpu.memref_slice %arg11[%add3A_16, %dma_wait3A_51] : memref<10112x128xf32, #tpu.memory_space<vmem_shared>> -> memref<128x128xf32, #tpu.memory_space<vmem_shared>>
    tpu.wait_dma2 semaphore(%arg10 : memref<!tpu.dma_semaphore, #tpu.memory_space<semaphore_mem>>) src(%arg6 : memref<128x128xf32, #tpu.memory_space<vmem>>) dst(%dma_wait3A_52 : memref<128x128xf32, #tpu.memory_space<vmem_shared>>)
    %dma_wait3A_53 = arith.constant 0 : i32
    %dma_wait3A_54 = tpu.memref_slice %arg11[%add3A_18, %dma_wait3A_53] : memref<10112x128xf32, #tpu.memory_space<vmem_shared>> -> memref<128x128xf32, #tpu.memory_space<vmem_shared>>
    %dma_wait3A_55 = arith.constant 0 : i32
    %dma_wait3A_56 = tpu.memref_slice %arg11[%add3A_18, %dma_wait3A_55] : memref<10112x128xf32, #tpu.memory_space<vmem_shared>> -> memref<128x128xf32, #tpu.memory_space<vmem_shared>>
    tpu.wait_dma2 semaphore(%arg10 : memref<!tpu.dma_semaphore, #tpu.memory_space<semaphore_mem>>) src(%arg7 : memref<128x128xf32, #tpu.memory_space<vmem>>) dst(%dma_wait3A_56 : memref<128x128xf32, #tpu.memory_space<vmem_shared>>)
    %dma_wait3A_57 = arith.constant 0 : i32
    %dma_wait3A_58 = tpu.memref_slice %arg11[%add3A_20, %dma_wait3A_57] : memref<10112x128xf32, #tpu.memory_space<vmem_shared>> -> memref<128x128xf32, #tpu.memory_space<vmem_shared>>
    %dma_wait3A_59 = arith.constant 0 : i32
    %dma_wait3A_60 = tpu.memref_slice %arg11[%add3A_20, %dma_wait3A_59] : memref<10112x128xf32, #tpu.memory_space<vmem_shared>> -> memref<128x128xf32, #tpu.memory_space<vmem_shared>>
    tpu.wait_dma2 semaphore(%arg10 : memref<!tpu.dma_semaphore, #tpu.memory_space<semaphore_mem>>) src(%arg6 : memref<128x128xf32, #tpu.memory_space<vmem>>) dst(%dma_wait3A_60 : memref<128x128xf32, #tpu.memory_space<vmem_shared>>)
    %dma_wait3A_61 = arith.constant 0 : i32
    %dma_wait3A_62 = tpu.memref_slice %arg11[%add3A_22, %dma_wait3A_61] : memref<10112x128xf32, #tpu.memory_space<vmem_shared>> -> memref<128x128xf32, #tpu.memory_space<vmem_shared>>
    %dma_wait3A_63 = arith.constant 0 : i32
    %dma_wait3A_64 = tpu.memref_slice %arg11[%add3A_22, %dma_wait3A_63] : memref<10112x128xf32, #tpu.memory_space<vmem_shared>> -> memref<128x128xf32, #tpu.memory_space<vmem_shared>>
    tpu.wait_dma2 semaphore(%arg10 : memref<!tpu.dma_semaphore, #tpu.memory_space<semaphore_mem>>) src(%arg7 : memref<128x128xf32, #tpu.memory_space<vmem>>) dst(%dma_wait3A_64 : memref<128x128xf32, #tpu.memory_space<vmem_shared>>)
    %dma_wait3A_65 = arith.constant 0 : i32
    %dma_wait3A_66 = arith.constant 0 : i32
    %dma_wait3A_67 = tpu.memref_slice %arg6[%dma_wait3A_65, %dma_wait3A_66] : memref<128x128xf32, #tpu.memory_space<vmem>> -> memref<120x128xf32, #tpu.memory_space<vmem>>
    %dma_wait3A_68 = arith.constant 0 : i32
    %dma_wait3A_69 = tpu.memref_slice %arg11[%add3A_24, %dma_wait3A_68] : memref<10112x128xf32, #tpu.memory_space<vmem_shared>> -> memref<120x128xf32, #tpu.memory_space<vmem_shared>>
    %dma_wait3A_70 = arith.constant 0 : i32
    %dma_wait3A_71 = tpu.memref_slice %arg11[%add3A_24, %dma_wait3A_70] : memref<10112x128xf32, #tpu.memory_space<vmem_shared>> -> memref<120x128xf32, #tpu.memory_space<vmem_shared>>
    %dma_wait3A_72 = arith.constant 0 : i32
    %dma_wait3A_73 = arith.constant 0 : i32
    %dma_wait3A_74 = tpu.memref_slice %arg6[%dma_wait3A_72, %dma_wait3A_73] : memref<128x128xf32, #tpu.memory_space<vmem>> -> memref<120x128xf32, #tpu.memory_space<vmem>>
    tpu.wait_dma2 semaphore(%arg10 : memref<!tpu.dma_semaphore, #tpu.memory_space<semaphore_mem>>) src(%dma_wait3A_74 : memref<120x128xf32, #tpu.memory_space<vmem>>) dst(%dma_wait3A_71 : memref<120x128xf32, #tpu.memory_space<vmem_shared>>)
    %barrier3A = arith.constant 0 : index
    tpu.barrier barrier_id(%barrier3A)
    %mul3A_75 = arith.constant 40 : i32
    %mul3A_76 = arith.muli %add3A, %mul3A_75 : i32
    %mul3A_77 = arith.constant 128 : i32
    %mul3A_78 = arith.muli %mul3A_76, %mul3A_77 : i32
    %add3A_79 = arith.constant 0 : i32
    %add3A_80 = arith.addi %mul3A_78, %add3A_79 : i32
    %dma_start3A_81 = arith.constant 0 : i32
    %dma_start3A_82 = tpu.memref_slice %arg2[%add3A_80, %dma_start3A_81] : memref<163840x128xf32, #tpu.memory_space<hbm>> -> memref<128x128xf32, #tpu.memory_space<hbm>>
    %dma_start3A_83 = arith.constant 0 : i32
    %dma_start3A_84 = tpu.memref_slice %arg2[%add3A_80, %dma_start3A_83] : memref<163840x128xf32, #tpu.memory_space<hbm>> -> memref<128x128xf32, #tpu.memory_space<hbm>>
    tpu.enqueue_dma source(%dma_start3A_84 : memref<128x128xf32, #tpu.memory_space<hbm>>) target(%arg6 : memref<128x128xf32, #tpu.memory_space<vmem>>) target_semaphore(%arg8 : memref<!tpu.dma_semaphore, #tpu.memory_space<semaphore_mem>>)
    %mul3A_85 = arith.constant 40 : i32
    %mul3A_86 = arith.muli %add3A, %mul3A_85 : i32
    %mul3A_87 = arith.constant 128 : i32
    %mul3A_88 = arith.muli %mul3A_86, %mul3A_87 : i32
    %add3A_89 = arith.constant 128 : i32
    %add3A_90 = arith.addi %mul3A_88, %add3A_89 : i32
    %dma_start3A_91 = arith.constant 0 : i32
    %dma_start3A_92 = tpu.memref_slice %arg2[%add3A_90, %dma_start3A_91] : memref<163840x128xf32, #tpu.memory_space<hbm>> -> memref<128x128xf32, #tpu.memory_space<hbm>>
    %dma_start3A_93 = arith.constant 0 : i32
    %dma_start3A_94 = tpu.memref_slice %arg2[%add3A_90, %dma_start3A_93] : memref<163840x128xf32, #tpu.memory_space<hbm>> -> memref<128x128xf32, #tpu.memory_space<hbm>>
    tpu.enqueue_dma source(%dma_start3A_94 : memref<128x128xf32, #tpu.memory_space<hbm>>) target(%arg7 : memref<128x128xf32, #tpu.memory_space<vmem>>) target_semaphore(%arg9 : memref<!tpu.dma_semaphore, #tpu.memory_space<semaphore_mem>>)
    %scan3A_95 = arith.constant 0 : i32
    %scan3A_96 = arith.constant 0 : i32
    %scan3A_97 = arith.constant 20 : i32
    %scan3A_98 = arith.addi %scan3A_96, %scan3A_97 : i32
    %scan3A_99 = arith.constant 1 : i32
    scf.for %scan3A_106 = %scan3A_96 to %scan3A_98 step %scan3A_99  : i32 {
      %mul3A_107 = arith.constant 2 : i32
      %mul3A_108 = arith.muli %scan3A_106, %mul3A_107 : i32
      %add3A_109 = arith.constant 0 : i32
      %add3A_110 = arith.addi %mul3A_108, %add3A_109 : i32
      %mul3A_111 = arith.constant 40 : i32
      %mul3A_112 = arith.muli %add3A, %mul3A_111 : i32
      %mul3A_113 = arith.constant 128 : i32
      %mul3A_114 = arith.muli %mul3A_112, %mul3A_113 : i32
      %mul3A_115 = arith.constant 128 : i32
      %mul3A_116 = arith.muli %add3A_110, %mul3A_115 : i32
      %add3A_117 = arith.addi %mul3A_114, %mul3A_116 : i32
      %dma_wait3A_118 = arith.constant 0 : i32
      %dma_wait3A_119 = tpu.memref_slice %arg2[%add3A_117, %dma_wait3A_118] : memref<163840x128xf32, #tpu.memory_space<hbm>> -> memref<128x128xf32, #tpu.memory_space<hbm>>
      %dma_wait3A_120 = arith.constant 0 : i32
      %dma_wait3A_121 = tpu.memref_slice %arg2[%add3A_117, %dma_wait3A_120] : memref<163840x128xf32, #tpu.memory_space<hbm>> -> memref<128x128xf32, #tpu.memory_space<hbm>>
      tpu.wait_dma2 semaphore(%arg8 : memref<!tpu.dma_semaphore, #tpu.memory_space<semaphore_mem>>) src(%dma_wait3A_121 : memref<128x128xf32, #tpu.memory_space<hbm>>) dst(%arg6 : memref<128x128xf32, #tpu.memory_space<vmem>>)
      "tpu.region"() ({
        %run_scoped3A = tpu.sem_alloc : memref<!tpu.dma_semaphore, #tpu.memory_space<semaphore_mem>>
        %dma_start3A_148 = arith.constant 0 : i32
        %dma_start3A_149 = tpu.memref_slice %arg5[%add3A_110, %dma_start3A_148] : memref<40x128xi32, #tpu.memory_space<vmem>> -> memref<1x128xi32, #tpu.memory_space<vmem>>
        %dma_start3A_150 = tpu.memref_squeeze %dma_start3A_149 : memref<1x128xi32, #tpu.memory_space<vmem>> -> memref<128xi32, #tpu.memory_space<vmem>>
        %dma_start3A_151 = arith.constant 0 : i32
        %dma_start3A_152 = arith.constant 0 : i32
        %dma_start3A_153 = tpu.memref_slice %arg11[%dma_start3A_151, %dma_start3A_152] : memref<10112x128xf32, #tpu.memory_space<vmem_shared>> -> memref<10112x128xf32, #tpu.memory_space<vmem_shared>>
        tpu.enqueue_indirect_dma source(%arg6 : memref<128x128xf32, #tpu.memory_space<vmem>>) target(%dma_start3A_153 : memref<10112x128xf32, #tpu.memory_space<vmem_shared>>) offsets(%dma_start3A_150 : memref<128xi32, #tpu.memory_space<vmem>>) semaphore(%run_scoped3A : memref<!tpu.dma_semaphore, #tpu.memory_space<semaphore_mem>>) {add = true}
        %dma_wait3A_154 = arith.constant 0 : i32
        %dma_wait3A_155 = tpu.memref_slice %arg5[%add3A_110, %dma_wait3A_154] : memref<40x128xi32, #tpu.memory_space<vmem>> -> memref<1x128xi32, #tpu.memory_space<vmem>>
        %dma_wait3A_156 = tpu.memref_squeeze %dma_wait3A_155 : memref<1x128xi32, #tpu.memory_space<vmem>> -> memref<128xi32, #tpu.memory_space<vmem>>
        %dma_wait3A_157 = arith.constant 0 : i32
        %dma_wait3A_158 = arith.constant 0 : i32
        %dma_wait3A_159 = tpu.memref_slice %arg11[%dma_wait3A_157, %dma_wait3A_158] : memref<10112x128xf32, #tpu.memory_space<vmem_shared>> -> memref<10112x128xf32, #tpu.memory_space<vmem_shared>>
        tpu.wait_indirect_dma semaphore(%run_scoped3A : memref<!tpu.dma_semaphore, #tpu.memory_space<semaphore_mem>>) src(%arg6 : memref<128x128xf32, #tpu.memory_space<vmem>>) dst(%dma_wait3A_159 : memref<10112x128xf32, #tpu.memory_space<vmem_shared>>)
        tpu.yield
      }) : () -> ()
      %add3A_122 = arith.constant 2 : i32
      %add3A_123 = arith.addi %add3A_110, %add3A_122 : i32
      %lt3A = arith.constant 40 : i32
      %lt3A_124 = arith.cmpi slt, %add3A_123, %lt3A : i32
      %convert_element_type3A = arith.extui %lt3A_124 : i1 to i32
      %cond3A = arith.constant 0 : i32
      %cond3A_125 = arith.cmpi ne, %convert_element_type3A, %cond3A : i32
      scf.if %cond3A_125 {
        %add3A_148 = arith.constant 2 : i32
        %add3A_149 = arith.addi %add3A_110, %add3A_148 : i32
        %mul3A_150 = arith.constant 40 : i32
        %mul3A_151 = arith.muli %add3A, %mul3A_150 : i32
        %mul3A_152 = arith.constant 128 : i32
        %mul3A_153 = arith.muli %mul3A_151, %mul3A_152 : i32
        %mul3A_154 = arith.constant 128 : i32
        %mul3A_155 = arith.muli %add3A_149, %mul3A_154 : i32
        %add3A_156 = arith.addi %mul3A_153, %mul3A_155 : i32
        %dma_start3A_157 = arith.constant 0 : i32
        %dma_start3A_158 = tpu.memref_slice %arg2[%add3A_156, %dma_start3A_157] : memref<163840x128xf32, #tpu.memory_space<hbm>> -> memref<128x128xf32, #tpu.memory_space<hbm>>
        %dma_start3A_159 = arith.constant 0 : i32
        %dma_start3A_160 = tpu.memref_slice %arg2[%add3A_156, %dma_start3A_159] : memref<163840x128xf32, #tpu.memory_space<hbm>> -> memref<128x128xf32, #tpu.memory_space<hbm>>
        tpu.enqueue_dma source(%dma_start3A_160 : memref<128x128xf32, #tpu.memory_space<hbm>>) target(%arg6 : memref<128x128xf32, #tpu.memory_space<vmem>>) target_semaphore(%arg8 : memref<!tpu.dma_semaphore, #tpu.memory_space<semaphore_mem>>)
      } else {
      }
      %mul3A_126 = arith.constant 2 : i32
      %mul3A_127 = arith.muli %scan3A_106, %mul3A_126 : i32
      %add3A_128 = arith.constant 1 : i32
      %add3A_129 = arith.addi %mul3A_127, %add3A_128 : i32
      %mul3A_130 = arith.constant 40 : i32
      %mul3A_131 = arith.muli %add3A, %mul3A_130 : i32
      %mul3A_132 = arith.constant 128 : i32
      %mul3A_133 = arith.muli %mul3A_131, %mul3A_132 : i32
      %mul3A_134 = arith.constant 128 : i32
      %mul3A_135 = arith.muli %add3A_129, %mul3A_134 : i32
      %add3A_136 = arith.addi %mul3A_133, %mul3A_135 : i32
      %dma_wait3A_137 = arith.constant 0 : i32
      %dma_wait3A_138 = tpu.memref_slice %arg2[%add3A_136, %dma_wait3A_137] : memref<163840x128xf32, #tpu.memory_space<hbm>> -> memref<128x128xf32, #tpu.memory_space<hbm>>
      %dma_wait3A_139 = arith.constant 0 : i32
      %dma_wait3A_140 = tpu.memref_slice %arg2[%add3A_136, %dma_wait3A_139] : memref<163840x128xf32, #tpu.memory_space<hbm>> -> memref<128x128xf32, #tpu.memory_space<hbm>>
      tpu.wait_dma2 semaphore(%arg9 : memref<!tpu.dma_semaphore, #tpu.memory_space<semaphore_mem>>) src(%dma_wait3A_140 : memref<128x128xf32, #tpu.memory_space<hbm>>) dst(%arg7 : memref<128x128xf32, #tpu.memory_space<vmem>>)
      "tpu.region"() ({
        %run_scoped3A = tpu.sem_alloc : memref<!tpu.dma_semaphore, #tpu.memory_space<semaphore_mem>>
        %dma_start3A_148 = arith.constant 0 : i32
        %dma_start3A_149 = tpu.memref_slice %arg5[%add3A_129, %dma_start3A_148] : memref<40x128xi32, #tpu.memory_space<vmem>> -> memref<1x128xi32, #tpu.memory_space<vmem>>
        %dma_start3A_150 = tpu.memref_squeeze %dma_start3A_149 : memref<1x128xi32, #tpu.memory_space<vmem>> -> memref<128xi32, #tpu.memory_space<vmem>>
        %dma_start3A_151 = arith.constant 0 : i32
        %dma_start3A_152 = arith.constant 0 : i32
        %dma_start3A_153 = tpu.memref_slice %arg11[%dma_start3A_151, %dma_start3A_152] : memref<10112x128xf32, #tpu.memory_space<vmem_shared>> -> memref<10112x128xf32, #tpu.memory_space<vmem_shared>>
        tpu.enqueue_indirect_dma source(%arg7 : memref<128x128xf32, #tpu.memory_space<vmem>>) target(%dma_start3A_153 : memref<10112x128xf32, #tpu.memory_space<vmem_shared>>) offsets(%dma_start3A_150 : memref<128xi32, #tpu.memory_space<vmem>>) semaphore(%run_scoped3A : memref<!tpu.dma_semaphore, #tpu.memory_space<semaphore_mem>>) {add = true}
        %dma_wait3A_154 = arith.constant 0 : i32
        %dma_wait3A_155 = tpu.memref_slice %arg5[%add3A_129, %dma_wait3A_154] : memref<40x128xi32, #tpu.memory_space<vmem>> -> memref<1x128xi32, #tpu.memory_space<vmem>>
        %dma_wait3A_156 = tpu.memref_squeeze %dma_wait3A_155 : memref<1x128xi32, #tpu.memory_space<vmem>> -> memref<128xi32, #tpu.memory_space<vmem>>
        %dma_wait3A_157 = arith.constant 0 : i32
        %dma_wait3A_158 = arith.constant 0 : i32
        %dma_wait3A_159 = tpu.memref_slice %arg11[%dma_wait3A_157, %dma_wait3A_158] : memref<10112x128xf32, #tpu.memory_space<vmem_shared>> -> memref<10112x128xf32, #tpu.memory_space<vmem_shared>>
        tpu.wait_indirect_dma semaphore(%run_scoped3A : memref<!tpu.dma_semaphore, #tpu.memory_space<semaphore_mem>>) src(%arg7 : memref<128x128xf32, #tpu.memory_space<vmem>>) dst(%dma_wait3A_159 : memref<10112x128xf32, #tpu.memory_space<vmem_shared>>)
        tpu.yield
      }) : () -> ()
      %add3A_141 = arith.constant 2 : i32
      %add3A_142 = arith.addi %add3A_129, %add3A_141 : i32
      %lt3A_143 = arith.constant 40 : i32
      %lt3A_144 = arith.cmpi slt, %add3A_142, %lt3A_143 : i32
      %convert_element_type3A_145 = arith.extui %lt3A_144 : i1 to i32
      %cond3A_146 = arith.constant 0 : i32
      %cond3A_147 = arith.cmpi ne, %convert_element_type3A_145, %cond3A_146 : i32
      scf.if %cond3A_147 {
        %add3A_148 = arith.constant 2 : i32
        %add3A_149 = arith.addi %add3A_129, %add3A_148 : i32
        %mul3A_150 = arith.constant 40 : i32
        %mul3A_151 = arith.muli %add3A, %mul3A_150 : i32
        %mul3A_152 = arith.constant 128 : i32
        %mul3A_153 = arith.muli %mul3A_151, %mul3A_152 : i32
        %mul3A_154 = arith.constant 128 : i32
        %mul3A_155 = arith.muli %add3A_149, %mul3A_154 : i32
        %add3A_156 = arith.addi %mul3A_153, %mul3A_155 : i32
        %dma_start3A_157 = arith.constant 0 : i32
        %dma_start3A_158 = tpu.memref_slice %arg2[%add3A_156, %dma_start3A_157] : memref<163840x128xf32, #tpu.memory_space<hbm>> -> memref<128x128xf32, #tpu.memory_space<hbm>>
        %dma_start3A_159 = arith.constant 0 : i32
        %dma_start3A_160 = tpu.memref_slice %arg2[%add3A_156, %dma_start3A_159] : memref<163840x128xf32, #tpu.memory_space<hbm>> -> memref<128x128xf32, #tpu.memory_space<hbm>>
        tpu.enqueue_dma source(%dma_start3A_160 : memref<128x128xf32, #tpu.memory_space<hbm>>) target(%arg7 : memref<128x128xf32, #tpu.memory_space<vmem>>) target_semaphore(%arg9 : memref<!tpu.dma_semaphore, #tpu.memory_space<semaphore_mem>>)
      } else {
      }
    }
    %scan3A_100 = arith.constant 20 : i32
    %barrier3A_101 = arith.constant 0 : index
    tpu.barrier barrier_id(%barrier3A_101)
    %mul3A_102 = arith.constant 632 : i32
    %mul3A_103 = arith.muli %arg1, %mul3A_102 : i32
    %mul3A_104 = arith.constant 632 : i32
    %mul3A_105 = arith.muli %arg1, %mul3A_104 : i32
    "tpu.region"() ({
      %run_scoped3A = tpu.sem_alloc : memref<!tpu.dma_semaphore, #tpu.memory_space<semaphore_mem>>
      %dma_start3A_106 = arith.constant 0 : i32
      %dma_start3A_107 = tpu.memref_slice %arg4[%arg0, %mul3A_105, %dma_start3A_106] : memref<2x10112x128xf32, #tpu.memory_space<hbm>> -> memref<1x632x128xf32, #tpu.memory_space<hbm>>
      %dma_start3A_108 = tpu.memref_squeeze %dma_start3A_107 : memref<1x632x128xf32, #tpu.memory_space<hbm>> -> memref<632x128xf32, #tpu.memory_space<hbm>>
      %dma_start3A_109 = arith.constant 0 : i32
      %dma_start3A_110 = tpu.memref_slice %arg11[%mul3A_103, %dma_start3A_109] : memref<10112x128xf32, #tpu.memory_space<vmem_shared>> -> memref<632x128xf32, #tpu.memory_space<vmem_shared>>
      tpu.enqueue_dma source(%dma_start3A_110 : memref<632x128xf32, #tpu.memory_space<vmem_shared>>) target(%dma_start3A_108 : memref<632x128xf32, #tpu.memory_space<hbm>>) target_semaphore(%run_scoped3A : memref<!tpu.dma_semaphore, #tpu.memory_space<semaphore_mem>>)
      %dma_wait3A_111 = arith.constant 0 : i32
      %dma_wait3A_112 = tpu.memref_slice %arg4[%arg0, %mul3A_105, %dma_wait3A_111] : memref<2x10112x128xf32, #tpu.memory_space<hbm>> -> memref<1x632x128xf32, #tpu.memory_space<hbm>>
      %dma_wait3A_113 = tpu.memref_squeeze %dma_wait3A_112 : memref<1x632x128xf32, #tpu.memory_space<hbm>> -> memref<632x128xf32, #tpu.memory_space<hbm>>
      %dma_wait3A_114 = arith.constant 0 : i32
      %dma_wait3A_115 = tpu.memref_slice %arg11[%mul3A_103, %dma_wait3A_114] : memref<10112x128xf32, #tpu.memory_space<vmem_shared>> -> memref<632x128xf32, #tpu.memory_space<vmem_shared>>
      tpu.wait_dma2 semaphore(%run_scoped3A : memref<!tpu.dma_semaphore, #tpu.memory_space<semaphore_mem>>) src(%dma_wait3A_115 : memref<632x128xf32, #tpu.memory_space<vmem_shared>>) dst(%dma_wait3A_113 : memref<632x128xf32, #tpu.memory_space<hbm>>)
      tpu.yield
    }) : () -> ()
    return
  }
}

module attributes {stable_mosaic.version = 14 : i64} {
  func.func @_prep_body(%arg0: i32, %arg1: memref<1000x9xf32, #tpu.memory_space<vmem>>, %arg2: memref<1000x1xi32, #tpu.memory_space<vmem>>, %arg3: memref<8x512xf32, #tpu.memory_space<vmem>>, %arg4: memref<512x64xf32, #tpu.memory_space<vmem>>, %arg5: memref<1x64xf32, #tpu.memory_space<vmem>>, %arg6: memref<64x64xf32, #tpu.memory_space<vmem>>, %arg7: memref<9x64xf32, #tpu.memory_space<vmem>>, %arg8: memref<1x64xf32, #tpu.memory_space<vmem>>, %arg9: memref<9x128xf32, #tpu.memory_space<vmem>>, %arg10: memref<1x128xf32, #tpu.memory_space<vmem>>, %arg11: memref<1000x128xf32, #tpu.memory_space<vmem>>, %arg12: memref<1000x128xf32, #tpu.memory_space<vmem>>, %arg13: memref<8x64xf32, #tpu.memory_space<vmem>>) attributes {dimension_semantics = [#tpu.dimension_semantics<arbitrary>], iteration_bounds = array<i64: 10>, scalar_prefetch = 0 : i64, scratch_operands = 0 : i64, tpu.core_type = #tpu.core_type<tc>, window_params = [{transform_indices = @transform_0, window_bounds = array<i64: 1000, 9>}, {transform_indices = @transform_1, window_bounds = array<i64: 1000, 1>}, {pipeline_mode = #tpu.pipeline_mode<synchronous>, transform_indices = @transform_2, window_bounds = array<i64: 8, 512>}, {pipeline_mode = #tpu.pipeline_mode<synchronous>, transform_indices = @transform_3, window_bounds = array<i64: 512, 64>}, {pipeline_mode = #tpu.pipeline_mode<synchronous>, transform_indices = @transform_4, window_bounds = array<i64: 1, 64>}, {pipeline_mode = #tpu.pipeline_mode<synchronous>, transform_indices = @transform_5, window_bounds = array<i64: 64, 64>}, {pipeline_mode = #tpu.pipeline_mode<synchronous>, transform_indices = @transform_6, window_bounds = array<i64: 9, 64>}, {pipeline_mode = #tpu.pipeline_mode<synchronous>, transform_indices = @transform_7, window_bounds = array<i64: 1, 64>}, {pipeline_mode = #tpu.pipeline_mode<synchronous>, transform_indices = @transform_8, window_bounds = array<i64: 9, 128>}, {pipeline_mode = #tpu.pipeline_mode<synchronous>, transform_indices = @transform_9, window_bounds = array<i64: 1, 128>}, {transform_indices = @transform_10, window_bounds = array<i64: 1000, 128>}, {transform_indices = @transform_11, window_bounds = array<i64: 1000, 128>}, {pipeline_mode = #tpu.pipeline_mode<synchronous>, transform_indices = @transform_12, window_bounds = array<i64: 8, 64>}]} {
    %get3A = arith.constant 0 : index
    %get3A_0 = arith.constant 0 : index
    %get3A_1 = vector.load %arg3[%get3A, %get3A_0] : memref<8x512xf32, #tpu.memory_space<vmem>>, vector<8x512xf32>
    %get3A_2 = arith.constant 0 : index
    %get3A_3 = arith.constant 0 : index
    %get3A_4 = vector.load %arg4[%get3A_2, %get3A_3] : memref<512x64xf32, #tpu.memory_space<vmem>>, vector<512x64xf32>
    %dot_general3A = arith.constant dense<0.000000e+00> : vector<8x64xf32>
    %dot_general3A_5 = tpu.matmul %get3A_1, %get3A_4, %dot_general3A {dimension_numbers = #tpu.dot_dimension_numbers<[1], [0], [0], [1], [0, 0, 1, 1], [], []>, transpose_lhs_hint = false} : vector<8x512xf32>, vector<512x64xf32>, vector<8x64xf32> -> vector<8x64xf32>
    %get3A_6 = arith.constant 0 : index
    %get3A_7 = arith.constant 0 : index
    %get3A_8 = vector.load %arg5[%get3A_6, %get3A_7] : memref<1x64xf32, #tpu.memory_space<vmem>>, vector<1x64xf32>
    %add3A = vector.broadcast %get3A_8 : vector<1x64xf32> to vector<8x64xf32>
    %add3A_9 = arith.addf %dot_general3A_5, %add3A : vector<8x64xf32>
    %get3A_10 = arith.constant 0 : index
    %get3A_11 = arith.constant 0 : index
    %get3A_12 = vector.load %arg6[%get3A_10, %get3A_11] : memref<64x64xf32, #tpu.memory_space<vmem>>, vector<64x64xf32>
    %dot_general3A_13 = arith.constant dense<0.000000e+00> : vector<8x64xf32>
    %dot_general3A_14 = tpu.matmul %add3A_9, %get3A_12, %dot_general3A_13 {dimension_numbers = #tpu.dot_dimension_numbers<[1], [0], [0], [1], [0, 0, 1, 1], [], []>, transpose_lhs_hint = false} : vector<8x64xf32>, vector<64x64xf32>, vector<8x64xf32> -> vector<8x64xf32>
    %get3A_15 = arith.constant 0 : index
    %get3A_16 = arith.constant 0 : index
    %get3A_17 = vector.load %arg1[%get3A_15, %get3A_16] : memref<1000x9xf32, #tpu.memory_space<vmem>>, vector<1000x9xf32>
    %iota3A = tpu.iota {dimensions = array<i32: 1>} : vector<1000x8xi32>
    %get3A_18 = arith.constant 0 : index
    %get3A_19 = arith.constant 0 : index
    %get3A_20 = vector.load %arg2[%get3A_18, %get3A_19] : memref<1000x1xi32, #tpu.memory_space<vmem>>, vector<1000x1xi32>
    %eq3A = vector.broadcast %get3A_20 : vector<1000x1xi32> to vector<1000x8xi32>
    %eq3A_21 = arith.cmpi eq, %eq3A, %iota3A : vector<1000x8xi32>
    %convert_element_type3A = arith.extui %eq3A_21 : vector<1000x8xi1> to vector<1000x8xi32>
    %convert_element_type3A_22 = arith.sitofp %convert_element_type3A : vector<1000x8xi32> to vector<1000x8xf32>
    %get3A_23 = arith.constant 0 : index
    %get3A_24 = arith.constant 0 : index
    %get3A_25 = vector.load %arg7[%get3A_23, %get3A_24] : memref<9x64xf32, #tpu.memory_space<vmem>>, vector<9x64xf32>
    %dot_general3A_26 = arith.constant dense<0.000000e+00> : vector<1000x64xf32>
    %dot_general3A_27 = tpu.matmul %get3A_17, %get3A_25, %dot_general3A_26 {dimension_numbers = #tpu.dot_dimension_numbers<[1], [0], [0], [1], [0, 0, 1, 1], [], []>, transpose_lhs_hint = false} : vector<1000x9xf32>, vector<9x64xf32>, vector<1000x64xf32> -> vector<1000x64xf32>
    %dot_general3A_28 = arith.constant dense<0.000000e+00> : vector<1000x64xf32>
    %dot_general3A_29 = tpu.matmul %convert_element_type3A_22, %dot_general3A_14, %dot_general3A_28 {dimension_numbers = #tpu.dot_dimension_numbers<[1], [0], [0], [1], [0, 0, 1, 1], [], []>, transpose_lhs_hint = false} : vector<1000x8xf32>, vector<8x64xf32>, vector<1000x64xf32> -> vector<1000x64xf32>
    %add3A_30 = arith.addf %dot_general3A_27, %dot_general3A_29 : vector<1000x64xf32>
    %get3A_31 = arith.constant 0 : index
    %get3A_32 = arith.constant 0 : index
    %get3A_33 = vector.load %arg8[%get3A_31, %get3A_32] : memref<1x64xf32, #tpu.memory_space<vmem>>, vector<1x64xf32>
    %add3A_34 = vector.broadcast %get3A_33 : vector<1x64xf32> to vector<1000x64xf32>
    %add3A_35 = arith.addf %add3A_30, %add3A_34 : vector<1000x64xf32>
    %broadcast_in_dim3A = arith.constant 0.000000e+00 : f32
    %broadcast_in_dim3A_36 = vector.broadcast %broadcast_in_dim3A : f32 to vector<1000x64xf32>
    %concatenate3A = tpu.concatenate %add3A_35, %broadcast_in_dim3A_36 in 1 : vector<1000x64xf32>, vector<1000x64xf32> -> vector<1000x128xf32>
    %swap3A = arith.constant 0 : index
    %swap3A_37 = arith.constant 0 : index
    %swap3A_38 = vector.load %arg11[%swap3A, %swap3A_37] : memref<1000x128xf32, #tpu.memory_space<vmem>>, vector<1000x128xf32>
    tpu.vector_store %arg11[%swap3A, %swap3A_37], %concatenate3A {strides = array<i32>} : memref<1000x128xf32, #tpu.memory_space<vmem>>, vector<1000x128xf32>,
    %get3A_39 = arith.constant 0 : index
    %get3A_40 = arith.constant 0 : index
    %get3A_41 = vector.load %arg9[%get3A_39, %get3A_40] : memref<9x128xf32, #tpu.memory_space<vmem>>, vector<9x128xf32>
    %dot_general3A_42 = arith.constant dense<0.000000e+00> : vector<1000x128xf32>
    %dot_general3A_43 = tpu.matmul %get3A_17, %get3A_41, %dot_general3A_42 {dimension_numbers = #tpu.dot_dimension_numbers<[1], [0], [0], [1], [0, 0, 1, 1], [], []>, transpose_lhs_hint = false} : vector<1000x9xf32>, vector<9x128xf32>, vector<1000x128xf32> -> vector<1000x128xf32>
    %get3A_44 = arith.constant 0 : index
    %get3A_45 = arith.constant 0 : index
    %get3A_46 = vector.load %arg10[%get3A_44, %get3A_45] : memref<1x128xf32, #tpu.memory_space<vmem>>, vector<1x128xf32>
    %add3A_47 = vector.broadcast %get3A_46 : vector<1x128xf32> to vector<1000x128xf32>
    %add3A_48 = arith.addf %dot_general3A_43, %add3A_47 : vector<1000x128xf32>
    %swap3A_49 = arith.constant 0 : index
    %swap3A_50 = arith.constant 0 : index
    %swap3A_51 = vector.load %arg12[%swap3A_49, %swap3A_50] : memref<1000x128xf32, #tpu.memory_space<vmem>>, vector<1000x128xf32>
    tpu.vector_store %arg12[%swap3A_49, %swap3A_50], %add3A_48 {strides = array<i32>} : memref<1000x128xf32, #tpu.memory_space<vmem>>, vector<1000x128xf32>,
    %swap3A_52 = arith.constant 0 : index
    %swap3A_53 = arith.constant 0 : index
    %swap3A_54 = vector.load %arg13[%swap3A_52, %swap3A_53] : memref<8x64xf32, #tpu.memory_space<vmem>>, vector<8x64xf32>
    tpu.vector_store %arg13[%swap3A_52, %swap3A_53], %add3A_9 {strides = array<i32>} : memref<8x64xf32, #tpu.memory_space<vmem>>, vector<8x64xf32>,
    return
  }
  func.func @transform_0(%arg0: i32) -> (i32, i32) {
    %c0_i32 = arith.constant 0 : i32
    %c0_i32_0 = arith.constant 0 : i32
    return %arg0, %c0_i32 : i32, i32
  }
  func.func @transform_1(%arg0: i32) -> (i32, i32) {
    %c0_i32 = arith.constant 0 : i32
    %c0_i32_0 = arith.constant 0 : i32
    return %arg0, %c0_i32 : i32, i32
  }
  func.func @transform_2(%arg0: i32) -> (i32, i32) {
    %c0_i32 = arith.constant 0 : i32
    %c0_i32_0 = arith.constant 0 : i32
    %c0_i32_1 = arith.constant 0 : i32
    return %c0_i32, %c0_i32_0 : i32, i32
  }
  func.func @transform_3(%arg0: i32) -> (i32, i32) {
    %c0_i32 = arith.constant 0 : i32
    %c0_i32_0 = arith.constant 0 : i32
    %c0_i32_1 = arith.constant 0 : i32
    return %c0_i32, %c0_i32_0 : i32, i32
  }
  func.func @transform_4(%arg0: i32) -> (i32, i32) {
    %c0_i32 = arith.constant 0 : i32
    %c0_i32_0 = arith.constant 0 : i32
    %c0_i32_1 = arith.constant 0 : i32
    return %c0_i32, %c0_i32_0 : i32, i32
  }
  func.func @transform_5(%arg0: i32) -> (i32, i32) {
    %c0_i32 = arith.constant 0 : i32
    %c0_i32_0 = arith.constant 0 : i32
    %c0_i32_1 = arith.constant 0 : i32
    return %c0_i32, %c0_i32_0 : i32, i32
  }
  func.func @transform_6(%arg0: i32) -> (i32, i32) {
    %c0_i32 = arith.constant 0 : i32
    %c0_i32_0 = arith.constant 0 : i32
    %c0_i32_1 = arith.constant 0 : i32
    return %c0_i32, %c0_i32_0 : i32, i32
  }
  func.func @transform_7(%arg0: i32) -> (i32, i32) {
    %c0_i32 = arith.constant 0 : i32
    %c0_i32_0 = arith.constant 0 : i32
    %c0_i32_1 = arith.constant 0 : i32
    return %c0_i32, %c0_i32_0 : i32, i32
  }
  func.func @transform_8(%arg0: i32) -> (i32, i32) {
    %c0_i32 = arith.constant 0 : i32
    %c0_i32_0 = arith.constant 0 : i32
    %c0_i32_1 = arith.constant 0 : i32
    return %c0_i32, %c0_i32_0 : i32, i32
  }
  func.func @transform_9(%arg0: i32) -> (i32, i32) {
    %c0_i32 = arith.constant 0 : i32
    %c0_i32_0 = arith.constant 0 : i32
    %c0_i32_1 = arith.constant 0 : i32
    return %c0_i32, %c0_i32_0 : i32, i32
  }
  func.func @transform_10(%arg0: i32) -> (i32, i32) {
    %c0_i32 = arith.constant 0 : i32
    %c0_i32_0 = arith.constant 0 : i32
    return %arg0, %c0_i32 : i32, i32
  }
  func.func @transform_11(%arg0: i32) -> (i32, i32) {
    %c0_i32 = arith.constant 0 : i32
    %c0_i32_0 = arith.constant 0 : i32
    return %arg0, %c0_i32 : i32, i32
  }
  func.func @transform_12(%arg0: i32) -> (i32, i32) {
    %c0_i32 = arith.constant 0 : i32
    %c0_i32_0 = arith.constant 0 : i32
    %c0_i32_1 = arith.constant 0 : i32
    return %c0_i32, %c0_i32_0 : i32, i32
  }
}

module attributes {stable_mosaic.version = 14 : i64} {
  func.func @_edge_body(%arg0: i32, %arg1: memref<4096x128xf32, #tpu.memory_space<vmem>>, %arg2: memref<4096x128xf32, #tpu.memory_space<vmem>>, %arg3: memref<4096x1xf32, #tpu.memory_space<vmem>>, %arg4: memref<64x64xf32, #tpu.memory_space<vmem>>, %arg5: memref<1x64xf32, #tpu.memory_space<vmem>>, %arg6: memref<64x64xf32, #tpu.memory_space<vmem>>, %arg7: memref<64x64xf32, #tpu.memory_space<vmem>>, %arg8: memref<1x64xf32, #tpu.memory_space<vmem>>, %arg9: memref<1x64xf32, #tpu.memory_space<vmem>>, %arg10: memref<4096x128xf32, #tpu.memory_space<vmem>>) attributes {dimension_semantics = [#tpu.dimension_semantics<arbitrary>], iteration_bounds = array<i64: 40>, scalar_prefetch = 0 : i64, scratch_operands = 0 : i64, tpu.core_type = #tpu.core_type<tc>, window_params = [{transform_indices = @transform_0, window_bounds = array<i64: 4096, 128>}, {transform_indices = @transform_1, window_bounds = array<i64: 4096, 128>}, {transform_indices = @transform_2, window_bounds = array<i64: 4096, 1>}, {pipeline_mode = #tpu.pipeline_mode<synchronous>, transform_indices = @transform_3, window_bounds = array<i64: 64, 64>}, {pipeline_mode = #tpu.pipeline_mode<synchronous>, transform_indices = @transform_4, window_bounds = array<i64: 1, 64>}, {pipeline_mode = #tpu.pipeline_mode<synchronous>, transform_indices = @transform_5, window_bounds = array<i64: 64, 64>}, {pipeline_mode = #tpu.pipeline_mode<synchronous>, transform_indices = @transform_6, window_bounds = array<i64: 64, 64>}, {pipeline_mode = #tpu.pipeline_mode<synchronous>, transform_indices = @transform_7, window_bounds = array<i64: 1, 64>}, {pipeline_mode = #tpu.pipeline_mode<synchronous>, transform_indices = @transform_8, window_bounds = array<i64: 1, 64>}, {transform_indices = @transform_9, window_bounds = array<i64: 4096, 128>}]} {
    %get3A = arith.constant 0 : index
    %get3A_0 = arith.constant 0 : index
    %get3A_1 = vector.load %arg1[%get3A, %get3A_0] : memref<4096x128xf32, #tpu.memory_space<vmem>>, vector<4096x128xf32>
    %get3A_2 = arith.constant 0 : index
    %get3A_3 = arith.constant 0 : index
    %get3A_4 = vector.load %arg2[%get3A_2, %get3A_3] : memref<4096x128xf32, #tpu.memory_space<vmem>>, vector<4096x128xf32>
    %slice3A = vector.extract_strided_slice %get3A_1 {offsets = [0, 0], sizes = [4096, 64], strides = [1, 1]} : vector<4096x128xf32> to vector<4096x64xf32>
    %slice3A_5 = vector.extract_strided_slice %get3A_4 {offsets = [0, 0], sizes = [4096, 64], strides = [1, 1]} : vector<4096x128xf32> to vector<4096x64xf32>
    %add3A = arith.addf %slice3A, %slice3A_5 : vector<4096x64xf32>
    %get3A_6 = arith.constant 0 : index
    %get3A_7 = arith.constant 0 : index
    %get3A_8 = vector.load %arg3[%get3A_6, %get3A_7] : memref<4096x1xf32, #tpu.memory_space<vmem>>, vector<4096x1xf32>
    %get3A_9 = arith.constant 0 : index
    %get3A_10 = arith.constant 0 : index
    %get3A_11 = vector.load %arg9[%get3A_9, %get3A_10] : memref<1x64xf32, #tpu.memory_space<vmem>>, vector<1x64xf32>
    %mul3A = vector.broadcast %get3A_8 : vector<4096x1xf32> to vector<4096x64xf32>
    %mul3A_12 = vector.broadcast %get3A_11 : vector<1x64xf32> to vector<4096x64xf32>
    %mul3A_13 = arith.mulf %mul3A, %mul3A_12 : vector<4096x64xf32>
    %add3A_14 = arith.addf %add3A, %mul3A_13 : vector<4096x64xf32>
    %max3A = arith.constant 0.000000e+00 : f32
    %max3A_15 = vector.broadcast %max3A : f32 to vector<4096x64xf32>
    %max3A_16 = arith.maximumf %add3A_14, %max3A_15 : vector<4096x64xf32>
    %get3A_17 = arith.constant 0 : index
    %get3A_18 = arith.constant 0 : index
    %get3A_19 = vector.load %arg4[%get3A_17, %get3A_18] : memref<64x64xf32, #tpu.memory_space<vmem>>, vector<64x64xf32>
    %dot_general3A = arith.constant dense<0.000000e+00> : vector<4096x64xf32>
    %dot_general3A_20 = tpu.matmul %max3A_16, %get3A_19, %dot_general3A {dimension_numbers = #tpu.dot_dimension_numbers<[1], [0], [0], [1], [0, 0, 1, 1], [], []>, transpose_lhs_hint = false} : vector<4096x64xf32>, vector<64x64xf32>, vector<4096x64xf32> -> vector<4096x64xf32>
    %get3A_21 = arith.constant 0 : index
    %get3A_22 = arith.constant 0 : index
    %get3A_23 = vector.load %arg5[%get3A_21, %get3A_22] : memref<1x64xf32, #tpu.memory_space<vmem>>, vector<1x64xf32>
    %add3A_24 = vector.broadcast %get3A_23 : vector<1x64xf32> to vector<4096x64xf32>
    %add3A_25 = arith.addf %dot_general3A_20, %add3A_24 : vector<4096x64xf32>
    %max3A_26 = arith.constant 0.000000e+00 : f32
    %max3A_27 = vector.broadcast %max3A_26 : f32 to vector<4096x64xf32>
    %max3A_28 = arith.maximumf %add3A_25, %max3A_27 : vector<4096x64xf32>
    %get3A_29 = arith.constant 0 : index
    %get3A_30 = arith.constant 0 : index
    %get3A_31 = vector.load %arg6[%get3A_29, %get3A_30] : memref<64x64xf32, #tpu.memory_space<vmem>>, vector<64x64xf32>
    %dot_general3A_32 = arith.constant dense<0.000000e+00> : vector<4096x64xf32>
    %dot_general3A_33 = tpu.matmul %max3A_28, %get3A_31, %dot_general3A_32 {dimension_numbers = #tpu.dot_dimension_numbers<[1], [0], [0], [1], [0, 0, 1, 1], [], []>, transpose_lhs_hint = false} : vector<4096x64xf32>, vector<64x64xf32>, vector<4096x64xf32> -> vector<4096x64xf32>
    %slice3A_34 = vector.extract_strided_slice %get3A_4 {offsets = [0, 64], sizes = [4096, 64], strides = [1, 1]} : vector<4096x128xf32> to vector<4096x64xf32>
    %add3A_35 = arith.addf %dot_general3A_33, %slice3A_34 : vector<4096x64xf32>
    %max3A_36 = arith.constant 0.000000e+00 : f32
    %max3A_37 = vector.broadcast %max3A_36 : f32 to vector<4096x64xf32>
    %max3A_38 = arith.maximumf %add3A_35, %max3A_37 : vector<4096x64xf32>
    %get3A_39 = arith.constant 0 : index
    %get3A_40 = arith.constant 0 : index
    %get3A_41 = vector.load %arg7[%get3A_39, %get3A_40] : memref<64x64xf32, #tpu.memory_space<vmem>>, vector<64x64xf32>
    %dot_general3A_42 = arith.constant dense<0.000000e+00> : vector<4096x64xf32>
    %dot_general3A_43 = tpu.matmul %max3A_38, %get3A_41, %dot_general3A_42 {dimension_numbers = #tpu.dot_dimension_numbers<[1], [0], [0], [1], [0, 0, 1, 1], [], []>, transpose_lhs_hint = false} : vector<4096x64xf32>, vector<64x64xf32>, vector<4096x64xf32> -> vector<4096x64xf32>
    %get3A_44 = arith.constant 0 : index
    %get3A_45 = arith.constant 0 : index
    %get3A_46 = vector.load %arg8[%get3A_44, %get3A_45] : memref<1x64xf32, #tpu.memory_space<vmem>>, vector<1x64xf32>
    %add3A_47 = vector.broadcast %get3A_46 : vector<1x64xf32> to vector<4096x64xf32>
    %add3A_48 = arith.addf %dot_general3A_43, %add3A_47 : vector<4096x64xf32>
    %max3A_49 = arith.constant 0.000000e+00 : f32
    %max3A_50 = vector.broadcast %max3A_49 : f32 to vector<4096x64xf32>
    %max3A_51 = arith.maximumf %add3A_48, %max3A_50 : vector<4096x64xf32>
    %iota3A = tpu.iota {dimensions = array<i32: 1>} : vector<4096x64xi32>
    %eq3A = arith.constant 0 : i32
    %eq3A_52 = vector.broadcast %eq3A : i32 to vector<4096x64xi32>
    %eq3A_53 = arith.cmpi eq, %iota3A, %eq3A_52 : vector<4096x64xi32>
    %jit3A = arith.constant 1.000000e+00 : f32
    %jit3A_54 = arith.constant 0.000000e+00 : f32
    %broadcast_in_dim3A = vector.broadcast %jit3A : f32 to vector<4096x64xf32>
    %broadcast_in_dim3A_55 = vector.broadcast %jit3A_54 : f32 to vector<4096x64xf32>
    %select_n3A = arith.select %eq3A_53, %broadcast_in_dim3A, %broadcast_in_dim3A_55 : vector<4096x64xi1>, vector<4096x64xf32>
    %concatenate3A = tpu.concatenate %max3A_51, %select_n3A in 1 : vector<4096x64xf32>, vector<4096x64xf32> -> vector<4096x128xf32>
    %swap3A = arith.constant 0 : index
    %swap3A_56 = arith.constant 0 : index
    %swap3A_57 = vector.load %arg10[%swap3A, %swap3A_56] : memref<4096x128xf32, #tpu.memory_space<vmem>>, vector<4096x128xf32>
    tpu.vector_store %arg10[%swap3A, %swap3A_56], %concatenate3A {strides = array<i32>} : memref<4096x128xf32, #tpu.memory_space<vmem>>, vector<4096x128xf32>,
    return
  }
  func.func @transform_0(%arg0: i32) -> (i32, i32) {
    %c0_i32 = arith.constant 0 : i32
    %c0_i32_0 = arith.constant 0 : i32
    return %arg0, %c0_i32 : i32, i32
  }
  func.func @transform_1(%arg0: i32) -> (i32, i32) {
    %c0_i32 = arith.constant 0 : i32
    %c0_i32_0 = arith.constant 0 : i32
    return %arg0, %c0_i32 : i32, i32
  }
  func.func @transform_2(%arg0: i32) -> (i32, i32) {
    %add3A = arith.constant 40 : i32
    %add3A_0 = arith.addi %arg0, %add3A : i32
    %c0_i32 = arith.constant 0 : i32
    %c0_i32_1 = arith.constant 0 : i32
    return %add3A_0, %c0_i32 : i32, i32
  }
  func.func @transform_3(%arg0: i32) -> (i32, i32) {
    %c0_i32 = arith.constant 0 : i32
    %c0_i32_0 = arith.constant 0 : i32
    %c0_i32_1 = arith.constant 0 : i32
    return %c0_i32, %c0_i32_0 : i32, i32
  }
  func.func @transform_4(%arg0: i32) -> (i32, i32) {
    %c0_i32 = arith.constant 0 : i32
    %c0_i32_0 = arith.constant 0 : i32
    %c0_i32_1 = arith.constant 0 : i32
    return %c0_i32, %c0_i32_0 : i32, i32
  }
  func.func @transform_5(%arg0: i32) -> (i32, i32) {
    %c0_i32 = arith.constant 0 : i32
    %c0_i32_0 = arith.constant 0 : i32
    %c0_i32_1 = arith.constant 0 : i32
    return %c0_i32, %c0_i32_0 : i32, i32
  }
  func.func @transform_6(%arg0: i32) -> (i32, i32) {
    %c0_i32 = arith.constant 0 : i32
    %c0_i32_0 = arith.constant 0 : i32
    %c0_i32_1 = arith.constant 0 : i32
    return %c0_i32, %c0_i32_0 : i32, i32
  }
  func.func @transform_7(%arg0: i32) -> (i32, i32) {
    %c0_i32 = arith.constant 0 : i32
    %c0_i32_0 = arith.constant 0 : i32
    %c0_i32_1 = arith.constant 0 : i32
    return %c0_i32, %c0_i32_0 : i32, i32
  }
  func.func @transform_8(%arg0: i32) -> (i32, i32) {
    %c0_i32 = arith.constant 0 : i32
    %c0_i32_0 = arith.constant 0 : i32
    %c0_i32_1 = arith.constant 0 : i32
    return %c0_i32, %c0_i32_0 : i32, i32
  }
  func.func @transform_9(%arg0: i32) -> (i32, i32) {
    %c0_i32 = arith.constant 0 : i32
    %c0_i32_0 = arith.constant 0 : i32
    return %arg0, %c0_i32 : i32, i32
  }
}

module attributes {stable_mosaic.version = 14 : i64} {
  func.func @_edge_body(%arg0: i32, %arg1: memref<4096x128xf32, #tpu.memory_space<vmem>>, %arg2: memref<4096x128xf32, #tpu.memory_space<vmem>>, %arg3: memref<4096x1xf32, #tpu.memory_space<vmem>>, %arg4: memref<64x64xf32, #tpu.memory_space<vmem>>, %arg5: memref<1x64xf32, #tpu.memory_space<vmem>>, %arg6: memref<64x64xf32, #tpu.memory_space<vmem>>, %arg7: memref<64x64xf32, #tpu.memory_space<vmem>>, %arg8: memref<1x64xf32, #tpu.memory_space<vmem>>, %arg9: memref<1x64xf32, #tpu.memory_space<vmem>>, %arg10: memref<4096x128xf32, #tpu.memory_space<vmem>>) attributes {dimension_semantics = [#tpu.dimension_semantics<arbitrary>], iteration_bounds = array<i64: 40>, scalar_prefetch = 0 : i64, scratch_operands = 0 : i64, tpu.core_type = #tpu.core_type<tc>, window_params = [{transform_indices = @transform_0, window_bounds = array<i64: 4096, 128>}, {transform_indices = @transform_1, window_bounds = array<i64: 4096, 128>}, {transform_indices = @transform_2, window_bounds = array<i64: 4096, 1>}, {pipeline_mode = #tpu.pipeline_mode<synchronous>, transform_indices = @transform_3, window_bounds = array<i64: 64, 64>}, {pipeline_mode = #tpu.pipeline_mode<synchronous>, transform_indices = @transform_4, window_bounds = array<i64: 1, 64>}, {pipeline_mode = #tpu.pipeline_mode<synchronous>, transform_indices = @transform_5, window_bounds = array<i64: 64, 64>}, {pipeline_mode = #tpu.pipeline_mode<synchronous>, transform_indices = @transform_6, window_bounds = array<i64: 64, 64>}, {pipeline_mode = #tpu.pipeline_mode<synchronous>, transform_indices = @transform_7, window_bounds = array<i64: 1, 64>}, {pipeline_mode = #tpu.pipeline_mode<synchronous>, transform_indices = @transform_8, window_bounds = array<i64: 1, 64>}, {transform_indices = @transform_9, window_bounds = array<i64: 4096, 128>}]} {
    %get3A = arith.constant 0 : index
    %get3A_0 = arith.constant 0 : index
    %get3A_1 = vector.load %arg1[%get3A, %get3A_0] : memref<4096x128xf32, #tpu.memory_space<vmem>>, vector<4096x128xf32>
    %get3A_2 = arith.constant 0 : index
    %get3A_3 = arith.constant 0 : index
    %get3A_4 = vector.load %arg2[%get3A_2, %get3A_3] : memref<4096x128xf32, #tpu.memory_space<vmem>>, vector<4096x128xf32>
    %slice3A = vector.extract_strided_slice %get3A_1 {offsets = [0, 0], sizes = [4096, 64], strides = [1, 1]} : vector<4096x128xf32> to vector<4096x64xf32>
    %slice3A_5 = vector.extract_strided_slice %get3A_4 {offsets = [0, 0], sizes = [4096, 64], strides = [1, 1]} : vector<4096x128xf32> to vector<4096x64xf32>
    %add3A = arith.addf %slice3A, %slice3A_5 : vector<4096x64xf32>
    %get3A_6 = arith.constant 0 : index
    %get3A_7 = arith.constant 0 : index
    %get3A_8 = vector.load %arg3[%get3A_6, %get3A_7] : memref<4096x1xf32, #tpu.memory_space<vmem>>, vector<4096x1xf32>
    %get3A_9 = arith.constant 0 : index
    %get3A_10 = arith.constant 0 : index
    %get3A_11 = vector.load %arg9[%get3A_9, %get3A_10] : memref<1x64xf32, #tpu.memory_space<vmem>>, vector<1x64xf32>
    %mul3A = vector.broadcast %get3A_8 : vector<4096x1xf32> to vector<4096x64xf32>
    %mul3A_12 = vector.broadcast %get3A_11 : vector<1x64xf32> to vector<4096x64xf32>
    %mul3A_13 = arith.mulf %mul3A, %mul3A_12 : vector<4096x64xf32>
    %add3A_14 = arith.addf %add3A, %mul3A_13 : vector<4096x64xf32>
    %max3A = arith.constant 0.000000e+00 : f32
    %max3A_15 = vector.broadcast %max3A : f32 to vector<4096x64xf32>
    %max3A_16 = arith.maximumf %add3A_14, %max3A_15 : vector<4096x64xf32>
    %get3A_17 = arith.constant 0 : index
    %get3A_18 = arith.constant 0 : index
    %get3A_19 = vector.load %arg4[%get3A_17, %get3A_18] : memref<64x64xf32, #tpu.memory_space<vmem>>, vector<64x64xf32>
    %dot_general3A = arith.constant dense<0.000000e+00> : vector<4096x64xf32>
    %dot_general3A_20 = tpu.matmul %max3A_16, %get3A_19, %dot_general3A {dimension_numbers = #tpu.dot_dimension_numbers<[1], [0], [0], [1], [0, 0, 1, 1], [], []>, transpose_lhs_hint = false} : vector<4096x64xf32>, vector<64x64xf32>, vector<4096x64xf32> -> vector<4096x64xf32>
    %get3A_21 = arith.constant 0 : index
    %get3A_22 = arith.constant 0 : index
    %get3A_23 = vector.load %arg5[%get3A_21, %get3A_22] : memref<1x64xf32, #tpu.memory_space<vmem>>, vector<1x64xf32>
    %add3A_24 = vector.broadcast %get3A_23 : vector<1x64xf32> to vector<4096x64xf32>
    %add3A_25 = arith.addf %dot_general3A_20, %add3A_24 : vector<4096x64xf32>
    %max3A_26 = arith.constant 0.000000e+00 : f32
    %max3A_27 = vector.broadcast %max3A_26 : f32 to vector<4096x64xf32>
    %max3A_28 = arith.maximumf %add3A_25, %max3A_27 : vector<4096x64xf32>
    %get3A_29 = arith.constant 0 : index
    %get3A_30 = arith.constant 0 : index
    %get3A_31 = vector.load %arg6[%get3A_29, %get3A_30] : memref<64x64xf32, #tpu.memory_space<vmem>>, vector<64x64xf32>
    %dot_general3A_32 = arith.constant dense<0.000000e+00> : vector<4096x64xf32>
    %dot_general3A_33 = tpu.matmul %max3A_28, %get3A_31, %dot_general3A_32 {dimension_numbers = #tpu.dot_dimension_numbers<[1], [0], [0], [1], [0, 0, 1, 1], [], []>, transpose_lhs_hint = false} : vector<4096x64xf32>, vector<64x64xf32>, vector<4096x64xf32> -> vector<4096x64xf32>
    %slice3A_34 = vector.extract_strided_slice %get3A_4 {offsets = [0, 64], sizes = [4096, 64], strides = [1, 1]} : vector<4096x128xf32> to vector<4096x64xf32>
    %add3A_35 = arith.addf %dot_general3A_33, %slice3A_34 : vector<4096x64xf32>
    %max3A_36 = arith.constant 0.000000e+00 : f32
    %max3A_37 = vector.broadcast %max3A_36 : f32 to vector<4096x64xf32>
    %max3A_38 = arith.maximumf %add3A_35, %max3A_37 : vector<4096x64xf32>
    %get3A_39 = arith.constant 0 : index
    %get3A_40 = arith.constant 0 : index
    %get3A_41 = vector.load %arg7[%get3A_39, %get3A_40] : memref<64x64xf32, #tpu.memory_space<vmem>>, vector<64x64xf32>
    %dot_general3A_42 = arith.constant dense<0.000000e+00> : vector<4096x64xf32>
    %dot_general3A_43 = tpu.matmul %max3A_38, %get3A_41, %dot_general3A_42 {dimension_numbers = #tpu.dot_dimension_numbers<[1], [0], [0], [1], [0, 0, 1, 1], [], []>, transpose_lhs_hint = false} : vector<4096x64xf32>, vector<64x64xf32>, vector<4096x64xf32> -> vector<4096x64xf32>
    %get3A_44 = arith.constant 0 : index
    %get3A_45 = arith.constant 0 : index
    %get3A_46 = vector.load %arg8[%get3A_44, %get3A_45] : memref<1x64xf32, #tpu.memory_space<vmem>>, vector<1x64xf32>
    %add3A_47 = vector.broadcast %get3A_46 : vector<1x64xf32> to vector<4096x64xf32>
    %add3A_48 = arith.addf %dot_general3A_43, %add3A_47 : vector<4096x64xf32>
    %max3A_49 = arith.constant 0.000000e+00 : f32
    %max3A_50 = vector.broadcast %max3A_49 : f32 to vector<4096x64xf32>
    %max3A_51 = arith.maximumf %add3A_48, %max3A_50 : vector<4096x64xf32>
    %iota3A = tpu.iota {dimensions = array<i32: 1>} : vector<4096x64xi32>
    %eq3A = arith.constant 0 : i32
    %eq3A_52 = vector.broadcast %eq3A : i32 to vector<4096x64xi32>
    %eq3A_53 = arith.cmpi eq, %iota3A, %eq3A_52 : vector<4096x64xi32>
    %jit3A = arith.constant 1.000000e+00 : f32
    %jit3A_54 = arith.constant 0.000000e+00 : f32
    %broadcast_in_dim3A = vector.broadcast %jit3A : f32 to vector<4096x64xf32>
    %broadcast_in_dim3A_55 = vector.broadcast %jit3A_54 : f32 to vector<4096x64xf32>
    %select_n3A = arith.select %eq3A_53, %broadcast_in_dim3A, %broadcast_in_dim3A_55 : vector<4096x64xi1>, vector<4096x64xf32>
    %concatenate3A = tpu.concatenate %max3A_51, %select_n3A in 1 : vector<4096x64xf32>, vector<4096x64xf32> -> vector<4096x128xf32>
    %swap3A = arith.constant 0 : index
    %swap3A_56 = arith.constant 0 : index
    %swap3A_57 = vector.load %arg10[%swap3A, %swap3A_56] : memref<4096x128xf32, #tpu.memory_space<vmem>>, vector<4096x128xf32>
    tpu.vector_store %arg10[%swap3A, %swap3A_56], %concatenate3A {strides = array<i32>} : memref<4096x128xf32, #tpu.memory_space<vmem>>, vector<4096x128xf32>,
    return
  }
  func.func @transform_0(%arg0: i32) -> (i32, i32) {
    %c0_i32 = arith.constant 0 : i32
    %c0_i32_0 = arith.constant 0 : i32
    return %arg0, %c0_i32 : i32, i32
  }
  func.func @transform_1(%arg0: i32) -> (i32, i32) {
    %c0_i32 = arith.constant 0 : i32
    %c0_i32_0 = arith.constant 0 : i32
    return %arg0, %c0_i32 : i32, i32
  }
  func.func @transform_2(%arg0: i32) -> (i32, i32) {
    %add3A = arith.constant 0 : i32
    %add3A_0 = arith.addi %arg0, %add3A : i32
    %c0_i32 = arith.constant 0 : i32
    %c0_i32_1 = arith.constant 0 : i32
    return %add3A_0, %c0_i32 : i32, i32
  }
  func.func @transform_3(%arg0: i32) -> (i32, i32) {
    %c0_i32 = arith.constant 0 : i32
    %c0_i32_0 = arith.constant 0 : i32
    %c0_i32_1 = arith.constant 0 : i32
    return %c0_i32, %c0_i32_0 : i32, i32
  }
  func.func @transform_4(%arg0: i32) -> (i32, i32) {
    %c0_i32 = arith.constant 0 : i32
    %c0_i32_0 = arith.constant 0 : i32
    %c0_i32_1 = arith.constant 0 : i32
    return %c0_i32, %c0_i32_0 : i32, i32
  }
  func.func @transform_5(%arg0: i32) -> (i32, i32) {
    %c0_i32 = arith.constant 0 : i32
    %c0_i32_0 = arith.constant 0 : i32
    %c0_i32_1 = arith.constant 0 : i32
    return %c0_i32, %c0_i32_0 : i32, i32
  }
  func.func @transform_6(%arg0: i32) -> (i32, i32) {
    %c0_i32 = arith.constant 0 : i32
    %c0_i32_0 = arith.constant 0 : i32
    %c0_i32_1 = arith.constant 0 : i32
    return %c0_i32, %c0_i32_0 : i32, i32
  }
  func.func @transform_7(%arg0: i32) -> (i32, i32) {
    %c0_i32 = arith.constant 0 : i32
    %c0_i32_0 = arith.constant 0 : i32
    %c0_i32_1 = arith.constant 0 : i32
    return %c0_i32, %c0_i32_0 : i32, i32
  }
  func.func @transform_8(%arg0: i32) -> (i32, i32) {
    %c0_i32 = arith.constant 0 : i32
    %c0_i32_0 = arith.constant 0 : i32
    %c0_i32_1 = arith.constant 0 : i32
    return %c0_i32, %c0_i32_0 : i32, i32
  }
  func.func @transform_9(%arg0: i32) -> (i32, i32) {
    %c0_i32 = arith.constant 0 : i32
    %c0_i32_0 = arith.constant 0 : i32
    return %arg0, %c0_i32 : i32, i32
  }
}

module attributes {stable_mosaic.version = 14 : i64} {
  func.func @_final_body(%arg0: i32, %arg1: memref<1000x9xf32, #tpu.memory_space<vmem>>, %arg2: memref<1000x1xi32, #tpu.memory_space<vmem>>, %arg3: memref<2x1000x128xf32, #tpu.memory_space<vmem>>, %arg4: memref<2x1000x128xf32, #tpu.memory_space<vmem>>, %arg5: memref<8x64xf32, #tpu.memory_space<vmem>>, %arg6: memref<9x64xf32, #tpu.memory_space<vmem>>, %arg7: memref<64x64xf32, #tpu.memory_space<vmem>>, %arg8: memref<64x64xf32, #tpu.memory_space<vmem>>, %arg9: memref<1x64xf32, #tpu.memory_space<vmem>>, %arg10: memref<64x1xf32, #tpu.memory_space<vmem>>, %arg11: memref<1x1xf32, #tpu.memory_space<vmem>>, %arg12: memref<1000x1xf32, #tpu.memory_space<vmem>>) attributes {dimension_semantics = [#tpu.dimension_semantics<arbitrary>], iteration_bounds = array<i64: 10>, scalar_prefetch = 0 : i64, scratch_operands = 0 : i64, tpu.core_type = #tpu.core_type<tc>, window_params = [{transform_indices = @transform_0, window_bounds = array<i64: 1000, 9>}, {transform_indices = @transform_1, window_bounds = array<i64: 1000, 1>}, {transform_indices = @transform_2, window_bounds = array<i64: 2, 1000, 128>}, {transform_indices = @transform_3, window_bounds = array<i64: 2, 1000, 128>}, {pipeline_mode = #tpu.pipeline_mode<synchronous>, transform_indices = @transform_4, window_bounds = array<i64: 8, 64>}, {pipeline_mode = #tpu.pipeline_mode<synchronous>, transform_indices = @transform_5, window_bounds = array<i64: 9, 64>}, {pipeline_mode = #tpu.pipeline_mode<synchronous>, transform_indices = @transform_6, window_bounds = array<i64: 64, 64>}, {pipeline_mode = #tpu.pipeline_mode<synchronous>, transform_indices = @transform_7, window_bounds = array<i64: 64, 64>}, {pipeline_mode = #tpu.pipeline_mode<synchronous>, transform_indices = @transform_8, window_bounds = array<i64: 1, 64>}, {pipeline_mode = #tpu.pipeline_mode<synchronous>, transform_indices = @transform_9, window_bounds = array<i64: 64, 1>}, {pipeline_mode = #tpu.pipeline_mode<synchronous>, transform_indices = @transform_10, window_bounds = array<i64: 1, 1>}, {transform_indices = @transform_11, window_bounds = array<i64: 1000, 1>}]} {
    %get3A = arith.constant 0 : index
    %get3A_0 = arith.constant 0 : index
    %get3A_1 = arith.constant 0 : index
    %get3A_2 = vector.load %arg3[%get3A, %get3A_0, %get3A_1] : memref<2x1000x128xf32, #tpu.memory_space<vmem>>, vector<1x1000x128xf32>
    %get3A_3 = vector.shape_cast %get3A_2 : vector<1x1000x128xf32> to vector<1000x128xf32>
    %get3A_4 = arith.constant 1 : index
    %get3A_5 = arith.constant 0 : index
    %get3A_6 = arith.constant 0 : index
    %get3A_7 = vector.load %arg3[%get3A_4, %get3A_5, %get3A_6] : memref<2x1000x128xf32, #tpu.memory_space<vmem>>, vector<1x1000x128xf32>
    %get3A_8 = vector.shape_cast %get3A_7 : vector<1x1000x128xf32> to vector<1000x128xf32>
    %add3A = arith.addf %get3A_3, %get3A_8 : vector<1000x128xf32>
    %get3A_9 = arith.constant 0 : index
    %get3A_10 = arith.constant 0 : index
    %get3A_11 = arith.constant 0 : index
    %get3A_12 = vector.load %arg4[%get3A_9, %get3A_10, %get3A_11] : memref<2x1000x128xf32, #tpu.memory_space<vmem>>, vector<1x1000x128xf32>
    %get3A_13 = vector.shape_cast %get3A_12 : vector<1x1000x128xf32> to vector<1000x128xf32>
    %add3A_14 = arith.addf %add3A, %get3A_13 : vector<1000x128xf32>
    %get3A_15 = arith.constant 1 : index
    %get3A_16 = arith.constant 0 : index
    %get3A_17 = arith.constant 0 : index
    %get3A_18 = vector.load %arg4[%get3A_15, %get3A_16, %get3A_17] : memref<2x1000x128xf32, #tpu.memory_space<vmem>>, vector<1x1000x128xf32>
    %get3A_19 = vector.shape_cast %get3A_18 : vector<1x1000x128xf32> to vector<1000x128xf32>
    %add3A_20 = arith.addf %add3A_14, %get3A_19 : vector<1000x128xf32>
    %slice3A = vector.extract_strided_slice %add3A_20 {offsets = [0, 64], sizes = [1000, 1], strides = [1, 1]} : vector<1000x128xf32> to vector<1000x1xf32>
    %max3A = arith.constant 1.000000e+00 : f32
    %max3A_21 = vector.broadcast %max3A : f32 to vector<1000x1xf32>
    %max3A_22 = arith.maximumf %slice3A, %max3A_21 : vector<1000x1xf32>
    %slice3A_23 = vector.extract_strided_slice %add3A_20 {offsets = [0, 0], sizes = [1000, 64], strides = [1, 1]} : vector<1000x128xf32> to vector<1000x64xf32>
    %div3A = vector.broadcast %max3A_22 : vector<1000x1xf32> to vector<1000x64xf32>
    %div3A_24 = arith.divf %slice3A_23, %div3A : vector<1000x64xf32>
    %iota3A = tpu.iota {dimensions = array<i32: 1>} : vector<1000x8xi32>
    %get3A_25 = arith.constant 0 : index
    %get3A_26 = arith.constant 0 : index
    %get3A_27 = vector.load %arg2[%get3A_25, %get3A_26] : memref<1000x1xi32, #tpu.memory_space<vmem>>, vector<1000x1xi32>
    %eq3A = vector.broadcast %get3A_27 : vector<1000x1xi32> to vector<1000x8xi32>
    %eq3A_28 = arith.cmpi eq, %eq3A, %iota3A : vector<1000x8xi32>
    %convert_element_type3A = arith.extui %eq3A_28 : vector<1000x8xi1> to vector<1000x8xi32>
    %convert_element_type3A_29 = arith.sitofp %convert_element_type3A : vector<1000x8xi32> to vector<1000x8xf32>
    %get3A_30 = arith.constant 0 : index
    %get3A_31 = arith.constant 0 : index
    %get3A_32 = vector.load %arg5[%get3A_30, %get3A_31] : memref<8x64xf32, #tpu.memory_space<vmem>>, vector<8x64xf32>
    %get3A_33 = arith.constant 0 : index
    %get3A_34 = arith.constant 0 : index
    %get3A_35 = vector.load %arg8[%get3A_33, %get3A_34] : memref<64x64xf32, #tpu.memory_space<vmem>>, vector<64x64xf32>
    %dot_general3A = arith.constant dense<0.000000e+00> : vector<8x64xf32>
    %dot_general3A_36 = tpu.matmul %get3A_32, %get3A_35, %dot_general3A {dimension_numbers = #tpu.dot_dimension_numbers<[1], [0], [0], [1], [0, 0, 1, 1], [], []>, transpose_lhs_hint = false} : vector<8x64xf32>, vector<64x64xf32>, vector<8x64xf32> -> vector<8x64xf32>
    %get3A_37 = arith.constant 0 : index
    %get3A_38 = arith.constant 0 : index
    %get3A_39 = vector.load %arg1[%get3A_37, %get3A_38] : memref<1000x9xf32, #tpu.memory_space<vmem>>, vector<1000x9xf32>
    %get3A_40 = arith.constant 0 : index
    %get3A_41 = arith.constant 0 : index
    %get3A_42 = vector.load %arg6[%get3A_40, %get3A_41] : memref<9x64xf32, #tpu.memory_space<vmem>>, vector<9x64xf32>
    %dot_general3A_43 = arith.constant dense<0.000000e+00> : vector<1000x64xf32>
    %dot_general3A_44 = tpu.matmul %get3A_39, %get3A_42, %dot_general3A_43 {dimension_numbers = #tpu.dot_dimension_numbers<[1], [0], [0], [1], [0, 0, 1, 1], [], []>, transpose_lhs_hint = false} : vector<1000x9xf32>, vector<9x64xf32>, vector<1000x64xf32> -> vector<1000x64xf32>
    %get3A_45 = arith.constant 0 : index
    %get3A_46 = arith.constant 0 : index
    %get3A_47 = vector.load %arg7[%get3A_45, %get3A_46] : memref<64x64xf32, #tpu.memory_space<vmem>>, vector<64x64xf32>
    %dot_general3A_48 = arith.constant dense<0.000000e+00> : vector<1000x64xf32>
    %dot_general3A_49 = tpu.matmul %div3A_24, %get3A_47, %dot_general3A_48 {dimension_numbers = #tpu.dot_dimension_numbers<[1], [0], [0], [1], [0, 0, 1, 1], [], []>, transpose_lhs_hint = false} : vector<1000x64xf32>, vector<64x64xf32>, vector<1000x64xf32> -> vector<1000x64xf32>
    %add3A_50 = arith.addf %dot_general3A_44, %dot_general3A_49 : vector<1000x64xf32>
    %dot_general3A_51 = arith.constant dense<0.000000e+00> : vector<1000x64xf32>
    %dot_general3A_52 = tpu.matmul %convert_element_type3A_29, %dot_general3A_36, %dot_general3A_51 {dimension_numbers = #tpu.dot_dimension_numbers<[1], [0], [0], [1], [0, 0, 1, 1], [], []>, transpose_lhs_hint = false} : vector<1000x8xf32>, vector<8x64xf32>, vector<1000x64xf32> -> vector<1000x64xf32>
    %add3A_53 = arith.addf %add3A_50, %dot_general3A_52 : vector<1000x64xf32>
    %get3A_54 = arith.constant 0 : index
    %get3A_55 = arith.constant 0 : index
    %get3A_56 = vector.load %arg9[%get3A_54, %get3A_55] : memref<1x64xf32, #tpu.memory_space<vmem>>, vector<1x64xf32>
    %add3A_57 = vector.broadcast %get3A_56 : vector<1x64xf32> to vector<1000x64xf32>
    %add3A_58 = arith.addf %add3A_53, %add3A_57 : vector<1000x64xf32>
    %max3A_59 = arith.constant 0.000000e+00 : f32
    %max3A_60 = vector.broadcast %max3A_59 : f32 to vector<1000x64xf32>
    %max3A_61 = arith.maximumf %add3A_58, %max3A_60 : vector<1000x64xf32>
    %get3A_62 = arith.constant 0 : index
    %get3A_63 = arith.constant 0 : index
    %get3A_64 = vector.load %arg10[%get3A_62, %get3A_63] : memref<64x1xf32, #tpu.memory_space<vmem>>, vector<64x1xf32>
    %dot_general3A_65 = arith.constant dense<0.000000e+00> : vector<1000x1xf32>
    %dot_general3A_66 = tpu.matmul %max3A_61, %get3A_64, %dot_general3A_65 {dimension_numbers = #tpu.dot_dimension_numbers<[1], [0], [0], [1], [0, 0, 1, 1], [], []>, transpose_lhs_hint = false} : vector<1000x64xf32>, vector<64x1xf32>, vector<1000x1xf32> -> vector<1000x1xf32>
    %get3A_67 = arith.constant 0 : index
    %get3A_68 = arith.constant 0 : index
    %get3A_69 = vector.load %arg11[%get3A_67, %get3A_68] : memref<1x1xf32, #tpu.memory_space<vmem>>, vector<1x1xf32>
    %add3A_70 = vector.broadcast %get3A_69 : vector<1x1xf32> to vector<1000x1xf32>
    %add3A_71 = arith.addf %dot_general3A_66, %add3A_70 : vector<1000x1xf32>
    %swap3A = arith.constant 0 : index
    %swap3A_72 = arith.constant 0 : index
    %swap3A_73 = vector.load %arg12[%swap3A, %swap3A_72] : memref<1000x1xf32, #tpu.memory_space<vmem>>, vector<1000x1xf32>
    tpu.vector_store %arg12[%swap3A, %swap3A_72], %add3A_71 {strides = array<i32>} : memref<1000x1xf32, #tpu.memory_space<vmem>>, vector<1000x1xf32>,
    return
  }
  func.func @transform_0(%arg0: i32) -> (i32, i32) {
    %c0_i32 = arith.constant 0 : i32
    %c0_i32_0 = arith.constant 0 : i32
    return %arg0, %c0_i32 : i32, i32
  }
  func.func @transform_1(%arg0: i32) -> (i32, i32) {
    %c0_i32 = arith.constant 0 : i32
    %c0_i32_0 = arith.constant 0 : i32
    return %arg0, %c0_i32 : i32, i32
  }
  func.func @transform_2(%arg0: i32) -> (i32, i32, i32) {
    %c0_i32 = arith.constant 0 : i32
    %c0_i32_0 = arith.constant 0 : i32
    %c0_i32_1 = arith.constant 0 : i32
    return %c0_i32, %arg0, %c0_i32_0 : i32, i32, i32
  }
  func.func @transform_3(%arg0: i32) -> (i32, i32, i32) {
    %c0_i32 = arith.constant 0 : i32
    %c0_i32_0 = arith.constant 0 : i32
    %c0_i32_1 = arith.constant 0 : i32
    return %c0_i32, %arg0, %c0_i32_0 : i32, i32, i32
  }
  func.func @transform_4(%arg0: i32) -> (i32, i32) {
    %c0_i32 = arith.constant 0 : i32
    %c0_i32_0 = arith.constant 0 : i32
    %c0_i32_1 = arith.constant 0 : i32
    return %c0_i32, %c0_i32_0 : i32, i32
  }
  func.func @transform_5(%arg0: i32) -> (i32, i32) {
    %c0_i32 = arith.constant 0 : i32
    %c0_i32_0 = arith.constant 0 : i32
    %c0_i32_1 = arith.constant 0 : i32
    return %c0_i32, %c0_i32_0 : i32, i32
  }
  func.func @transform_6(%arg0: i32) -> (i32, i32) {
    %c0_i32 = arith.constant 0 : i32
    %c0_i32_0 = arith.constant 0 : i32
    %c0_i32_1 = arith.constant 0 : i32
    return %c0_i32, %c0_i32_0 : i32, i32
  }
  func.func @transform_7(%arg0: i32) -> (i32, i32) {
    %c0_i32 = arith.constant 0 : i32
    %c0_i32_0 = arith.constant 0 : i32
    %c0_i32_1 = arith.constant 0 : i32
    return %c0_i32, %c0_i32_0 : i32, i32
  }
  func.func @transform_8(%arg0: i32) -> (i32, i32) {
    %c0_i32 = arith.constant 0 : i32
    %c0_i32_0 = arith.constant 0 : i32
    %c0_i32_1 = arith.constant 0 : i32
    return %c0_i32, %c0_i32_0 : i32, i32
  }
  func.func @transform_9(%arg0: i32) -> (i32, i32) {
    %c0_i32 = arith.constant 0 : i32
    %c0_i32_0 = arith.constant 0 : i32
    %c0_i32_1 = arith.constant 0 : i32
    return %c0_i32, %c0_i32_0 : i32, i32
  }
  func.func @transform_10(%arg0: i32) -> (i32, i32) {
    %c0_i32 = arith.constant 0 : i32
    %c0_i32_0 = arith.constant 0 : i32
    %c0_i32_1 = arith.constant 0 : i32
    return %c0_i32, %c0_i32_0 : i32, i32
  }
  func.func @transform_11(%arg0: i32) -> (i32, i32) {
    %c0_i32 = arith.constant 0 : i32
    %c0_i32_0 = arith.constant 0 : i32
    return %arg0, %c0_i32 : i32, i32
  }
}

</mosaic_0001>

<sc_bundles>
// kernel: kernel.10.cloned.1.call-start
scs
__scs_entry_jumppad:
0x0: {  	(pc) =	sbr.rel $0x88, $3  }
0x1: {  	(tag) =	ssettag $0x0;
	lr =	simm.s32 $0x1  }
0x2: {  	[smem:$0x3F8C] =	sst lr;
	_ =	strace $0xD0000000  }
0x3: {  	_ = 	snop  }
0x4: {  	_ = 	snop  }
0x5: {  	_ = 	snop  }
0x6: {  	_ = 	snop  }
0x7: {  	_ = 	snop  }
__scs_overlays_trampoline_lowered:
0x8: {  	[smem:$0x3F9B] =	sst s0  }
0x9: {  	[smem:$0x3F9C] =	sst s1  }
0xa: {  	[smem:$0x3F9D] =	sst s2  }
0xb: {  	[smem:$0x3F9E] =	sst s3  }
0xc: {  	[smem:$0x3F9F] =	sst s4  }
0xd: {  	[smem:$0x3FA0] =	sst s5  }
0xe: {  	[smem:$0x3FA1] =	sst s6  }
0xf: {  	[smem:$0x3FA2] =	sst s7  }
0x10: {  	[smem:$0x3FA3] =	sst s8  }
0x11: {  	[smem:$0x3FA4] =	sst s9;
	s0 =	simm.s32 @!p0 $0x0  }
0x12: {  	s1 =	sld [smem:$0x3F8A];
	s0 =	simm.s32 @p0 $0x1  }
0x13: {  	[smem:$0x3FA5] =	sst s0;
	s0 =	simm.s32 @!p1 $0x0  }
0x14: {  	s2 =	sld [smem:$0x3F89];
	s0 =	simm.s32 @p1 $0x1  }
0x15: {  	[smem:$0x3FA6] =	sst s0;
	s0 =	simm.s32 @!p2 $0x0  }
0x16: {  	s3 =	sld [smem:$0x3FDB];
	s0 =	simm.s32 @p2 $0x1  }
0x17: {  	s4 =	simm.s32 $0x1BF5;
	[smem:$0x3FA8] =	sst s0  }
0x18: {  	s0 =	sld [smem:$0x3F8B];
	_ =	swait.ge [sflag:s4], $0x0  }
0x19: {  	s7 =	sld [smem:$0x3F8C]  }
0x1a: {  	s8 =	sadd.s32 $0xFFFFE003, lr  }
0x1b: {  	s9 =	sadd.s32 $0xFFFFFEF7, lr;
	s5 =	simm.s32 $0xFFFFFFFF;
	p2 =	slt.u32 s8, $0xFFFFF086  }
0x1c: {  	p1 =	slt.u32 s9, $0xF7A;
	s5 =	simm.s32 @!p2 $0x0  }
0x1d: {  	s5 =	simm.s32 @p1 $0x1;
	p0 =	seq.s32 s7, s2  }
0x1e: {  	s7 =	smul.u32 @!p0 $0xF7A, s2;
	p2 =	seq.s32 @!p0 s5, $0x0  }
0x1f: {  	s9 =	smul.u32 $0xF7A, s1;
	s8 =	simm.s32 @!p0 $0x1BF5;
	p2 =	por !p2, p0  }
0x20: {  	[sflag:s8] =	ssyncset.s32 @!p0 $0xFFFFF086;
	s6 =	sadd.s32 @!p0 s3, s7;
	s7 =	simm.s32 @!p0 $0x108  }
0x21: {  	s3 =	sadd.s32 s3, s9;
	s6 =	sadd.s32 @!p0 $0x88, s6;
	s7 =	simm.s32 @p2 $0x1082  }
0x22: {  	[simem:s7], [sflag:s8] =	dma.local @!p0 [hbm:s6], $0xF7A  }
0x23: {  	s9 =	sor.u32 $0xD0000000, s2;
	s6 =	simm.s32 $0x108;
	_ =	swait.ge @!p0 [sflag:s8], $0x0  }
0x24: {  	s3 =	sadd.s32 $0x88, s3;
	s6 =	simm.s32 @!p1 $0x1082;
	[sflag:s4] =	ssyncset.s32 $0xFFFFF086  }
0x25: {  	[simem:s6], [sflag:s4] =	dma.local [hbm:s3], $0xF7A  }
0x26: {  	[smem:$0x3F8C] =	sst s1;
	(tag) =	ssettag s2;
	_ =	strace s9  }
0x27: {  	s1 =	sld [smem:$0x3F9C]  }
0x28: {  	s2 =	sld [smem:$0x3F9D]  }
0x29: {  	s4 =	sld [smem:$0x3F9F]  }
0x2a: {  	p0 =	seq.s32 s5, $0x0;
	s5 =	sld [smem:$0x3FA0]  }
0x2b: {  	s6 =	sld [smem:$0x3FA1]  }
0x2c: {  	s7 =	sld [smem:$0x3FA2]  }
0x2d: {  	s3 =	simm.s32 $0x108;
	s8 =	sld [smem:$0x3FA3]  }
0x2e: {  	s3 =	simm.s32 @!p0 $0x1082;
	s9 =	sld [smem:$0x3FA4]  }
0x2f: {  	lr =	sadd.s32 s0, s3;
	s0 =	sld [smem:$0x3F9B]  }
0x30: {  	s3 =	sld [smem:$0x3F9E]  }
0x31: {  	[smem:$0x3FA7] =	sst s10  }
0x32: {  	s10 =	sld [smem:$0x3FA5];
	_ =	sdelay $0x3  }
0x33: {  	p0 =	seq.s32 s10, $0x1;
	s10 =	sld [smem:$0x3FA7];
	_ =	sdelay $0x3  }
0x34: {  	[smem:$0x3FA7] =	sst s10  }
0x35: {  	s10 =	sld [smem:$0x3FA6];
	_ =	sdelay $0x3  }
0x36: {  	p1 =	seq.s32 s10, $0x1;
	s10 =	sld [smem:$0x3FA7];
	_ =	sdelay $0x3  }
0x37: {  	[smem:$0x3FA7] =	sst s10  }
0x38: {  	s10 =	sld [smem:$0x3FA8]  }
0x39: {  	_ = 	snop;
	(pc) =	sbr.ind lr, $3  }
0x3a: {  	_ = 	snop  }
0x3b: {  	_ = 	snop  }
0x3c: {  	p2 =	seq.s32 s10, $0x1;
	s10 =	sld [smem:$0x3FA7]  }
0x3d: {  	_ =	shalt  }
0x3e: {  	_ =	shalt  }
0x3f: {  	_ =	shalt  }
0x40: {  	_ =	shalt  }
0x41: {  	_ =	shalt  }
0x42: {  	_ =	shalt  }
0x43: {  	_ =	shalt  }
0x44: {  	_ =	shalt  }
0x45: {  	_ =	shalt  }
0x46: {  	_ =	shalt  }
0x47: {  	_ =	shalt  }
0x48: {  	_ =	shalt  }
0x49: {  	_ =	shalt  }
0x4a: {  	_ =	shalt  }
0x4b: {  	_ =	shalt  }
0x4c: {  	_ =	shalt  }
0x4d: {  	_ =	shalt  }
0x4e: {  	_ =	shalt  }
0x4f: {  	_ =	shalt  }
0x50: {  	_ =	shalt  }
0x51: {  	_ =	shalt  }
0x52: {  	_ =	shalt  }
0x53: {  	_ =	shalt  }
0x54: {  	_ =	shalt  }
0x55: {  	_ =	shalt  }
0x56: {  	_ =	shalt  }
0x57: {  	_ =	shalt  }
0x58: {  	_ =	shalt  }
0x59: {  	_ =	shalt  }
0x5a: {  	_ =	shalt  }
0x5b: {  	_ =	shalt  }
0x5c: {  	_ =	shalt  }
0x5d: {  	_ =	shalt  }
0x5e: {  	_ =	shalt  }
0x5f: {  	_ =	shalt  }
0x60: {  	_ =	shalt  }
0x61: {  	_ =	shalt  }
0x62: {  	_ =	shalt  }
0x63: {  	_ =	shalt  }
0x64: {  	_ =	shalt  }
0x65: {  	_ =	shalt  }
0x66: {  	_ =	shalt  }
0x67: {  	_ =	shalt  }
0x68: {  	_ =	shalt  }
0x69: {  	_ =	shalt  }
0x6a: {  	_ =	shalt  }
0x6b: {  	_ =	shalt  }
0x6c: {  	_ =	shalt  }
0x6d: {  	_ =	shalt  }
0x6e: {  	_ =	shalt  }
0x6f: {  	_ =	shalt  }
0x70: {  	_ =	shalt  }
0x71: {  	_ =	shalt  }
0x72: {  	_ =	shalt  }
0x73: {  	_ =	shalt  }
0x74: {  	_ =	shalt  }
0x75: {  	_ =	shalt  }
0x76: {  	_ =	shalt  }
0x77: {  	_ =	shalt  }
0x78: {  	_ =	shalt  }
0x79: {  	_ =	shalt  }
0x7a: {  	_ =	shalt  }
0x7b: {  	_ =	shalt  }
0x7c: {  	_ =	shalt  }
0x7d: {  	_ =	shalt  }
0x7e: {  	_ =	shalt  }
0x7f: {  	_ =	shalt  }
0x80: {  	_ =	shalt  }
0x81: {  	_ =	shalt  }
0x82: {  	_ =	shalt  }
0x83: {  	_ =	shalt  }
0x84: {  	_ =	shalt  }
0x85: {  	_ =	shalt  }
0x86: {  	_ =	shalt  }
0x87: {  	_ =	shalt  }
.Lfunc_end0:
.L_simem_size_0:
called_computation_lowered:
.L_overlay_start_0:
0x88: {  	s2 =	sld [smem:$0x3FD9]  }
0x89: {  	s3 =	sld [smem:$0x3FFE];
	_ =	sdelay $0x1  }
0x8a: {  	s1 =	srdreg.scid  }
0x8b: {  	s0 =	sand.u32 $0x1, s1  }
0x8c: {  	s17 =	sshll.u32 s0, $0xA;
	s2 =	sadd.s32 s3, s2  }
0x8d: {  	s2 =	sadd.s32 s2, s17  }
0x8e: {  	[smem:$0x3FB3] =	sst s2  }
0x8f: {  	_ = 	snop  }
0x90: {  	(tm) =	ssettm $0x1  }
0x91: {  	s18 =	sld [smem:$0x3FFB];
	_ =	sdelay $0x3  }
0x92: {  	_ =	strace s18  }
0x93: {  	s2 =	sld [smem:$0x3FFC];
	_ =	sdelay $0x3  }
0x94: {  	_ =	strace s2  }
0x95: {  	s2 =	sld [smem:$0x3FFD];
	_ =	sdelay $0x3  }
0x96: {  	_ =	strace s2  }
0x97: {  	_ =	strace $0x8FFFFFFF  }
0x98: {  	s19 =	sld [smem:$0x3FDB];
	_ =	sdelay $0x1  }
0x99: {  	s20 =	simm.s32 $_scs_section_size  }
0x9a: {  	s4 =	simm.s32 $_size__tile_overlayer_lowered;
	s5 =	simm.s32 $_tile_overlayer_lowered  }
0x9b: {  	s6 =	simm.s32 $0x1BFF;
	s21 =	sshll.u32 s5, $0x1;
	s3 =	sadd.s32 s20, s19  }
0x9c: {  	s22 =	simm.s32 $0x0;
	s4 =	sshll.u32 s4, $0x1;
	s5 =	sadd.s32 s21, s3  }
0x9d: {  	[timem:s22], [sflag:s6] =	dma.local [hbm:s5], s4  }
0x9e: {  	_ =	swait.ge [sflag:s6], s4  }
0x9f: {  	s4 =	ssub.s32 $0x0, s4;
	[sflag:s6] =	ssyncset.done $0x0  }
0xa0: {  	[sflag:s6] =	ssyncadd.s32 s4;
	_ =	sdelay $0x1  }
0xa1: {  	s23 =	simm.s32 $0x1B8B  }
0xa2: {  	_ =	swait.ge [sflag:s23], $0x1  }
0xa3: {  	[sflag:s23] =	ssyncset.done $0x0  }
0xa4: {  	[sflag:s23] =	ssyncadd.s32 $0xFFFFFFFF  }
0xa5: {  	s4 =	sld [smem:$0x0]  }
0xa6: {  	s5 =	sand.u32 $0xFFFFFFFE, s1  }
0xa7: {  	p0 =	sne.s32 s1, s5  }
0xa8: {  	s5 =	sshll.u32 @p0 s5, $0xE  }
0xa9: {  	s5 =	sadd.s32 @p0 $0x11B8D, s5;
	s6 =	sshll.u32 @p0 s4, $0x11  }
0xaa: {  	s5 =	sor.u32 @p0 s6, s5  }
0xab: {  	[sflag:s5] =	ssyncadd.remote.s32 @p0 $0x1;
	_ =	sdelay $0x1  }
0xac: {  	s5 =	simm.s32 @p0 $0x1B8D  }
0xad: {  	_ =	swait.eq @p0 [sflag:s5], $0x1  }
0xae: {  	[sflag:s5] =	ssyncadd.s32 @p0 $0xFFFFFFFF  }
0xaf: {  	s6 =	sshll.u32 @!p0 s1, $0xE  }
0xb0: {  	s6 =	sor.u32 @!p0 $0x4000, s6;
	s5 =	simm.s32 @!p0 $0x1B8D  }
0xb1: {  	s4 =	sshll.u32 @!p0 s4, $0x11;
	s6 =	sadd.s32 @!p0 $0x11B8D, s6;
	_ =	swait.eq @!p0 [sflag:s5], $0x1  }
0xb2: {  	s4 =	sor.u32 @!p0 s4, s6;
	[sflag:s5] =	ssyncadd.s32 @!p0 $0xFFFFFFFF  }
0xb3: {  	s25 =	simm.s32 $0x1B8E;
	s24 =	sld [smem:$0x3FFE];
	[sflag:s4] =	ssyncadd.remote.s32 @!p0 $0x1  }
0xb4: {  	s26 =	simm.s32 $execute0_lowered;
	[smem:$0x3FD2] =	sst s25  }
0xb5: {  	s5 =	sshll.u32 s26, $0x1;
	_ =	strace $0x80000049;
	[dreg:$0x1] =	wrdreg $0xFFFFFFFF  }
0xb6: {  	s28 =	simm.s32 $_size_execute0_lowered;
	s3 =	sadd.s32 s3, s5;
	[dreg:$0x0] =	wrdreg $0x0  }
0xb7: {  	s5 =	sshll.u32 s28, $0x1;
	[dreg:$0x2] =	wrdreg s3  }
0xb8: {  	[dreg:$0x3] =	wrdreg s5  }
0xb9: {  	[dreg:$0x4] =	wrdreg $0xC0  }
0xba: {  	_ =	task [dreg:s22], $0x5FFFF  }
0xbb: {  	[dreg:$0x1] =	wrdreg $0xFFFFFFFF  }
0xbc: {  	[dreg:$0x0] =	wrdreg $0x60  }
0xbd: {  	[dreg:$0x2] =	wrdreg s24  }
0xbe: {  	[dreg:$0x3] =	wrdreg $0x9  }
0xbf: {  	_ =	task.clear_ibuf [dreg:s22], $0x4FFFF;
	_ =	strace $0x90000049  }
0xc0: {  	s29 =	simm.s32 $0x9;
	_ =	strace $0x8000004B  }
0xc1: {  	_ =	swait.ge [sflag:s29], $0x1  }
0xc2: {  	[sflag:s29] =	ssyncadd.s32 $0xFFFFFFFF  }
0xc3: {  	_ =	strace $0x9000004B  }
0xc4: {  	_ =	sfence  }
0xc5: {  	s30 =	sld [smem:$0x0];
	_ =	sdelay $0x2  }
0xc6: {  	s31 =	sshll.u32 s1, $0xD;
	s1 =	sshrl.u32 s1, $0x2  }
0xc7: {  	s4 =	sand.u32 $0x4000, s31;
	s1 =	sadd.s32 s1, s30  }
0xc8: {  	s0 =	sor.u32 s4, s0;
	s1 =	sshll.u32 s1, $0x11  }
0xc9: {  	s0 =	sor.u32 s1, s0  }
0xca: {  	s0 =	sadd.s32 $0x8F2B, s0  }
0xcb: {  	[sflag:s0] =	ssyncadd.remote.s32 $0x1  }
0xcc: {  	_ =	sfence.sel $0xFFFF  }
0xcd: {  	[dreg:$0x0] =	wrdreg $0xFFFFFFFF;
	(pc) =	sbr.abs _section_cstart, $3  }
0xce: {  	[dreg:$0x1] =	wrdreg $0xFFFFFFFF  }
0xcf: {  	_ =	task.clear_ibuf [dreg:s22], $0x2FFFF;
	_ =	strace $0x9FFFFFFF  }
0xd0: {  	(tm) =	ssettm $0x7FFFFFFF  }
0xd1: {  	_ =	shalt  }
tec
execute0_lowered:
.L_overlay_start_1:
0x0: {  	(tag) =	ssettag $0x1  }
0x1: {  	s0 =	srdreg.scid;
	s5 =	rddreg [dreg:$0x0]  }
0x2: {  	s1 =	stileid.u32;
	s2 =	simm.s32 $0x0;
	s16 =	simm.s32 $0x80  }
0x3: {  	s17 =	simm.s32 $0x2800;
	s18 =	simm.s32 $0xE800;
	s23 =	simm.s32 $0xA800  }
0x4: {  	s24 =	simm.s32 $0x1500;
	s25 =	simm.s32 $0x16800;
	s28 =	simm.s32 $0x4  }
0x5: {  	s29 =	simm.s32 $0x0;
	s0 =	sand.u32 $0x1, s0;
	[smem:$0x7FF] =	sst s2  }
0x6: {  	s4 =	sadd.s32 $0x84A00, s5;
	s8 =	smul.u32 $0xA0000, s1;
	s11 =	sadd.s32 $0x5B5C00, s5  }
0x7: {  	s12 =	sadd.s32 $0x835C00, s5;
	s14 =	smul.u32 $0x14000, s1;
	s3 =	sshll.u32 s0, $0x4  }
0x8: {  	_ =	strace $0x8000004A;
	s7 =	smul.u32 $0xA00000, s0;
	s9 =	ssub.s32 $0x2, s0  }
0x9: {  	s0 =	smul.u32 $0x140000, s0;
	s3 =	sor.u32 s1, s3;
	s26 =	sshrl.u32 s9, $0x1  }
0xa: {  	s6 =	smul.u32 $0x1400, s3;
	s3 =	sadd.s32 $0x5D800, s5;
	s10 =	sadd.s32 s8, s7  }
0xb: {  	s30 =	ssub.s32 s9, s26;
	s15 =	sadd.s32 s0, s11;
	s0 =	sadd.s32 s0, s12  }
0xc: {  	s26 =	simm.s32 $0x1;
	s8 =	sor.u32 $0x8000, s10;
	s7 =	smax.u32 s30, $0x1  }
0xd: {  	s10 =	sor.u32 $0x4000, s10;
	s6 =	sshrl.u32 s6, $0x3;
	s31 =	sshrl.u32 s8, $0x3  }
0xe: {  	s13 =	sshrl.u32 s10, $0x3;
	s6 =	sadd.s32 s6, s5;
	s8 =	sadd.s32 s31, s12  }
0xf: {  	s9 =	sadd.s32 s31, s11;
	s10 =	sadd.s32 s13, s12;
	s11 =	sadd.s32 s13, s11  }
0x10: {  	s12 =	sadd.s32 s14, s15;
	s13 =	sadd.s32 s14, s0;
	s15 =	simm.s32 $0x1400  }
0x11: {  	s14 =	simm.s32 $0x7;
	s5 =	sadd.s32 $0x5B0C00, s6;
	s6 =	sadd.s32 $0x5ABC00, s6  }
.LBB2_1:
0x12: {  	[tilespmem:s2], [sflag:$0x7] =	stream.linear.gather [hbm4b:s5+s2], $0x1400, $0x38;
	[tilespmem:$0x1A800] =	vst v63  }
0x13: {  	_ =	swait.ge [sflag:s14], $0x1400  }
0x14: {  	[sflag:s14] =	ssyncset.done $0x0  }
0x15: {  	[sflag:s14] =	ssyncadd.s32 $0xFFFFEC00  }
0x16: {  	[tilespmem:s15], [sflag:$0x7] =	stream.linear.gather [hbm4b:s6+s2], $0x1400, $0x38;
	[tilespmem:$0x1A800] =	vst v63  }
0x17: {  	_ =	swait.ge [sflag:s14], $0x1400  }
0x18: {  	[sflag:s14] =	ssyncset.done $0x0  }
0x19: {  	[sflag:s14] =	ssyncadd.s32 $0xFFFFEC00  }
0x1a: {  	[tilespmem:s17], [sflag:$0x1] =	stream.indirect.gather [hbm4b:s3+s16], $0x80, s2, s16, $0xb8;
	[tilespmem:$0x1A800] =	vst v63  }
0x1b: {  	_ = 	snop  }
0x1c: {  	[tilespmem:s18], [sflag:$0x1] =	stream.indirect.gather [hbm4b:s4+s16], $0x80, s15, s16, $0xb8;
	[tilespmem:$0x1A800] =	vst v63  }
0x1d: {  	s0 =	simm.s32 $0x6800  }
0x1e: {  	[tilespmem:s0], [sflag:$0x2] =	stream.indirect.gather [hbm4b:s3+s16], $0x80, s16, s16, $0xb8;
	[tilespmem:$0x1A800] =	vst v63  }
0x1f: {  	s21 =	simm.s32 $0x1480;
	s1 =	simm.s32 $0x12800  }
0x20: {  	[tilespmem:s1], [sflag:$0x2] =	stream.indirect.gather [hbm4b:s4+s16], $0x80, s21, s16, $0xb8;
	[tilespmem:$0x1A800] =	vst v63  }
0x21: {  	s22 =	simm.s32 $0x100  }
0x22: {  	[tilespmem:s23], [sflag:$0x3] =	stream.indirect.gather [hbm4b:s3+s16], $0x80, s22, s16, $0xb8;
	[tilespmem:$0x1A800] =	vst v63  }
0x23: {  	s30 =	simm.s32 $0x0;
	s31 =	simm.s32 $0x0;
	s0 =	simm.s32 $0x0  }
0x24: {  	[tilespmem:s25], [sflag:$0x3] =	stream.indirect.gather [hbm4b:s4+s16], $0x80, s24, s16, $0xb8;
	[tilespmem:$0x1A800] =	vst v63  }
.LBB2_2:
0x25: {  	_ =	swait.ge [sflag:s26], $0x4000  }
0x26: {  	[sflag:s26] =	ssyncset.done $0x0  }
0x27: {  	[sflag:s26] =	ssyncadd.s32 $0xFFFFC000  }
0x28: {  	_ =	swait.ge [sflag:s26], $0x4000  }
0x29: {  	[sflag:s26] =	ssyncset.done $0x0  }
0x2a: {  	s1 =	sadd.s32 s31, s12;
	[sflag:s26] =	ssyncadd.s32 $0xFFFFC000  }
0x2b: {  	[hbm4b:s1+s2] =	stream.linear.scatter [tilespmem:s17], [sflag:$0x4], $0x4000, $0x38;
	[tilespmem:$0x1A800] =	vst v63  }
0x2c: {  	s22 =	sadd.s32 s31, s13  }
0x2d: {  	[hbm4b:s22+s2] =	stream.linear.scatter [tilespmem:s18], [sflag:$0x4], $0x4000, $0x38;
	[tilespmem:$0x1A800] =	vst v63  }
0x2e: {  	_ =	swait.ge [sflag:s28], $0x4000  }
0x2f: {  	[sflag:s28] =	ssyncset.done $0x0  }
0x30: {  	[sflag:s28] =	ssyncadd.s32 $0xFFFFC000  }
0x31: {  	p0 =	seq.s32 s31, $0x13800;
	_ =	swait.ge [sflag:s28], $0x4000  }
0x32: {  	s20 =	simm.s32 @!p0 $0x80;
	s1 =	sshra.s32 @!p0 s30, $0x2;
	[sflag:s28] =	ssyncset.done $0x0  }
0x33: {  	s21 =	simm.s32 @!p0 $0x2800;
	s19 =	sadd.s32 @!p0 $0x180, s1;
	[sflag:s28] =	ssyncadd.s32 $0xFFFFC000  }
0x34: {  	[tilespmem:s21], [sflag:$0x1] =	stream.indirect.gather @!p0 [hbm4b:s3+s20], $0x80, s19, s20, $0xb8;
	[tilespmem:$0x1A800] =	vst v63  }
0x35: {  	s1 =	sadd.s32 @!p0 $0x1580, s1;
	s19 =	simm.s32 @!p0 $0xE800  }
0x36: {  	[tilespmem:s19], [sflag:$0x1] =	stream.indirect.gather @!p0 [hbm4b:s4+s20], $0x80, s1, s20, $0xb8;
	[tilespmem:$0x1A800] =	vst v63  }
0x37: {  	s1 =	simm.s32 @!p0 $0x2  }
0x38: {  	_ =	swait.ge @!p0 [sflag:s1], $0x4000  }
0x39: {  	[sflag:s1] =	ssyncset.done @!p0 $0x0  }
0x3a: {  	[sflag:s1] =	ssyncadd.s32 @!p0 $0xFFFFC000  }
0x3b: {  	_ =	swait.ge @!p0 [sflag:s1], $0x4000  }
0x3c: {  	s19 =	simm.s32 @!p0 $0x0;
	[sflag:s1] =	ssyncset.done @!p0 $0x0  }
0x3d: {  	s20 =	simm.s32 @!p0 $0x6800;
	[sflag:s1] =	ssyncadd.s32 @!p0 $0xFFFFC000;
	s1 =	sadd.s32 @!p0 s31, s11  }
0x3e: {  	[hbm4b:s1+s19] =	stream.linear.scatter @!p0 [tilespmem:s20], [sflag:$0x5], $0x4000, $0x38;
	[tilespmem:$0x1A800] =	vst v63  }
0x3f: {  	s1 =	sadd.s32 @!p0 s31, s10;
	s20 =	simm.s32 @!p0 $0x12800  }
0x40: {  	[hbm4b:s1+s19] =	stream.linear.scatter @!p0 [tilespmem:s20], [sflag:$0x5], $0x4000, $0x38;
	[tilespmem:$0x1A800] =	vst v63  }
0x41: {  	s1 =	simm.s32 @!p0 $0x5  }
0x42: {  	_ =	swait.ge @!p0 [sflag:s1], $0x4000  }
0x43: {  	[sflag:s1] =	ssyncset.done @!p0 $0x0  }
0x44: {  	[sflag:s1] =	ssyncadd.s32 @!p0 $0xFFFFC000  }
0x45: {  	p1 =	sgt.u32 @!p0 s0, $0xB;
	_ =	swait.ge @!p0 [sflag:s1], $0x4000  }
0x46: {  	p1 =	por p1, p0;
	[sflag:s1] =	ssyncset.done @!p0 $0x0  }
0x47: {  	[sflag:s1] =	ssyncadd.s32 @!p0 $0xFFFFC000;
	s1 =	sshra.s32 @!p1 s30, $0x2  }
0x48: {  	s22 =	simm.s32 @!p1 $0x6800;
	s21 =	simm.s32 @!p1 $0x80;
	s20 =	sadd.s32 @!p1 $0x200, s1  }
0x49: {  	[tilespmem:s22], [sflag:$0x2] =	stream.indirect.gather @!p1 [hbm4b:s3+s21], $0x80, s20, s21, $0xb8;
	[tilespmem:$0x1A800] =	vst v63  }
0x4a: {  	s20 =	sadd.s32 @!p1 $0x1600, s1;
	s22 =	simm.s32 @!p1 $0x12800  }
0x4b: {  	[tilespmem:s22], [sflag:$0x2] =	stream.indirect.gather @!p1 [hbm4b:s4+s21], $0x80, s20, s21, $0xb8;
	[tilespmem:$0x1A800] =	vst v63  }
0x4c: {  	s20 =	simm.s32 @!p0 $0x3  }
0x4d: {  	_ =	swait.ge @!p0 [sflag:s20], $0x4000  }
0x4e: {  	[sflag:s20] =	ssyncset.done @!p0 $0x0  }
0x4f: {  	[sflag:s20] =	ssyncadd.s32 @!p0 $0xFFFFC000  }
0x50: {  	_ =	swait.ge @!p0 [sflag:s20], $0x4000  }
0x51: {  	[sflag:s20] =	ssyncset.done @!p0 $0x0  }
0x52: {  	s22 =	simm.s32 @!p0 $0xA800;
	[sflag:s20] =	ssyncadd.s32 @!p0 $0xFFFFC000;
	s20 =	sadd.s32 @!p0 s31, s9  }
0x53: {  	[hbm4b:s20+s19] =	stream.linear.scatter @!p0 [tilespmem:s22], [sflag:$0x6], $0x4000, $0x38;
	[tilespmem:$0x1A800] =	vst v63  }
0x54: {  	s20 =	sadd.s32 @!p0 s31, s8;
	s22 =	simm.s32 @!p0 $0x16800  }
0x55: {  	[hbm4b:s20+s19] =	stream.linear.scatter @!p0 [tilespmem:s22], [sflag:$0x6], $0x4000, $0x38;
	[tilespmem:$0x1A800] =	vst v63  }
0x56: {  	s19 =	simm.s32 @!p0 $0x6  }
0x57: {  	_ =	swait.ge @!p0 [sflag:s19], $0x4000  }
0x58: {  	[sflag:s19] =	ssyncset.done @!p0 $0x0  }
0x59: {  	[sflag:s19] =	ssyncadd.s32 @!p0 $0xFFFFC000  }
0x5a: {  	_ =	swait.ge @!p0 [sflag:s19], $0x4000  }
0x5b: {  	[sflag:s19] =	ssyncset.done @!p0 $0x0  }
0x5c: {  	s20 =	simm.s32 @!p1 $0xA800;
	[sflag:s19] =	ssyncadd.s32 @!p0 $0xFFFFC000;
	s19 =	sadd.s32 @!p1 $0x280, s1  }
0x5d: {  	[tilespmem:s20], [sflag:$0x3] =	stream.indirect.gather @!p1 [hbm4b:s3+s21], $0x80, s19, s21, $0xb8;
	[tilespmem:$0x1A800] =	vst v63  }
0x5e: {  	s31 =	sadd.s32 @!p0 $0x1800, s31;
	s1 =	sadd.s32 @!p1 $0x1680, s1;
	s19 =	simm.s32 @!p1 $0x16800  }
0x5f: {  	[tilespmem:s19], [sflag:$0x3] =	stream.indirect.gather @!p1 [hbm4b:s4+s21], $0x80, s1, s21, $0xb8;
	[tilespmem:$0x1A800] =	vst v63  }
0x60: {  	p1 =	sne.s32 @!p0 s31, $0x15000  }
0x61: {  	p1 =	por p0, !p1  }
.Ltmp0:
0x62: {  	_ = 	snop;
	(pc) =	sbr.rel @!p1 .LBB2_2-.Ltmp0, $2  }
0x63: {  	_ =	sdelay $0x2  }
0x64: {  	s0 =	sadd.s32 @!p0 $0x1, s0;
	s30 =	sadd.s32 @!p0 $0x600, s30  }
0x65: {  	s29 =	sadd.s32 $0x1, s29  }
0x66: {  	p0 =	sne.s32 s29, s7  }
.Ltmp1:
0x67: {  	_ = 	snop;
	(pc) =	sbr.rel @p0 .LBB2_1-.Ltmp1, $1  }
0x68: {  	_ =	sdelay $0x3  }
0x69: {  	_ =	sfence.sel $0x180000  }
0x6a: {  	[bflag:$0x0] =	sbarrier.arrive $0xFFFF  }
0x6b: {  	_ =	strace $0x9000004A  }
0x6c: {  	s0 =	stileid.u32;
	[bflag:$0x2] =	sbarrier.arrive $0xFFFF  }
0x6d: {  	p0 =	sne.s32 s0, $0x0;
	s0 =	rddreg [dreg:$0x1]  }
0x6e: {  	s0 =	sadd.s32 @!p0 $0x100000, s0  }
0x6f: {  	[sflag:s0] =	ssyncadd.tile.s32 @!p0 $0x1;
	_ =	shalt  }
.Lfunc_end2:
_tile_overlayer_lowered:
.L_overlay_start_2:
0x70: {  	(tag) =	ssettag $0x2  }
0x71: {  	s0 =	rddreg [dreg:$0x0];
	s2 =	stileid.u32  }
0x72: {  	s1 =	rddreg [dreg:$0x1];
	p0 =	sne.s32 s2, $0x0  }
0x73: {  	s3 =	rddreg [dreg:$0x2];
	[bflag:$0x3] =	sbarrier.arrive $0xFFFF;
	s2 =	simm.s32 @!p0 $0x1C07  }
0x74: {  	[timem:s3], [sflag:s2] =	dma.local @!p0 [hbm:s0], s1  }
0x75: {  	s0 =	simm.s32 @!p0 $0x7  }
0x76: {  	_ =	swait.ge @!p0 [sflag:s0], s1  }
0x77: {  	s1 =	ssub.s32 @!p0 $0x0, s1;
	[sflag:s0] =	ssyncset.done @!p0 $0x0  }
0x78: {  	[sflag:s0] =	ssyncadd.s32 @!p0 s1  }
0x79: {  	[bflag:$0x3] =	sbarrier.arrive $0xFFFF  }
0x7a: {  	_ =	shalt  }

// kernel: kernel.13.cloned.1.call-start
scs
__scs_entry_jumppad:
0x0: {  	(pc) =	sbr.rel $0x88, $3  }
0x1: {  	(tag) =	ssettag $0x0;
	lr =	simm.s32 $0x1  }
0x2: {  	[smem:$0x3F8C] =	sst lr;
	_ =	strace $0xD0000000  }
0x3: {  	_ = 	snop  }
0x4: {  	_ = 	snop  }
0x5: {  	_ = 	snop  }
0x6: {  	_ = 	snop  }
0x7: {  	_ = 	snop  }
__scs_overlays_trampoline_lowered:
0x8: {  	[smem:$0x3F9B] =	sst s0  }
0x9: {  	[smem:$0x3F9C] =	sst s1  }
0xa: {  	[smem:$0x3F9D] =	sst s2  }
0xb: {  	[smem:$0x3F9E] =	sst s3  }
0xc: {  	[smem:$0x3F9F] =	sst s4  }
0xd: {  	[smem:$0x3FA0] =	sst s5  }
0xe: {  	[smem:$0x3FA1] =	sst s6  }
0xf: {  	[smem:$0x3FA2] =	sst s7  }
0x10: {  	[smem:$0x3FA3] =	sst s8  }
0x11: {  	[smem:$0x3FA4] =	sst s9;
	s0 =	simm.s32 @!p0 $0x0  }
0x12: {  	s1 =	sld [smem:$0x3F8A];
	s0 =	simm.s32 @p0 $0x1  }
0x13: {  	[smem:$0x3FA5] =	sst s0;
	s0 =	simm.s32 @!p1 $0x0  }
0x14: {  	s2 =	sld [smem:$0x3F89];
	s0 =	simm.s32 @p1 $0x1  }
0x15: {  	[smem:$0x3FA6] =	sst s0;
	s0 =	simm.s32 @!p2 $0x0  }
0x16: {  	s3 =	sld [smem:$0x3FDB];
	s0 =	simm.s32 @p2 $0x1  }
0x17: {  	s4 =	simm.s32 $0x1BF5;
	[smem:$0x3FA8] =	sst s0  }
0x18: {  	s0 =	sld [smem:$0x3F8B];
	_ =	swait.ge [sflag:s4], $0x0  }
0x19: {  	s7 =	sld [smem:$0x3F8C]  }
0x1a: {  	s8 =	sadd.s32 $0xFFFFE003, lr  }
0x1b: {  	s9 =	sadd.s32 $0xFFFFFEF7, lr;
	s5 =	simm.s32 $0xFFFFFFFF;
	p2 =	slt.u32 s8, $0xFFFFF086  }
0x1c: {  	p1 =	slt.u32 s9, $0xF7A;
	s5 =	simm.s32 @!p2 $0x0  }
0x1d: {  	s5 =	simm.s32 @p1 $0x1;
	p0 =	seq.s32 s7, s2  }
0x1e: {  	s7 =	smul.u32 @!p0 $0xF7A, s2;
	p2 =	seq.s32 @!p0 s5, $0x0  }
0x1f: {  	s9 =	smul.u32 $0xF7A, s1;
	s8 =	simm.s32 @!p0 $0x1BF5;
	p2 =	por !p2, p0  }
0x20: {  	[sflag:s8] =	ssyncset.s32 @!p0 $0xFFFFF086;
	s6 =	sadd.s32 @!p0 s3, s7;
	s7 =	simm.s32 @!p0 $0x108  }
0x21: {  	s3 =	sadd.s32 s3, s9;
	s6 =	sadd.s32 @!p0 $0x88, s6;
	s7 =	simm.s32 @p2 $0x1082  }
0x22: {  	[simem:s7], [sflag:s8] =	dma.local @!p0 [hbm:s6], $0xF7A  }
0x23: {  	s9 =	sor.u32 $0xD0000000, s2;
	s6 =	simm.s32 $0x108;
	_ =	swait.ge @!p0 [sflag:s8], $0x0  }
0x24: {  	s3 =	sadd.s32 $0x88, s3;
	s6 =	simm.s32 @!p1 $0x1082;
	[sflag:s4] =	ssyncset.s32 $0xFFFFF086  }
0x25: {  	[simem:s6], [sflag:s4] =	dma.local [hbm:s3], $0xF7A  }
0x26: {  	[smem:$0x3F8C] =	sst s1;
	(tag) =	ssettag s2;
	_ =	strace s9  }
0x27: {  	s1 =	sld [smem:$0x3F9C]  }
0x28: {  	s2 =	sld [smem:$0x3F9D]  }
0x29: {  	s4 =	sld [smem:$0x3F9F]  }
0x2a: {  	p0 =	seq.s32 s5, $0x0;
	s5 =	sld [smem:$0x3FA0]  }
0x2b: {  	s6 =	sld [smem:$0x3FA1]  }
0x2c: {  	s7 =	sld [smem:$0x3FA2]  }
0x2d: {  	s3 =	simm.s32 $0x108;
	s8 =	sld [smem:$0x3FA3]  }
0x2e: {  	s3 =	simm.s32 @!p0 $0x1082;
	s9 =	sld [smem:$0x3FA4]  }
0x2f: {  	lr =	sadd.s32 s0, s3;
	s0 =	sld [smem:$0x3F9B]  }
0x30: {  	s3 =	sld [smem:$0x3F9E]  }
0x31: {  	[smem:$0x3FA7] =	sst s10  }
0x32: {  	s10 =	sld [smem:$0x3FA5];
	_ =	sdelay $0x3  }
0x33: {  	p0 =	seq.s32 s10, $0x1;
	s10 =	sld [smem:$0x3FA7];
	_ =	sdelay $0x3  }
0x34: {  	[smem:$0x3FA7] =	sst s10  }
0x35: {  	s10 =	sld [smem:$0x3FA6];
	_ =	sdelay $0x3  }
0x36: {  	p1 =	seq.s32 s10, $0x1;
	s10 =	sld [smem:$0x3FA7];
	_ =	sdelay $0x3  }
0x37: {  	[smem:$0x3FA7] =	sst s10  }
0x38: {  	s10 =	sld [smem:$0x3FA8]  }
0x39: {  	_ = 	snop;
	(pc) =	sbr.ind lr, $3  }
0x3a: {  	_ = 	snop  }
0x3b: {  	_ = 	snop  }
0x3c: {  	p2 =	seq.s32 s10, $0x1;
	s10 =	sld [smem:$0x3FA7]  }
0x3d: {  	_ =	shalt  }
0x3e: {  	_ =	shalt  }
0x3f: {  	_ =	shalt  }
0x40: {  	_ =	shalt  }
0x41: {  	_ =	shalt  }
0x42: {  	_ =	shalt  }
0x43: {  	_ =	shalt  }
0x44: {  	_ =	shalt  }
0x45: {  	_ =	shalt  }
0x46: {  	_ =	shalt  }
0x47: {  	_ =	shalt  }
0x48: {  	_ =	shalt  }
0x49: {  	_ =	shalt  }
0x4a: {  	_ =	shalt  }
0x4b: {  	_ =	shalt  }
0x4c: {  	_ =	shalt  }
0x4d: {  	_ =	shalt  }
0x4e: {  	_ =	shalt  }
0x4f: {  	_ =	shalt  }
0x50: {  	_ =	shalt  }
0x51: {  	_ =	shalt  }
0x52: {  	_ =	shalt  }
0x53: {  	_ =	shalt  }
0x54: {  	_ =	shalt  }
0x55: {  	_ =	shalt  }
0x56: {  	_ =	shalt  }
0x57: {  	_ =	shalt  }
0x58: {  	_ =	shalt  }
0x59: {  	_ =	shalt  }
0x5a: {  	_ =	shalt  }
0x5b: {  	_ =	shalt  }
0x5c: {  	_ =	shalt  }
0x5d: {  	_ =	shalt  }
0x5e: {  	_ =	shalt  }
0x5f: {  	_ =	shalt  }
0x60: {  	_ =	shalt  }
0x61: {  	_ =	shalt  }
0x62: {  	_ =	shalt  }
0x63: {  	_ =	shalt  }
0x64: {  	_ =	shalt  }
0x65: {  	_ =	shalt  }
0x66: {  	_ =	shalt  }
0x67: {  	_ =	shalt  }
0x68: {  	_ =	shalt  }
0x69: {  	_ =	shalt  }
0x6a: {  	_ =	shalt  }
0x6b: {  	_ =	shalt  }
0x6c: {  	_ =	shalt  }
0x6d: {  	_ =	shalt  }
0x6e: {  	_ =	shalt  }
0x6f: {  	_ =	shalt  }
0x70: {  	_ =	shalt  }
0x71: {  	_ =	shalt  }
0x72: {  	_ =	shalt  }
0x73: {  	_ =	shalt  }
0x74: {  	_ =	shalt  }
0x75: {  	_ =	shalt  }
0x76: {  	_ =	shalt  }
0x77: {  	_ =	shalt  }
0x78: {  	_ =	shalt  }
0x79: {  	_ =	shalt  }
0x7a: {  	_ =	shalt  }
0x7b: {  	_ =	shalt  }
0x7c: {  	_ =	shalt  }
0x7d: {  	_ =	shalt  }
0x7e: {  	_ =	shalt  }
0x7f: {  	_ =	shalt  }
0x80: {  	_ =	shalt  }
0x81: {  	_ =	shalt  }
0x82: {  	_ =	shalt  }
0x83: {  	_ =	shalt  }
0x84: {  	_ =	shalt  }
0x85: {  	_ =	shalt  }
0x86: {  	_ =	shalt  }
0x87: {  	_ =	shalt  }
.Lfunc_end0:
.L_simem_size_0:
called_computation.1_lowered:
.L_overlay_start_0:
0x88: {  	s2 =	sld [smem:$0x3FD9]  }
0x89: {  	s3 =	sld [smem:$0x3FFE];
	_ =	sdelay $0x1  }
0x8a: {  	s1 =	srdreg.scid  }
0x8b: {  	s0 =	sand.u32 $0x1, s1  }
0x8c: {  	s17 =	sshll.u32 s0, $0xA;
	s2 =	sadd.s32 s3, s2  }
0x8d: {  	s2 =	sadd.s32 s2, s17  }
0x8e: {  	[smem:$0x3FB3] =	sst s2  }
0x8f: {  	_ = 	snop  }
0x90: {  	(tm) =	ssettm $0x1  }
0x91: {  	s18 =	sld [smem:$0x3FFB];
	_ =	sdelay $0x3  }
0x92: {  	_ =	strace s18  }
0x93: {  	s2 =	sld [smem:$0x3FFC];
	_ =	sdelay $0x3  }
0x94: {  	_ =	strace s2  }
0x95: {  	s2 =	sld [smem:$0x3FFD];
	_ =	sdelay $0x3  }
0x96: {  	_ =	strace s2  }
0x97: {  	_ =	strace $0x8FFFFFFF  }
0x98: {  	s19 =	sld [smem:$0x3FDB];
	_ =	sdelay $0x1  }
0x99: {  	s20 =	simm.s32 $_scs_section_size  }
0x9a: {  	s4 =	simm.s32 $_size__tile_overlayer_lowered;
	s5 =	simm.s32 $_tile_overlayer_lowered  }
0x9b: {  	s6 =	simm.s32 $0x1BFF;
	s21 =	sshll.u32 s5, $0x1;
	s3 =	sadd.s32 s20, s19  }
0x9c: {  	s22 =	simm.s32 $0x0;
	s4 =	sshll.u32 s4, $0x1;
	s5 =	sadd.s32 s21, s3  }
0x9d: {  	[timem:s22], [sflag:s6] =	dma.local [hbm:s5], s4  }
0x9e: {  	_ =	swait.ge [sflag:s6], s4  }
0x9f: {  	s4 =	ssub.s32 $0x0, s4;
	[sflag:s6] =	ssyncset.done $0x0  }
0xa0: {  	[sflag:s6] =	ssyncadd.s32 s4;
	_ =	sdelay $0x1  }
0xa1: {  	s23 =	simm.s32 $0x1B8B  }
0xa2: {  	_ =	swait.ge [sflag:s23], $0x1  }
0xa3: {  	[sflag:s23] =	ssyncset.done $0x0  }
0xa4: {  	[sflag:s23] =	ssyncadd.s32 $0xFFFFFFFF  }
0xa5: {  	s4 =	sld [smem:$0x0]  }
0xa6: {  	s5 =	sand.u32 $0xFFFFFFFE, s1  }
0xa7: {  	p0 =	sne.s32 s1, s5  }
0xa8: {  	s5 =	sshll.u32 @p0 s5, $0xE  }
0xa9: {  	s5 =	sadd.s32 @p0 $0x11B8D, s5;
	s6 =	sshll.u32 @p0 s4, $0x11  }
0xaa: {  	s5 =	sor.u32 @p0 s6, s5  }
0xab: {  	[sflag:s5] =	ssyncadd.remote.s32 @p0 $0x1;
	_ =	sdelay $0x1  }
0xac: {  	s5 =	simm.s32 @p0 $0x1B8D  }
0xad: {  	_ =	swait.eq @p0 [sflag:s5], $0x1  }
0xae: {  	[sflag:s5] =	ssyncadd.s32 @p0 $0xFFFFFFFF  }
0xaf: {  	s6 =	sshll.u32 @!p0 s1, $0xE  }
0xb0: {  	s6 =	sor.u32 @!p0 $0x4000, s6;
	s5 =	simm.s32 @!p0 $0x1B8D  }
0xb1: {  	s4 =	sshll.u32 @!p0 s4, $0x11;
	s6 =	sadd.s32 @!p0 $0x11B8D, s6;
	_ =	swait.eq @!p0 [sflag:s5], $0x1  }
0xb2: {  	s4 =	sor.u32 @!p0 s4, s6;
	[sflag:s5] =	ssyncadd.s32 @!p0 $0xFFFFFFFF  }
0xb3: {  	s25 =	simm.s32 $0x1B8E;
	s24 =	sld [smem:$0x3FFE];
	[sflag:s4] =	ssyncadd.remote.s32 @!p0 $0x1  }
0xb4: {  	s26 =	simm.s32 $execute0_lowered;
	[smem:$0x3FD2] =	sst s25  }
0xb5: {  	s5 =	sshll.u32 s26, $0x1;
	_ =	strace $0x8000004F;
	[dreg:$0x1] =	wrdreg $0xFFFFFFFF  }
0xb6: {  	s28 =	simm.s32 $_size_execute0_lowered;
	s3 =	sadd.s32 s3, s5;
	[dreg:$0x0] =	wrdreg $0x0  }
0xb7: {  	s5 =	sshll.u32 s28, $0x1;
	[dreg:$0x2] =	wrdreg s3  }
0xb8: {  	[dreg:$0x3] =	wrdreg s5  }
0xb9: {  	[dreg:$0x4] =	wrdreg $0xC0  }
0xba: {  	_ =	task [dreg:s22], $0x5FFFF  }
0xbb: {  	[dreg:$0x1] =	wrdreg $0xFFFFFFFF  }
0xbc: {  	[dreg:$0x0] =	wrdreg $0x60  }
0xbd: {  	[dreg:$0x2] =	wrdreg s24  }
0xbe: {  	[dreg:$0x3] =	wrdreg $0x94000  }
0xbf: {  	[dreg:$0x4] =	wrdreg $0x9  }
0xc0: {  	_ =	task.clear_ibuf [dreg:s22], $0x5FFFF;
	_ =	strace $0x9000004F  }
0xc1: {  	s29 =	simm.s32 $0x9;
	_ =	strace $0x80000051  }
0xc2: {  	_ =	swait.ge [sflag:s29], $0x1  }
0xc3: {  	[sflag:s29] =	ssyncadd.s32 $0xFFFFFFFF  }
0xc4: {  	_ =	strace $0x90000051  }
0xc5: {  	_ =	sfence  }
0xc6: {  	s30 =	sld [smem:$0x0];
	_ =	sdelay $0x2  }
0xc7: {  	s31 =	sshll.u32 s1, $0xD;
	s1 =	sshrl.u32 s1, $0x2  }
0xc8: {  	s4 =	sand.u32 $0x4000, s31;
	s1 =	sadd.s32 s1, s30  }
0xc9: {  	s0 =	sor.u32 s4, s0;
	s1 =	sshll.u32 s1, $0x11  }
0xca: {  	s0 =	sor.u32 s1, s0  }
0xcb: {  	s0 =	sadd.s32 $0x8F2B, s0  }
0xcc: {  	[sflag:s0] =	ssyncadd.remote.s32 $0x1  }
0xcd: {  	_ =	sfence.sel $0xFFFF  }
0xce: {  	[dreg:$0x0] =	wrdreg $0xFFFFFFFF;
	(pc) =	sbr.abs _section_cstart, $3  }
0xcf: {  	[dreg:$0x1] =	wrdreg $0xFFFFFFFF  }
0xd0: {  	_ =	task.clear_ibuf [dreg:s22], $0x2FFFF;
	_ =	strace $0x9FFFFFFF  }
0xd1: {  	(tm) =	ssettm $0x7FFFFFFF  }
tec
execute0_lowered:
.L_overlay_start_1:
0x0: {  	(tag) =	ssettag $0x1  }
0x1: {  	s4 =	rddreg [dreg:$0x0]  }
0x2: {  	s2 =	rddreg [dreg:$0x1];
	s1 =	srdreg.scid  }
0x3: {  	s0 =	rddreg [dreg:$0x2];
	s3 =	simm.s32 $0x0;
	s18 =	simm.s32 $0x4  }
0x4: {  	s19 =	simm.s32 $0x3;
	s20 =	simm.s32 $0x1;
	s21 =	simm.s32 $0x80  }
0x5: {  	s22 =	simm.s32 $0x2;
	s23 =	simm.s32 $0x1300;
	s5 =	sand.u32 $0x1, s1  }
0x6: {  	s24 =	simm.s32 $0x1380;
	s1 =	stileid.u32;
	s6 =	smul.u32 $0x13C000, s5  }
0x7: {  	s25 =	simm.s32 $0x0;
	[smem:$0x7FF] =	sst s3;
	s8 =	smul.u32 $0x13C00, s1  }
0x8: {  	s15 =	sadd.s32 $0xFAC00, s4;
	s7 =	sshll.u32 s5, $0x4;
	s28 =	smul.u32 $0x4F000, s1  }
0x9: {  	_ =	strace $0x80000050;
	s29 =	ssub.s32 $0x2, s5;
	s14 =	smul.u32 $0xA00000, s5  }
0xa: {  	s16 =	smul.u32 $0xA0000, s1;
	s7 =	sor.u32 s1, s7;
	s30 =	sshrl.u32 s29, $0x1  }
0xb: {  	s9 =	smul.u32 $0x280, s7;
	s6 =	sadd.s32 s8, s6;
	s8 =	sshrl.u32 s28, $0x2  }
0xc: {  	s31 =	smul.u32 $0x14000, s7;
	s13 =	ssub.s32 s29, s30;
	s14 =	sadd.s32 s16, s14  }
0xd: {  	s6 =	sshrl.u32 s6, $0x3;
	s16 =	sor.u32 $0xC000, s14;
	s14 =	sor.u32 $0x8000, s14  }
0xe: {  	s13 =	smax.u32 s13, $0x1;
	s10 =	sadd.s32 s9, s4;
	s12 =	sadd.s32 s6, s4  }
0xf: {  	s4 =	sadd.s32 s8, s2;
	s9 =	sadd.s32 s15, s31;
	s16 =	sshrl.u32 s16, $0x3  }
0x10: {  	s17 =	sshrl.u32 s14, $0x3;
	s5 =	sadd.s32 $0x4000, s4;
	s6 =	sadd.s32 $0x8000, s4  }
0x11: {  	s7 =	sadd.s32 $0xC000, s4;
	s8 =	sadd.s32 $0x10000, s4;
	s10 =	sadd.s32 $0x5B0C00, s10  }
0x12: {  	s11 =	sadd.s32 $0x800, s9;
	s12 =	sadd.s32 $0x53800, s12;
	s14 =	sadd.s32 s16, s15  }
0x13: {  	v0 =	vimm.f32 $0.0e+00;
	s15 =	sadd.s32 s17, s15;
	s16 =	simm.s32 $0x1400;
	s17 =	simm.s32 $0x5400  }
.LBB2_1:
0x14: {  	s26 =	simm.s32 $0x0;
	s28 =	simm.s32 $0x200  }
.LBB2_2:
0x15: {  	p0 =	sne.s32 s28, $0xFE00;
	[tilespmem:s26+$0x1470] =	vst v0  }
0x16: {  	[tilespmem:s26+$0x1400] =	vst v0  }
0x17: {  	[tilespmem:s26+$0x1410] =	vst v0  }
.Ltmp0:
0x18: {  	[tilespmem:s26+$0x1420] =	vst v0;
	(pc) =	sbr.rel @p0 .LBB2_2-.Ltmp0, $4  }
0x19: {  	[tilespmem:s26+$0x1430] =	vst v0  }
0x1a: {  	[tilespmem:s26+$0x1440] =	vst v0  }
0x1b: {  	[tilespmem:s26+$0x1450] =	vst v0  }
0x1c: {  	[tilespmem:s26+$0x1460] =	vst v0;
	s26 =	sshra.s32 s28, $0x2;
	s28 =	sadd.s32 $0x200, s28  }
0x1d: {  	[tilespmem:s26+$0x1470] =	vst v0  }
0x1e: {  	[tilespmem:s26+$0x1400] =	vst v0  }
0x1f: {  	[tilespmem:s26+$0x1410] =	vst v0  }
0x20: {  	[tilespmem:s26+$0x1420] =	vst v0  }
0x21: {  	[tilespmem:s26+$0x1430] =	vst v0  }
0x22: {  	[tilespmem:s26+$0x1440] =	vst v0  }
0x23: {  	[tilespmem:s26+$0x1450] =	vst v0  }
0x24: {  	[tilespmem:s26+$0x1460] =	vst v0;
	s26 =	simm.s32 $0x0;
	s28 =	simm.s32 $0x200  }
.LBB2_4:
0x25: {  	p0 =	sne.s32 s28, $0xFE00;
	[tilespmem:s26+$0x5470] =	vst v0  }
0x26: {  	[tilespmem:s26+$0x5400] =	vst v0  }
0x27: {  	[tilespmem:s26+$0x5410] =	vst v0  }
.Ltmp1:
0x28: {  	[tilespmem:s26+$0x5420] =	vst v0;
	(pc) =	sbr.rel @p0 .LBB2_4-.Ltmp1, $4  }
0x29: {  	[tilespmem:s26+$0x5430] =	vst v0  }
0x2a: {  	[tilespmem:s26+$0x5440] =	vst v0  }
0x2b: {  	[tilespmem:s26+$0x5450] =	vst v0  }
0x2c: {  	[tilespmem:s26+$0x5460] =	vst v0;
	s26 =	sshra.s32 s28, $0x2;
	s28 =	sadd.s32 $0x200, s28  }
0x2d: {  	[tilespmem:s26+$0x5470] =	vst v0  }
0x2e: {  	[tilespmem:s26+$0x5400] =	vst v0  }
0x2f: {  	[tilespmem:s26+$0x5410] =	vst v0  }
0x30: {  	[tilespmem:s26+$0x5420] =	vst v0  }
0x31: {  	[tilespmem:s26+$0x5430] =	vst v0  }
0x32: {  	[tilespmem:s26+$0x5440] =	vst v0  }
0x33: {  	[tilespmem:s26+$0x5450] =	vst v0  }
0x34: {  	[tilespmem:s26+$0x5460] =	vst v0  }
0x35: {  	[spmem:s4] =	stream.linear.scatter [tilespmem:s16], [sflag:$0x3], $0x4000, $0x38;
	[tilespmem:$0x1D000] =	vst v63  }
0x36: {  	_ = 	snop  }
0x37: {  	[spmem:s5] =	stream.linear.scatter [tilespmem:s17], [sflag:$0x3], $0x4000, $0x38;
	[tilespmem:$0x1D000] =	vst v63  }
0x38: {  	_ = 	snop  }
0x39: {  	[spmem:s6] =	stream.linear.scatter [tilespmem:s16], [sflag:$0x3], $0x4000, $0x38;
	[tilespmem:$0x1D000] =	vst v63  }
0x3a: {  	_ = 	snop  }
0x3b: {  	[spmem:s7] =	stream.linear.scatter [tilespmem:s17], [sflag:$0x3], $0x4000, $0x38;
	[tilespmem:$0x1D000] =	vst v63  }
0x3c: {  	_ = 	snop  }
0x3d: {  	[spmem:s8] =	stream.linear.scatter [tilespmem:s16], [sflag:$0x3], $0x3C00, $0x38;
	[tilespmem:$0x1D000] =	vst v63  }
0x3e: {  	s30 =	simm.s32 $0x0  }
0x3f: {  	[tilespmem:s30], [sflag:$0x4] =	stream.linear.gather [hbm4b:s10+s30], $0x1400, $0x38;
	[tilespmem:$0x1D000] =	vst v63  }
0x40: {  	_ =	swait.ge [sflag:s18], $0x1400  }
0x41: {  	[sflag:s18] =	ssyncset.done $0x0  }
0x42: {  	[sflag:s18] =	ssyncadd.s32 $0xFFFFEC00  }
0x43: {  	_ =	swait.ge [sflag:s19], $0x4000  }
0x44: {  	[sflag:s19] =	ssyncset.done $0x0  }
0x45: {  	[sflag:s19] =	ssyncadd.s32 $0xFFFFC000  }
0x46: {  	_ =	swait.ge [sflag:s19], $0x4000  }
0x47: {  	[sflag:s19] =	ssyncset.done $0x0  }
0x48: {  	[sflag:s19] =	ssyncadd.s32 $0xFFFFC000  }
0x49: {  	_ =	swait.ge [sflag:s19], $0x4000  }
0x4a: {  	[sflag:s19] =	ssyncset.done $0x0  }
0x4b: {  	[sflag:s19] =	ssyncadd.s32 $0xFFFFC000  }
0x4c: {  	_ =	swait.ge [sflag:s19], $0x4000  }
0x4d: {  	[sflag:s19] =	ssyncset.done $0x0  }
0x4e: {  	[sflag:s19] =	ssyncadd.s32 $0xFFFFC000  }
0x4f: {  	_ =	swait.ge [sflag:s19], $0x3C00  }
0x50: {  	[sflag:s19] =	ssyncset.done $0x0  }
0x51: {  	[sflag:s19] =	ssyncadd.s32 $0xFFFFC400  }
0x52: {  	[bflag:$0x0] =	sbarrier.arrive $0xFFFF  }
0x53: {  	[tilespmem:s16], [sflag:$0x1] =	stream.linear.gather [hbm4b:s9+s30], $0x4000, $0x38;
	[tilespmem:$0x1D000] =	vst v63  }
0x54: {  	_ = 	snop  }
0x55: {  	[tilespmem:s17], [sflag:$0x2] =	stream.linear.gather [hbm4b:s11+s30], $0x4000, $0x38;
	[tilespmem:$0x1D000] =	vst v63  }
0x56: {  	_ =	swait.ge [sflag:s20], $0x4000  }
0x57: {  	[sflag:s20] =	ssyncset.done $0x0  }
0x58: {  	s31 =	simm.s32 $0x0;
	[sflag:s20] =	ssyncadd.s32 $0xFFFFC000  }
0x59: {  	[spmem:s2] =	stream.indirect.scatter.add.f32 [tilespmem:s16], [sflag:$0x4], $0x80, s31, s21, $0xb8;
	[tilespmem:$0x1D000] =	vst v63  }
0x5a: {  	_ =	swait.ge [sflag:s18], $0x4000  }
0x5b: {  	[sflag:s18] =	ssyncset.done $0x0  }
0x5c: {  	s30 =	sadd.s32 $0x0, s15;
	[sflag:s18] =	ssyncadd.s32 $0xFFFFC000  }
0x5d: {  	[tilespmem:s16], [sflag:$0x1] =	stream.linear.gather [hbm4b:s30+s3], $0x4000, $0x38;
	[tilespmem:$0x1D000] =	vst v63  }
0x5e: {  	_ =	swait.ge [sflag:s22], $0x4000  }
0x5f: {  	[sflag:s22] =	ssyncset.done $0x0  }
0x60: {  	s31 =	simm.s32 $0x80;
	[sflag:s22] =	ssyncadd.s32 $0xFFFFC000  }
0x61: {  	[spmem:s2] =	stream.indirect.scatter.add.f32 [tilespmem:s17], [sflag:$0x4], $0x80, s31, s21, $0xb8;
	[tilespmem:$0x1D000] =	vst v63  }
0x62: {  	_ =	swait.ge [sflag:s18], $0x4000  }
0x63: {  	s26 =	simm.s32 $0x1000;
	[sflag:s18] =	ssyncset.done $0x0  }
0x64: {  	s29 =	sadd.s32 $0x0, s14;
	s28 =	simm.s32 $0x180;
	[sflag:s18] =	ssyncadd.s32 $0xFFFFC000  }
.LBB2_6:
0x65: {  	[tilespmem:s17], [sflag:$0x2] =	stream.linear.gather [hbm4b:s29+s3], $0x4000, $0x38;
	[tilespmem:$0x1D000] =	vst v63  }
0x66: {  	s29 =	smov.u32 s26  }
0x67: {  	p0 =	sne.s32 s26, $0x12000;
	s26 =	sadd.s32 $0x1000, s26;
	_ =	swait.ge [sflag:s20], $0x4000  }
0x68: {  	[sflag:s20] =	ssyncset.done $0x0  }
0x69: {  	s30 =	sadd.s32 $0xFFFFFF80, s28;
	[sflag:s20] =	ssyncadd.s32 $0xFFFFC000  }
0x6a: {  	[spmem:s2] =	stream.indirect.scatter.add.f32 [tilespmem:s16], [sflag:$0x4], $0x80, s30, s21, $0xb8;
	[tilespmem:$0x1D000] =	vst v63  }
0x6b: {  	_ =	swait.ge [sflag:s18], $0x4000  }
0x6c: {  	[sflag:s18] =	ssyncset.done $0x0  }
0x6d: {  	s30 =	sadd.s32 s29, s15;
	[sflag:s18] =	ssyncadd.s32 $0xFFFFC000  }
0x6e: {  	[tilespmem:s16], [sflag:$0x1] =	stream.linear.gather [hbm4b:s30+s3], $0x4000, $0x38;
	[tilespmem:$0x1D000] =	vst v63  }
0x6f: {  	_ =	swait.ge [sflag:s22], $0x4000  }
0x70: {  	[sflag:s22] =	ssyncset.done $0x0  }
.Ltmp2:
0x71: {  	[sflag:s22] =	ssyncadd.s32 $0xFFFFC000;
	(pc) =	sbr.rel @p0 .LBB2_6-.Ltmp2, $4  }
0x72: {  	[spmem:s2] =	stream.indirect.scatter.add.f32 [tilespmem:s17], [sflag:$0x4], $0x80, s28, s21, $0xb8;
	[tilespmem:$0x1D000] =	vst v63  }
0x73: {  	_ =	swait.ge [sflag:s18], $0x4000  }
0x74: {  	[sflag:s18] =	ssyncset.done $0x0  }
0x75: {  	s29 =	sadd.s32 s29, s14;
	s28 =	sadd.s32 $0x100, s28;
	[sflag:s18] =	ssyncadd.s32 $0xFFFFC000  }
0x76: {  	[tilespmem:s17], [sflag:$0x2] =	stream.linear.gather [hbm4b:s29+s3], $0x4000, $0x38;
	[tilespmem:$0x1D000] =	vst v63  }
0x77: {  	_ =	swait.ge [sflag:s20], $0x4000  }
0x78: {  	[sflag:s20] =	ssyncset.done $0x0  }
0x79: {  	[sflag:s20] =	ssyncadd.s32 $0xFFFFC000  }
0x7a: {  	[spmem:s2] =	stream.indirect.scatter.add.f32 [tilespmem:s16], [sflag:$0x4], $0x80, s23, s21, $0xb8;
	[tilespmem:$0x1D000] =	vst v63  }
0x7b: {  	_ =	swait.ge [sflag:s18], $0x4000  }
0x7c: {  	[sflag:s18] =	ssyncset.done $0x0  }
0x7d: {  	[sflag:s18] =	ssyncadd.s32 $0xFFFFC000  }
0x7e: {  	_ =	swait.ge [sflag:s22], $0x4000  }
0x7f: {  	[sflag:s22] =	ssyncset.done $0x0  }
0x80: {  	[sflag:s22] =	ssyncadd.s32 $0xFFFFC000  }
0x81: {  	[spmem:s2] =	stream.indirect.scatter.add.f32 [tilespmem:s17], [sflag:$0x4], $0x80, s24, s21, $0xb8;
	[tilespmem:$0x1D000] =	vst v63  }
0x82: {  	_ =	swait.ge [sflag:s18], $0x4000  }
0x83: {  	s26 =	sshll.u32 s1, $0x6;
	s25 =	sadd.s32 $0x1, s25;
	[sflag:s18] =	ssyncset.done $0x0  }
0x84: {  	s28 =	sshrl.u32 s4, $0x3;
	p0 =	sne.s32 s25, s13;
	[sflag:s18] =	ssyncadd.s32 $0xFFFFC000  }
.Ltmp3:
0x85: {  	s26 =	sor.u32 $0x1C04, s26;
	[bflag:$0x0] =	sbarrier.arrive $0xFFFF;
	(pc) =	sbr.rel @p0 .LBB2_1-.Ltmp3, $4  }
0x86: {  	[hbm:s12], [sflag:s26] =	dma.local [spmem:s28], $0x2780  }
0x87: {  	_ =	swait.ge [sflag:s18], $0x2780  }
0x88: {  	[sflag:s18] =	ssyncset.done $0x0  }
0x89: {  	[sflag:s18] =	ssyncadd.s32 $0xFFFFD880  }
0x8a: {  	_ =	sfence.sel $0x180000  }
0x8b: {  	[bflag:$0x0] =	sbarrier.arrive $0xFFFF  }
0x8c: {  	p0 =	sne.s32 s1, $0x0;
	_ =	strace $0x90000050  }
0x8d: {  	s0 =	sadd.s32 @!p0 $0x100000, s0;
	[bflag:$0x2] =	sbarrier.arrive $0xFFFF  }
0x8e: {  	[sflag:s0] =	ssyncadd.tile.s32 @!p0 $0x1;
	_ =	shalt  }
.Lfunc_end2:
_tile_overlayer_lowered:
.L_overlay_start_2:
0x8f: {  	(tag) =	ssettag $0x2  }
0x90: {  	s0 =	rddreg [dreg:$0x0];
	s2 =	stileid.u32  }
0x91: {  	s1 =	rddreg [dreg:$0x1];
	p0 =	sne.s32 s2, $0x0  }
0x92: {  	s3 =	rddreg [dreg:$0x2];
	[bflag:$0x3] =	sbarrier.arrive $0xFFFF;
	s2 =	simm.s32 @!p0 $0x1C04  }
0x93: {  	[timem:s3], [sflag:s2] =	dma.local @!p0 [hbm:s0], s1  }
0x94: {  	s0 =	simm.s32 @!p0 $0x4  }
0x95: {  	_ =	swait.ge @!p0 [sflag:s0], s1  }
0x96: {  	s1 =	ssub.s32 @!p0 $0x0, s1;
	[sflag:s0] =	ssyncset.done @!p0 $0x0  }
0x97: {  	[sflag:s0] =	ssyncadd.s32 @!p0 s1  }
0x98: {  	[bflag:$0x3] =	sbarrier.arrive $0xFFFF  }
0x99: {  	_ =	shalt  }

// kernel: kernel.16.cloned.1.call-start
scs
__scs_entry_jumppad:
0x0: {  	(pc) =	sbr.rel $0x88, $3  }
0x1: {  	(tag) =	ssettag $0x0;
	lr =	simm.s32 $0x1  }
0x2: {  	[smem:$0x3F8C] =	sst lr;
	_ =	strace $0xD0000000  }
0x3: {  	_ = 	snop  }
0x4: {  	_ = 	snop  }
0x5: {  	_ = 	snop  }
0x6: {  	_ = 	snop  }
0x7: {  	_ = 	snop  }
__scs_overlays_trampoline_lowered:
0x8: {  	[smem:$0x3F9B] =	sst s0  }
0x9: {  	[smem:$0x3F9C] =	sst s1  }
0xa: {  	[smem:$0x3F9D] =	sst s2  }
0xb: {  	[smem:$0x3F9E] =	sst s3  }
0xc: {  	[smem:$0x3F9F] =	sst s4  }
0xd: {  	[smem:$0x3FA0] =	sst s5  }
0xe: {  	[smem:$0x3FA1] =	sst s6  }
0xf: {  	[smem:$0x3FA2] =	sst s7  }
0x10: {  	[smem:$0x3FA3] =	sst s8  }
0x11: {  	[smem:$0x3FA4] =	sst s9;
	s0 =	simm.s32 @!p0 $0x0  }
0x12: {  	s1 =	sld [smem:$0x3F8A];
	s0 =	simm.s32 @p0 $0x1  }
0x13: {  	[smem:$0x3FA5] =	sst s0;
	s0 =	simm.s32 @!p1 $0x0  }
0x14: {  	s2 =	sld [smem:$0x3F89];
	s0 =	simm.s32 @p1 $0x1  }
0x15: {  	[smem:$0x3FA6] =	sst s0;
	s0 =	simm.s32 @!p2 $0x0  }
0x16: {  	s3 =	sld [smem:$0x3FDB];
	s0 =	simm.s32 @p2 $0x1  }
0x17: {  	s4 =	simm.s32 $0x1BF5;
	[smem:$0x3FA8] =	sst s0  }
0x18: {  	s0 =	sld [smem:$0x3F8B];
	_ =	swait.ge [sflag:s4], $0x0  }
0x19: {  	s7 =	sld [smem:$0x3F8C]  }
0x1a: {  	s8 =	sadd.s32 $0xFFFFE003, lr  }
0x1b: {  	s9 =	sadd.s32 $0xFFFFFEF7, lr;
	s5 =	simm.s32 $0xFFFFFFFF;
	p2 =	slt.u32 s8, $0xFFFFF086  }
0x1c: {  	p1 =	slt.u32 s9, $0xF7A;
	s5 =	simm.s32 @!p2 $0x0  }
0x1d: {  	s5 =	simm.s32 @p1 $0x1;
	p0 =	seq.s32 s7, s2  }
0x1e: {  	s7 =	smul.u32 @!p0 $0xF7A, s2;
	p2 =	seq.s32 @!p0 s5, $0x0  }
0x1f: {  	s9 =	smul.u32 $0xF7A, s1;
	s8 =	simm.s32 @!p0 $0x1BF5;
	p2 =	por !p2, p0  }
0x20: {  	[sflag:s8] =	ssyncset.s32 @!p0 $0xFFFFF086;
	s6 =	sadd.s32 @!p0 s3, s7;
	s7 =	simm.s32 @!p0 $0x108  }
0x21: {  	s3 =	sadd.s32 s3, s9;
	s6 =	sadd.s32 @!p0 $0x88, s6;
	s7 =	simm.s32 @p2 $0x1082  }
0x22: {  	[simem:s7], [sflag:s8] =	dma.local @!p0 [hbm:s6], $0xF7A  }
0x23: {  	s9 =	sor.u32 $0xD0000000, s2;
	s6 =	simm.s32 $0x108;
	_ =	swait.ge @!p0 [sflag:s8], $0x0  }
0x24: {  	s3 =	sadd.s32 $0x88, s3;
	s6 =	simm.s32 @!p1 $0x1082;
	[sflag:s4] =	ssyncset.s32 $0xFFFFF086  }
0x25: {  	[simem:s6], [sflag:s4] =	dma.local [hbm:s3], $0xF7A  }
0x26: {  	[smem:$0x3F8C] =	sst s1;
	(tag) =	ssettag s2;
	_ =	strace s9  }
0x27: {  	s1 =	sld [smem:$0x3F9C]  }
0x28: {  	s2 =	sld [smem:$0x3F9D]  }
0x29: {  	s4 =	sld [smem:$0x3F9F]  }
0x2a: {  	p0 =	seq.s32 s5, $0x0;
	s5 =	sld [smem:$0x3FA0]  }
0x2b: {  	s6 =	sld [smem:$0x3FA1]  }
0x2c: {  	s7 =	sld [smem:$0x3FA2]  }
0x2d: {  	s3 =	simm.s32 $0x108;
	s8 =	sld [smem:$0x3FA3]  }
0x2e: {  	s3 =	simm.s32 @!p0 $0x1082;
	s9 =	sld [smem:$0x3FA4]  }
0x2f: {  	lr =	sadd.s32 s0, s3;
	s0 =	sld [smem:$0x3F9B]  }
0x30: {  	s3 =	sld [smem:$0x3F9E]  }
0x31: {  	[smem:$0x3FA7] =	sst s10  }
0x32: {  	s10 =	sld [smem:$0x3FA5];
	_ =	sdelay $0x3  }
0x33: {  	p0 =	seq.s32 s10, $0x1;
	s10 =	sld [smem:$0x3FA7];
	_ =	sdelay $0x3  }
0x34: {  	[smem:$0x3FA7] =	sst s10  }
0x35: {  	s10 =	sld [smem:$0x3FA6];
	_ =	sdelay $0x3  }
0x36: {  	p1 =	seq.s32 s10, $0x1;
	s10 =	sld [smem:$0x3FA7];
	_ =	sdelay $0x3  }
0x37: {  	[smem:$0x3FA7] =	sst s10  }
0x38: {  	s10 =	sld [smem:$0x3FA8]  }
0x39: {  	_ = 	snop;
	(pc) =	sbr.ind lr, $3  }
0x3a: {  	_ = 	snop  }
0x3b: {  	_ = 	snop  }
0x3c: {  	p2 =	seq.s32 s10, $0x1;
	s10 =	sld [smem:$0x3FA7]  }
0x3d: {  	_ =	shalt  }
0x3e: {  	_ =	shalt  }
0x3f: {  	_ =	shalt  }
0x40: {  	_ =	shalt  }
0x41: {  	_ =	shalt  }
0x42: {  	_ =	shalt  }
0x43: {  	_ =	shalt  }
0x44: {  	_ =	shalt  }
0x45: {  	_ =	shalt  }
0x46: {  	_ =	shalt  }
0x47: {  	_ =	shalt  }
0x48: {  	_ =	shalt  }
0x49: {  	_ =	shalt  }
0x4a: {  	_ =	shalt  }
0x4b: {  	_ =	shalt  }
0x4c: {  	_ =	shalt  }
0x4d: {  	_ =	shalt  }
0x4e: {  	_ =	shalt  }
0x4f: {  	_ =	shalt  }
0x50: {  	_ =	shalt  }
0x51: {  	_ =	shalt  }
0x52: {  	_ =	shalt  }
0x53: {  	_ =	shalt  }
0x54: {  	_ =	shalt  }
0x55: {  	_ =	shalt  }
0x56: {  	_ =	shalt  }
0x57: {  	_ =	shalt  }
0x58: {  	_ =	shalt  }
0x59: {  	_ =	shalt  }
0x5a: {  	_ =	shalt  }
0x5b: {  	_ =	shalt  }
0x5c: {  	_ =	shalt  }
0x5d: {  	_ =	shalt  }
0x5e: {  	_ =	shalt  }
0x5f: {  	_ =	shalt  }
0x60: {  	_ =	shalt  }
0x61: {  	_ =	shalt  }
0x62: {  	_ =	shalt  }
0x63: {  	_ =	shalt  }
0x64: {  	_ =	shalt  }
0x65: {  	_ =	shalt  }
0x66: {  	_ =	shalt  }
0x67: {  	_ =	shalt  }
0x68: {  	_ =	shalt  }
0x69: {  	_ =	shalt  }
0x6a: {  	_ =	shalt  }
0x6b: {  	_ =	shalt  }
0x6c: {  	_ =	shalt  }
0x6d: {  	_ =	shalt  }
0x6e: {  	_ =	shalt  }
0x6f: {  	_ =	shalt  }
0x70: {  	_ =	shalt  }
0x71: {  	_ =	shalt  }
0x72: {  	_ =	shalt  }
0x73: {  	_ =	shalt  }
0x74: {  	_ =	shalt  }
0x75: {  	_ =	shalt  }
0x76: {  	_ =	shalt  }
0x77: {  	_ =	shalt  }
0x78: {  	_ =	shalt  }
0x79: {  	_ =	shalt  }
0x7a: {  	_ =	shalt  }
0x7b: {  	_ =	shalt  }
0x7c: {  	_ =	shalt  }
0x7d: {  	_ =	shalt  }
0x7e: {  	_ =	shalt  }
0x7f: {  	_ =	shalt  }
0x80: {  	_ =	shalt  }
0x81: {  	_ =	shalt  }
0x82: {  	_ =	shalt  }
0x83: {  	_ =	shalt  }
0x84: {  	_ =	shalt  }
0x85: {  	_ =	shalt  }
0x86: {  	_ =	shalt  }
0x87: {  	_ =	shalt  }
.Lfunc_end0:
.L_simem_size_0:
called_computation.2_lowered:
.L_overlay_start_0:
0x88: {  	s2 =	sld [smem:$0x3FD9]  }
0x89: {  	s3 =	sld [smem:$0x3FFE];
	_ =	sdelay $0x1  }
0x8a: {  	s1 =	srdreg.scid  }
0x8b: {  	s0 =	sand.u32 $0x1, s1  }
0x8c: {  	s16 =	sshll.u32 s0, $0xA;
	s2 =	sadd.s32 s3, s2  }
0x8d: {  	s2 =	sadd.s32 s2, s16  }
0x8e: {  	[smem:$0x3FB3] =	sst s2  }
0x8f: {  	_ = 	snop  }
0x90: {  	(tm) =	ssettm $0x1  }
0x91: {  	s17 =	sld [smem:$0x3FFB];
	_ =	sdelay $0x3  }
0x92: {  	_ =	strace s17  }
0x93: {  	s2 =	sld [smem:$0x3FFC];
	_ =	sdelay $0x3  }
0x94: {  	_ =	strace s2  }
0x95: {  	s2 =	sld [smem:$0x3FFD];
	_ =	sdelay $0x3  }
0x96: {  	_ =	strace s2  }
0x97: {  	_ =	strace $0x8FFFFFFF  }
0x98: {  	s18 =	sld [smem:$0x3FDB];
	_ =	sdelay $0x1  }
0x99: {  	s19 =	simm.s32 $_scs_section_size  }
0x9a: {  	s4 =	simm.s32 $_size__tile_overlayer_lowered;
	s5 =	simm.s32 $_tile_overlayer_lowered  }
0x9b: {  	s22 =	simm.s32 $0x1BFF;
	s21 =	sshll.u32 s5, $0x1;
	s2 =	sadd.s32 s19, s18  }
0x9c: {  	s6 =	simm.s32 $0x0;
	s20 =	sshll.u32 s4, $0x1;
	s4 =	sadd.s32 s21, s2  }
0x9d: {  	[timem:s6], [sflag:s22] =	dma.local [hbm:s4], s20  }
0x9e: {  	_ =	swait.ge [sflag:s22], s20  }
0x9f: {  	s3 =	ssub.s32 $0x0, s20;
	[sflag:s22] =	ssyncset.done $0x0  }
0xa0: {  	[sflag:s22] =	ssyncadd.s32 s3;
	_ =	sdelay $0x1  }
0xa1: {  	s23 =	simm.s32 $0x1B8B  }
0xa2: {  	_ =	swait.ge [sflag:s23], $0x1  }
0xa3: {  	[sflag:s23] =	ssyncset.done $0x0  }
0xa4: {  	s25 =	simm.s32 $0x1B8E;
	s24 =	sld [smem:$0x3FFE];
	[sflag:s23] =	ssyncadd.s32 $0xFFFFFFFF  }
0xa5: {  	s26 =	simm.s32 $execute0_lowered;
	[smem:$0x3FD2] =	sst s25  }
0xa6: {  	s4 =	sshll.u32 s26, $0x1;
	_ =	strace $0x80000046;
	[dreg:$0x1] =	wrdreg $0xFFFFFFFF  }
0xa7: {  	s28 =	simm.s32 $_size_execute0_lowered;
	s2 =	sadd.s32 s2, s4;
	[dreg:$0x0] =	wrdreg $0x0  }
0xa8: {  	s4 =	sshll.u32 s28, $0x1;
	[dreg:$0x2] =	wrdreg s2  }
0xa9: {  	[dreg:$0x3] =	wrdreg s4  }
0xaa: {  	[dreg:$0x4] =	wrdreg $0xC0  }
0xab: {  	_ =	task [dreg:s6], $0x5FFFF  }
0xac: {  	[dreg:$0x1] =	wrdreg $0xFFFFFFFF  }
0xad: {  	[dreg:$0x0] =	wrdreg $0x60  }
0xae: {  	[dreg:$0x2] =	wrdreg s24  }
0xaf: {  	[dreg:$0x3] =	wrdreg $0xA  }
0xb0: {  	_ =	task.clear_ibuf [dreg:s6], $0x4FFFF;
	_ =	strace $0x90000046  }
0xb1: {  	s29 =	simm.s32 $0xA;
	_ =	strace $0x80000048  }
0xb2: {  	_ =	swait.ge [sflag:s29], $0x1  }
0xb3: {  	[sflag:s29] =	ssyncadd.s32 $0xFFFFFFFF  }
0xb4: {  	_ =	strace $0x90000048  }
0xb5: {  	_ =	sfence  }
0xb6: {  	s30 =	sld [smem:$0x0];
	_ =	sdelay $0x2  }
0xb7: {  	s31 =	sshll.u32 s1, $0xD;
	s1 =	sshrl.u32 s1, $0x2  }
0xb8: {  	s3 =	sand.u32 $0x4000, s31;
	s1 =	sadd.s32 s1, s30  }
0xb9: {  	s0 =	sor.u32 s3, s0;
	s1 =	sshll.u32 s1, $0x11  }
0xba: {  	s0 =	sor.u32 s1, s0  }
0xbb: {  	s0 =	sadd.s32 $0x8F2B, s0  }
0xbc: {  	[sflag:s0] =	ssyncadd.remote.s32 $0x1  }
0xbd: {  	_ =	sfence.sel $0xFFFF  }
0xbe: {  	[dreg:$0x0] =	wrdreg $0xFFFFFFFF;
	(pc) =	sbr.abs _section_cstart, $3  }
0xbf: {  	[dreg:$0x1] =	wrdreg $0xFFFFFFFF  }
0xc0: {  	_ =	task.clear_ibuf [dreg:s6], $0x2FFFF;
	_ =	strace $0x9FFFFFFF  }
0xc1: {  	(tm) =	ssettm $0x7FFFFFFF  }
tec
execute0_lowered:
.L_overlay_start_1:
0x0: {  	(tag) =	ssettag $0x1  }
0x1: {  	s0 =	srdreg.scid;
	s5 =	rddreg [dreg:$0x0]  }
0x2: {  	s1 =	stileid.u32;
	s2 =	simm.s32 $0x0;
	s16 =	simm.s32 $0x80  }
0x3: {  	s17 =	simm.s32 $0x2800;
	s18 =	simm.s32 $0xE800;
	s23 =	simm.s32 $0xA800  }
0x4: {  	s24 =	simm.s32 $0x1500;
	s25 =	simm.s32 $0x16800;
	s28 =	simm.s32 $0x4  }
0x5: {  	s29 =	simm.s32 $0x0;
	s0 =	sand.u32 $0x1, s0;
	[smem:$0x7FF] =	sst s2  }
0x6: {  	s4 =	sadd.s32 $0x84A00, s5;
	s8 =	smul.u32 $0xA0000, s1;
	s11 =	sadd.s32 $0xABC00, s5  }
0x7: {  	s12 =	sadd.s32 $0x32BC00, s5;
	s14 =	smul.u32 $0x14000, s1;
	s3 =	sshll.u32 s0, $0x4  }
0x8: {  	_ =	strace $0x80000047;
	s7 =	smul.u32 $0xA00000, s0;
	s9 =	ssub.s32 $0x2, s0  }
0x9: {  	s0 =	smul.u32 $0x140000, s0;
	s3 =	sor.u32 s1, s3;
	s26 =	sshrl.u32 s9, $0x1  }
0xa: {  	s6 =	smul.u32 $0x1400, s3;
	s3 =	sadd.s32 $0x5D800, s5;
	s10 =	sadd.s32 s8, s7  }
0xb: {  	s30 =	ssub.s32 s9, s26;
	s15 =	sadd.s32 s0, s11;
	s0 =	sadd.s32 s0, s12  }
0xc: {  	s26 =	simm.s32 $0x1;
	s8 =	sor.u32 $0x8000, s10;
	s7 =	smax.u32 s30, $0x1  }
0xd: {  	s10 =	sor.u32 $0x4000, s10;
	s6 =	sshrl.u32 s6, $0x3;
	s31 =	sshrl.u32 s8, $0x3  }
0xe: {  	s13 =	sshrl.u32 s10, $0x3;
	s6 =	sadd.s32 s6, s5;
	s8 =	sadd.s32 s31, s12  }
0xf: {  	s9 =	sadd.s32 s31, s11;
	s10 =	sadd.s32 s13, s12;
	s11 =	sadd.s32 s13, s11  }
0x10: {  	s12 =	sadd.s32 s14, s15;
	s13 =	sadd.s32 s14, s0;
	s14 =	simm.s32 $0x7  }
0x11: {  	s15 =	simm.s32 $0x1400;
	s5 =	sadd.s32 $0x53800, s6;
	s6 =	sadd.s32 $0x58800, s6  }
.LBB2_1:
0x12: {  	[tilespmem:s2], [sflag:$0x7] =	stream.linear.gather [hbm4b:s5+s2], $0x1400, $0x38;
	[tilespmem:$0x1A800] =	vst v63  }
0x13: {  	_ =	swait.ge [sflag:s14], $0x1400  }
0x14: {  	[sflag:s14] =	ssyncset.done $0x0  }
0x15: {  	[sflag:s14] =	ssyncadd.s32 $0xFFFFEC00  }
0x16: {  	[tilespmem:s15], [sflag:$0x7] =	stream.linear.gather [hbm4b:s6+s2], $0x1400, $0x38;
	[tilespmem:$0x1A800] =	vst v63  }
0x17: {  	_ =	swait.ge [sflag:s14], $0x1400  }
0x18: {  	[sflag:s14] =	ssyncset.done $0x0  }
0x19: {  	[sflag:s14] =	ssyncadd.s32 $0xFFFFEC00  }
0x1a: {  	[tilespmem:s17], [sflag:$0x1] =	stream.indirect.gather [hbm4b:s3+s16], $0x80, s2, s16, $0xb8;
	[tilespmem:$0x1A800] =	vst v63  }
0x1b: {  	_ = 	snop  }
0x1c: {  	[tilespmem:s18], [sflag:$0x1] =	stream.indirect.gather [hbm4b:s4+s16], $0x80, s15, s16, $0xb8;
	[tilespmem:$0x1A800] =	vst v63  }
0x1d: {  	s0 =	simm.s32 $0x6800  }
0x1e: {  	[tilespmem:s0], [sflag:$0x2] =	stream.indirect.gather [hbm4b:s3+s16], $0x80, s16, s16, $0xb8;
	[tilespmem:$0x1A800] =	vst v63  }
0x1f: {  	s21 =	simm.s32 $0x1480;
	s1 =	simm.s32 $0x12800  }
0x20: {  	[tilespmem:s1], [sflag:$0x2] =	stream.indirect.gather [hbm4b:s4+s16], $0x80, s21, s16, $0xb8;
	[tilespmem:$0x1A800] =	vst v63  }
0x21: {  	s22 =	simm.s32 $0x100  }
0x22: {  	[tilespmem:s23], [sflag:$0x3] =	stream.indirect.gather [hbm4b:s3+s16], $0x80, s22, s16, $0xb8;
	[tilespmem:$0x1A800] =	vst v63  }
0x23: {  	s30 =	simm.s32 $0x0;
	s31 =	simm.s32 $0x0;
	s0 =	simm.s32 $0x0  }
0x24: {  	[tilespmem:s25], [sflag:$0x3] =	stream.indirect.gather [hbm4b:s4+s16], $0x80, s24, s16, $0xb8;
	[tilespmem:$0x1A800] =	vst v63  }
.LBB2_2:
0x25: {  	_ =	swait.ge [sflag:s26], $0x4000  }
0x26: {  	[sflag:s26] =	ssyncset.done $0x0  }
0x27: {  	[sflag:s26] =	ssyncadd.s32 $0xFFFFC000  }
0x28: {  	_ =	swait.ge [sflag:s26], $0x4000  }
0x29: {  	[sflag:s26] =	ssyncset.done $0x0  }
0x2a: {  	s1 =	sadd.s32 s31, s12;
	[sflag:s26] =	ssyncadd.s32 $0xFFFFC000  }
0x2b: {  	[hbm4b:s1+s2] =	stream.linear.scatter [tilespmem:s17], [sflag:$0x4], $0x4000, $0x38;
	[tilespmem:$0x1A800] =	vst v63  }
0x2c: {  	s22 =	sadd.s32 s31, s13  }
0x2d: {  	[hbm4b:s22+s2] =	stream.linear.scatter [tilespmem:s18], [sflag:$0x4], $0x4000, $0x38;
	[tilespmem:$0x1A800] =	vst v63  }
0x2e: {  	_ =	swait.ge [sflag:s28], $0x4000  }
0x2f: {  	[sflag:s28] =	ssyncset.done $0x0  }
0x30: {  	[sflag:s28] =	ssyncadd.s32 $0xFFFFC000  }
0x31: {  	p0 =	seq.s32 s31, $0x13800;
	_ =	swait.ge [sflag:s28], $0x4000  }
0x32: {  	s20 =	simm.s32 @!p0 $0x80;
	s1 =	sshra.s32 @!p0 s30, $0x2;
	[sflag:s28] =	ssyncset.done $0x0  }
0x33: {  	s21 =	simm.s32 @!p0 $0x2800;
	s19 =	sadd.s32 @!p0 $0x180, s1;
	[sflag:s28] =	ssyncadd.s32 $0xFFFFC000  }
0x34: {  	[tilespmem:s21], [sflag:$0x1] =	stream.indirect.gather @!p0 [hbm4b:s3+s20], $0x80, s19, s20, $0xb8;
	[tilespmem:$0x1A800] =	vst v63  }
0x35: {  	s1 =	sadd.s32 @!p0 $0x1580, s1;
	s19 =	simm.s32 @!p0 $0xE800  }
0x36: {  	[tilespmem:s19], [sflag:$0x1] =	stream.indirect.gather @!p0 [hbm4b:s4+s20], $0x80, s1, s20, $0xb8;
	[tilespmem:$0x1A800] =	vst v63  }
0x37: {  	s1 =	simm.s32 @!p0 $0x2  }
0x38: {  	_ =	swait.ge @!p0 [sflag:s1], $0x4000  }
0x39: {  	[sflag:s1] =	ssyncset.done @!p0 $0x0  }
0x3a: {  	[sflag:s1] =	ssyncadd.s32 @!p0 $0xFFFFC000  }
0x3b: {  	_ =	swait.ge @!p0 [sflag:s1], $0x4000  }
0x3c: {  	s19 =	simm.s32 @!p0 $0x0;
	[sflag:s1] =	ssyncset.done @!p0 $0x0  }
0x3d: {  	s20 =	simm.s32 @!p0 $0x6800;
	[sflag:s1] =	ssyncadd.s32 @!p0 $0xFFFFC000;
	s1 =	sadd.s32 @!p0 s31, s11  }
0x3e: {  	[hbm4b:s1+s19] =	stream.linear.scatter @!p0 [tilespmem:s20], [sflag:$0x5], $0x4000, $0x38;
	[tilespmem:$0x1A800] =	vst v63  }
0x3f: {  	s1 =	sadd.s32 @!p0 s31, s10;
	s20 =	simm.s32 @!p0 $0x12800  }
0x40: {  	[hbm4b:s1+s19] =	stream.linear.scatter @!p0 [tilespmem:s20], [sflag:$0x5], $0x4000, $0x38;
	[tilespmem:$0x1A800] =	vst v63  }
0x41: {  	s1 =	simm.s32 @!p0 $0x5  }
0x42: {  	_ =	swait.ge @!p0 [sflag:s1], $0x4000  }
0x43: {  	[sflag:s1] =	ssyncset.done @!p0 $0x0  }
0x44: {  	[sflag:s1] =	ssyncadd.s32 @!p0 $0xFFFFC000  }
0x45: {  	p1 =	sgt.u32 @!p0 s0, $0xB;
	_ =	swait.ge @!p0 [sflag:s1], $0x4000  }
0x46: {  	p1 =	por p1, p0;
	[sflag:s1] =	ssyncset.done @!p0 $0x0  }
0x47: {  	[sflag:s1] =	ssyncadd.s32 @!p0 $0xFFFFC000;
	s1 =	sshra.s32 @!p1 s30, $0x2  }
0x48: {  	s22 =	simm.s32 @!p1 $0x6800;
	s21 =	simm.s32 @!p1 $0x80;
	s20 =	sadd.s32 @!p1 $0x200, s1  }
0x49: {  	[tilespmem:s22], [sflag:$0x2] =	stream.indirect.gather @!p1 [hbm4b:s3+s21], $0x80, s20, s21, $0xb8;
	[tilespmem:$0x1A800] =	vst v63  }
0x4a: {  	s20 =	sadd.s32 @!p1 $0x1600, s1;
	s22 =	simm.s32 @!p1 $0x12800  }
0x4b: {  	[tilespmem:s22], [sflag:$0x2] =	stream.indirect.gather @!p1 [hbm4b:s4+s21], $0x80, s20, s21, $0xb8;
	[tilespmem:$0x1A800] =	vst v63  }
0x4c: {  	s20 =	simm.s32 @!p0 $0x3  }
0x4d: {  	_ =	swait.ge @!p0 [sflag:s20], $0x4000  }
0x4e: {  	[sflag:s20] =	ssyncset.done @!p0 $0x0  }
0x4f: {  	[sflag:s20] =	ssyncadd.s32 @!p0 $0xFFFFC000  }
0x50: {  	_ =	swait.ge @!p0 [sflag:s20], $0x4000  }
0x51: {  	[sflag:s20] =	ssyncset.done @!p0 $0x0  }
0x52: {  	s22 =	simm.s32 @!p0 $0xA800;
	[sflag:s20] =	ssyncadd.s32 @!p0 $0xFFFFC000;
	s20 =	sadd.s32 @!p0 s31, s9  }
0x53: {  	[hbm4b:s20+s19] =	stream.linear.scatter @!p0 [tilespmem:s22], [sflag:$0x6], $0x4000, $0x38;
	[tilespmem:$0x1A800] =	vst v63  }
0x54: {  	s20 =	sadd.s32 @!p0 s31, s8;
	s22 =	simm.s32 @!p0 $0x16800  }
0x55: {  	[hbm4b:s20+s19] =	stream.linear.scatter @!p0 [tilespmem:s22], [sflag:$0x6], $0x4000, $0x38;
	[tilespmem:$0x1A800] =	vst v63  }
0x56: {  	s19 =	simm.s32 @!p0 $0x6  }
0x57: {  	_ =	swait.ge @!p0 [sflag:s19], $0x4000  }
0x58: {  	[sflag:s19] =	ssyncset.done @!p0 $0x0  }
0x59: {  	[sflag:s19] =	ssyncadd.s32 @!p0 $0xFFFFC000  }
0x5a: {  	_ =	swait.ge @!p0 [sflag:s19], $0x4000  }
0x5b: {  	[sflag:s19] =	ssyncset.done @!p0 $0x0  }
0x5c: {  	s20 =	simm.s32 @!p1 $0xA800;
	[sflag:s19] =	ssyncadd.s32 @!p0 $0xFFFFC000;
	s19 =	sadd.s32 @!p1 $0x280, s1  }
0x5d: {  	[tilespmem:s20], [sflag:$0x3] =	stream.indirect.gather @!p1 [hbm4b:s3+s21], $0x80, s19, s21, $0xb8;
	[tilespmem:$0x1A800] =	vst v63  }
0x5e: {  	s31 =	sadd.s32 @!p0 $0x1800, s31;
	s1 =	sadd.s32 @!p1 $0x1680, s1;
	s19 =	simm.s32 @!p1 $0x16800  }
0x5f: {  	[tilespmem:s19], [sflag:$0x3] =	stream.indirect.gather @!p1 [hbm4b:s4+s21], $0x80, s1, s21, $0xb8;
	[tilespmem:$0x1A800] =	vst v63  }
0x60: {  	p1 =	sne.s32 @!p0 s31, $0x15000  }
0x61: {  	p1 =	por p0, !p1  }
.Ltmp0:
0x62: {  	_ = 	snop;
	(pc) =	sbr.rel @!p1 .LBB2_2-.Ltmp0, $2  }
0x63: {  	_ =	sdelay $0x2  }
0x64: {  	s0 =	sadd.s32 @!p0 $0x1, s0;
	s30 =	sadd.s32 @!p0 $0x600, s30  }
0x65: {  	s29 =	sadd.s32 $0x1, s29  }
0x66: {  	p0 =	sne.s32 s29, s7  }
.Ltmp1:
0x67: {  	_ = 	snop;
	(pc) =	sbr.rel @p0 .LBB2_1-.Ltmp1, $1  }
0x68: {  	_ =	sdelay $0x3  }
0x69: {  	_ =	sfence.sel $0x180000  }
0x6a: {  	[bflag:$0x0] =	sbarrier.arrive $0xFFFF  }
0x6b: {  	_ =	strace $0x90000047  }
0x6c: {  	s0 =	stileid.u32;
	[bflag:$0x2] =	sbarrier.arrive $0xFFFF  }
0x6d: {  	p0 =	sne.s32 s0, $0x0;
	s0 =	rddreg [dreg:$0x1]  }
0x6e: {  	s0 =	sadd.s32 @!p0 $0x100000, s0  }
0x6f: {  	[sflag:s0] =	ssyncadd.tile.s32 @!p0 $0x1;
	_ =	shalt  }
.Lfunc_end2:
_tile_overlayer_lowered:
.L_overlay_start_2:
0x70: {  	(tag) =	ssettag $0x2  }
0x71: {  	s0 =	rddreg [dreg:$0x0];
	s2 =	stileid.u32  }
0x72: {  	s1 =	rddreg [dreg:$0x1];
	p0 =	sne.s32 s2, $0x0  }
0x73: {  	s3 =	rddreg [dreg:$0x2];
	[bflag:$0x3] =	sbarrier.arrive $0xFFFF;
	s2 =	simm.s32 @!p0 $0x1C07  }
0x74: {  	[timem:s3], [sflag:s2] =	dma.local @!p0 [hbm:s0], s1  }
0x75: {  	s0 =	simm.s32 @!p0 $0x7  }
0x76: {  	_ =	swait.ge @!p0 [sflag:s0], s1  }
0x77: {  	s1 =	ssub.s32 @!p0 $0x0, s1;
	[sflag:s0] =	ssyncset.done @!p0 $0x0  }
0x78: {  	[sflag:s0] =	ssyncadd.s32 @!p0 s1  }
0x79: {  	[bflag:$0x3] =	sbarrier.arrive $0xFFFF  }
0x7a: {  	_ =	shalt  }

// kernel: kernel.19.cloned.1.call-start
scs
__scs_entry_jumppad:
0x0: {  	(pc) =	sbr.rel $0x88, $3  }
0x1: {  	(tag) =	ssettag $0x0;
	lr =	simm.s32 $0x1  }
0x2: {  	[smem:$0x3F8C] =	sst lr;
	_ =	strace $0xD0000000  }
0x3: {  	_ = 	snop  }
0x4: {  	_ = 	snop  }
0x5: {  	_ = 	snop  }
0x6: {  	_ = 	snop  }
0x7: {  	_ = 	snop  }
__scs_overlays_trampoline_lowered:
0x8: {  	[smem:$0x3F9B] =	sst s0  }
0x9: {  	[smem:$0x3F9C] =	sst s1  }
0xa: {  	[smem:$0x3F9D] =	sst s2  }
0xb: {  	[smem:$0x3F9E] =	sst s3  }
0xc: {  	[smem:$0x3F9F] =	sst s4  }
0xd: {  	[smem:$0x3FA0] =	sst s5  }
0xe: {  	[smem:$0x3FA1] =	sst s6  }
0xf: {  	[smem:$0x3FA2] =	sst s7  }
0x10: {  	[smem:$0x3FA3] =	sst s8  }
0x11: {  	[smem:$0x3FA4] =	sst s9;
	s0 =	simm.s32 @!p0 $0x0  }
0x12: {  	s1 =	sld [smem:$0x3F8A];
	s0 =	simm.s32 @p0 $0x1  }
0x13: {  	[smem:$0x3FA5] =	sst s0;
	s0 =	simm.s32 @!p1 $0x0  }
0x14: {  	s2 =	sld [smem:$0x3F89];
	s0 =	simm.s32 @p1 $0x1  }
0x15: {  	[smem:$0x3FA6] =	sst s0;
	s0 =	simm.s32 @!p2 $0x0  }
0x16: {  	s3 =	sld [smem:$0x3FDB];
	s0 =	simm.s32 @p2 $0x1  }
0x17: {  	s4 =	simm.s32 $0x1BF5;
	[smem:$0x3FA8] =	sst s0  }
0x18: {  	s0 =	sld [smem:$0x3F8B];
	_ =	swait.ge [sflag:s4], $0x0  }
0x19: {  	s7 =	sld [smem:$0x3F8C]  }
0x1a: {  	s8 =	sadd.s32 $0xFFFFE003, lr  }
0x1b: {  	s9 =	sadd.s32 $0xFFFFFEF7, lr;
	s5 =	simm.s32 $0xFFFFFFFF;
	p2 =	slt.u32 s8, $0xFFFFF086  }
0x1c: {  	p1 =	slt.u32 s9, $0xF7A;
	s5 =	simm.s32 @!p2 $0x0  }
0x1d: {  	s5 =	simm.s32 @p1 $0x1;
	p0 =	seq.s32 s7, s2  }
0x1e: {  	s7 =	smul.u32 @!p0 $0xF7A, s2;
	p2 =	seq.s32 @!p0 s5, $0x0  }
0x1f: {  	s9 =	smul.u32 $0xF7A, s1;
	s8 =	simm.s32 @!p0 $0x1BF5;
	p2 =	por !p2, p0  }
0x20: {  	[sflag:s8] =	ssyncset.s32 @!p0 $0xFFFFF086;
	s6 =	sadd.s32 @!p0 s3, s7;
	s7 =	simm.s32 @!p0 $0x108  }
0x21: {  	s3 =	sadd.s32 s3, s9;
	s6 =	sadd.s32 @!p0 $0x88, s6;
	s7 =	simm.s32 @p2 $0x1082  }
0x22: {  	[simem:s7], [sflag:s8] =	dma.local @!p0 [hbm:s6], $0xF7A  }
0x23: {  	s9 =	sor.u32 $0xD0000000, s2;
	s6 =	simm.s32 $0x108;
	_ =	swait.ge @!p0 [sflag:s8], $0x0  }
0x24: {  	s3 =	sadd.s32 $0x88, s3;
	s6 =	simm.s32 @!p1 $0x1082;
	[sflag:s4] =	ssyncset.s32 $0xFFFFF086  }
0x25: {  	[simem:s6], [sflag:s4] =	dma.local [hbm:s3], $0xF7A  }
0x26: {  	[smem:$0x3F8C] =	sst s1;
	(tag) =	ssettag s2;
	_ =	strace s9  }
0x27: {  	s1 =	sld [smem:$0x3F9C]  }
0x28: {  	s2 =	sld [smem:$0x3F9D]  }
0x29: {  	s4 =	sld [smem:$0x3F9F]  }
0x2a: {  	p0 =	seq.s32 s5, $0x0;
	s5 =	sld [smem:$0x3FA0]  }
0x2b: {  	s6 =	sld [smem:$0x3FA1]  }
0x2c: {  	s7 =	sld [smem:$0x3FA2]  }
0x2d: {  	s3 =	simm.s32 $0x108;
	s8 =	sld [smem:$0x3FA3]  }
0x2e: {  	s3 =	simm.s32 @!p0 $0x1082;
	s9 =	sld [smem:$0x3FA4]  }
0x2f: {  	lr =	sadd.s32 s0, s3;
	s0 =	sld [smem:$0x3F9B]  }
0x30: {  	s3 =	sld [smem:$0x3F9E]  }
0x31: {  	[smem:$0x3FA7] =	sst s10  }
0x32: {  	s10 =	sld [smem:$0x3FA5];
	_ =	sdelay $0x3  }
0x33: {  	p0 =	seq.s32 s10, $0x1;
	s10 =	sld [smem:$0x3FA7];
	_ =	sdelay $0x3  }
0x34: {  	[smem:$0x3FA7] =	sst s10  }
0x35: {  	s10 =	sld [smem:$0x3FA6];
	_ =	sdelay $0x3  }
0x36: {  	p1 =	seq.s32 s10, $0x1;
	s10 =	sld [smem:$0x3FA7];
	_ =	sdelay $0x3  }
0x37: {  	[smem:$0x3FA7] =	sst s10  }
0x38: {  	s10 =	sld [smem:$0x3FA8]  }
0x39: {  	_ = 	snop;
	(pc) =	sbr.ind lr, $3  }
0x3a: {  	_ = 	snop  }
0x3b: {  	_ = 	snop  }
0x3c: {  	p2 =	seq.s32 s10, $0x1;
	s10 =	sld [smem:$0x3FA7]  }
0x3d: {  	_ =	shalt  }
0x3e: {  	_ =	shalt  }
0x3f: {  	_ =	shalt  }
0x40: {  	_ =	shalt  }
0x41: {  	_ =	shalt  }
0x42: {  	_ =	shalt  }
0x43: {  	_ =	shalt  }
0x44: {  	_ =	shalt  }
0x45: {  	_ =	shalt  }
0x46: {  	_ =	shalt  }
0x47: {  	_ =	shalt  }
0x48: {  	_ =	shalt  }
0x49: {  	_ =	shalt  }
0x4a: {  	_ =	shalt  }
0x4b: {  	_ =	shalt  }
0x4c: {  	_ =	shalt  }
0x4d: {  	_ =	shalt  }
0x4e: {  	_ =	shalt  }
0x4f: {  	_ =	shalt  }
0x50: {  	_ =	shalt  }
0x51: {  	_ =	shalt  }
0x52: {  	_ =	shalt  }
0x53: {  	_ =	shalt  }
0x54: {  	_ =	shalt  }
0x55: {  	_ =	shalt  }
0x56: {  	_ =	shalt  }
0x57: {  	_ =	shalt  }
0x58: {  	_ =	shalt  }
0x59: {  	_ =	shalt  }
0x5a: {  	_ =	shalt  }
0x5b: {  	_ =	shalt  }
0x5c: {  	_ =	shalt  }
0x5d: {  	_ =	shalt  }
0x5e: {  	_ =	shalt  }
0x5f: {  	_ =	shalt  }
0x60: {  	_ =	shalt  }
0x61: {  	_ =	shalt  }
0x62: {  	_ =	shalt  }
0x63: {  	_ =	shalt  }
0x64: {  	_ =	shalt  }
0x65: {  	_ =	shalt  }
0x66: {  	_ =	shalt  }
0x67: {  	_ =	shalt  }
0x68: {  	_ =	shalt  }
0x69: {  	_ =	shalt  }
0x6a: {  	_ =	shalt  }
0x6b: {  	_ =	shalt  }
0x6c: {  	_ =	shalt  }
0x6d: {  	_ =	shalt  }
0x6e: {  	_ =	shalt  }
0x6f: {  	_ =	shalt  }
0x70: {  	_ =	shalt  }
0x71: {  	_ =	shalt  }
0x72: {  	_ =	shalt  }
0x73: {  	_ =	shalt  }
0x74: {  	_ =	shalt  }
0x75: {  	_ =	shalt  }
0x76: {  	_ =	shalt  }
0x77: {  	_ =	shalt  }
0x78: {  	_ =	shalt  }
0x79: {  	_ =	shalt  }
0x7a: {  	_ =	shalt  }
0x7b: {  	_ =	shalt  }
0x7c: {  	_ =	shalt  }
0x7d: {  	_ =	shalt  }
0x7e: {  	_ =	shalt  }
0x7f: {  	_ =	shalt  }
0x80: {  	_ =	shalt  }
0x81: {  	_ =	shalt  }
0x82: {  	_ =	shalt  }
0x83: {  	_ =	shalt  }
0x84: {  	_ =	shalt  }
0x85: {  	_ =	shalt  }
0x86: {  	_ =	shalt  }
0x87: {  	_ =	shalt  }
.Lfunc_end0:
.L_simem_size_0:
called_computation.3_lowered:
.L_overlay_start_0:
0x88: {  	s2 =	sld [smem:$0x3FD9]  }
0x89: {  	s3 =	sld [smem:$0x3FFE];
	_ =	sdelay $0x1  }
0x8a: {  	s1 =	srdreg.scid  }
0x8b: {  	s0 =	sand.u32 $0x1, s1  }
0x8c: {  	s17 =	sshll.u32 s0, $0xA;
	s2 =	sadd.s32 s3, s2  }
0x8d: {  	s2 =	sadd.s32 s2, s17  }
0x8e: {  	[smem:$0x3FB3] =	sst s2  }
0x8f: {  	_ = 	snop  }
0x90: {  	(tm) =	ssettm $0x1  }
0x91: {  	s18 =	sld [smem:$0x3FFB];
	_ =	sdelay $0x3  }
0x92: {  	_ =	strace s18  }
0x93: {  	s2 =	sld [smem:$0x3FFC];
	_ =	sdelay $0x3  }
0x94: {  	_ =	strace s2  }
0x95: {  	s2 =	sld [smem:$0x3FFD];
	_ =	sdelay $0x3  }
0x96: {  	_ =	strace s2  }
0x97: {  	_ =	strace $0x8FFFFFFF  }
0x98: {  	s19 =	sld [smem:$0x3FDB];
	_ =	sdelay $0x1  }
0x99: {  	s20 =	simm.s32 $_scs_section_size  }
0x9a: {  	s4 =	simm.s32 $_size__tile_overlayer_lowered;
	s5 =	simm.s32 $_tile_overlayer_lowered  }
0x9b: {  	s6 =	simm.s32 $0x1BFF;
	s21 =	sshll.u32 s5, $0x1;
	s3 =	sadd.s32 s20, s19  }
0x9c: {  	s22 =	simm.s32 $0x0;
	s4 =	sshll.u32 s4, $0x1;
	s5 =	sadd.s32 s21, s3  }
0x9d: {  	[timem:s22], [sflag:s6] =	dma.local [hbm:s5], s4  }
0x9e: {  	_ =	swait.ge [sflag:s6], s4  }
0x9f: {  	s4 =	ssub.s32 $0x0, s4;
	[sflag:s6] =	ssyncset.done $0x0  }
0xa0: {  	[sflag:s6] =	ssyncadd.s32 s4;
	_ =	sdelay $0x1  }
0xa1: {  	s23 =	simm.s32 $0x1B8B  }
0xa2: {  	_ =	swait.ge [sflag:s23], $0x1  }
0xa3: {  	[sflag:s23] =	ssyncset.done $0x0  }
0xa4: {  	[sflag:s23] =	ssyncadd.s32 $0xFFFFFFFF  }
0xa5: {  	s4 =	sld [smem:$0x0]  }
0xa6: {  	s5 =	sand.u32 $0xFFFFFFFE, s1  }
0xa7: {  	p0 =	sne.s32 s1, s5  }
0xa8: {  	s5 =	sshll.u32 @p0 s5, $0xE  }
0xa9: {  	s5 =	sadd.s32 @p0 $0x11B8D, s5;
	s6 =	sshll.u32 @p0 s4, $0x11  }
0xaa: {  	s5 =	sor.u32 @p0 s6, s5  }
0xab: {  	[sflag:s5] =	ssyncadd.remote.s32 @p0 $0x1;
	_ =	sdelay $0x1  }
0xac: {  	s5 =	simm.s32 @p0 $0x1B8D  }
0xad: {  	_ =	swait.eq @p0 [sflag:s5], $0x1  }
0xae: {  	[sflag:s5] =	ssyncadd.s32 @p0 $0xFFFFFFFF  }
0xaf: {  	s6 =	sshll.u32 @!p0 s1, $0xE  }
0xb0: {  	s6 =	sor.u32 @!p0 $0x4000, s6;
	s5 =	simm.s32 @!p0 $0x1B8D  }
0xb1: {  	s4 =	sshll.u32 @!p0 s4, $0x11;
	s6 =	sadd.s32 @!p0 $0x11B8D, s6;
	_ =	swait.eq @!p0 [sflag:s5], $0x1  }
0xb2: {  	s4 =	sor.u32 @!p0 s4, s6;
	[sflag:s5] =	ssyncadd.s32 @!p0 $0xFFFFFFFF  }
0xb3: {  	s25 =	simm.s32 $0x1B8E;
	s24 =	sld [smem:$0x3FFE];
	[sflag:s4] =	ssyncadd.remote.s32 @!p0 $0x1  }
0xb4: {  	s26 =	simm.s32 $execute0_lowered;
	[smem:$0x3FD2] =	sst s25  }
0xb5: {  	s5 =	sshll.u32 s26, $0x1;
	_ =	strace $0x8000004C;
	[dreg:$0x1] =	wrdreg $0xFFFFFFFF  }
0xb6: {  	s28 =	simm.s32 $_size_execute0_lowered;
	s3 =	sadd.s32 s3, s5;
	[dreg:$0x0] =	wrdreg $0x0  }
0xb7: {  	s5 =	sshll.u32 s28, $0x1;
	[dreg:$0x2] =	wrdreg s3  }
0xb8: {  	[dreg:$0x3] =	wrdreg s5  }
0xb9: {  	[dreg:$0x4] =	wrdreg $0xC0  }
0xba: {  	_ =	task [dreg:s22], $0x5FFFF  }
0xbb: {  	[dreg:$0x1] =	wrdreg $0xFFFFFFFF  }
0xbc: {  	[dreg:$0x0] =	wrdreg $0x60  }
0xbd: {  	[dreg:$0x2] =	wrdreg s24  }
0xbe: {  	[dreg:$0x3] =	wrdreg $0x94000  }
0xbf: {  	[dreg:$0x4] =	wrdreg $0xA  }
0xc0: {  	_ =	task.clear_ibuf [dreg:s22], $0x5FFFF;
	_ =	strace $0x9000004C  }
0xc1: {  	s29 =	simm.s32 $0xA;
	_ =	strace $0x8000004E  }
0xc2: {  	_ =	swait.ge [sflag:s29], $0x1  }
0xc3: {  	[sflag:s29] =	ssyncadd.s32 $0xFFFFFFFF  }
0xc4: {  	_ =	strace $0x9000004E  }
0xc5: {  	_ =	sfence  }
0xc6: {  	s30 =	sld [smem:$0x0];
	_ =	sdelay $0x2  }
0xc7: {  	s31 =	sshll.u32 s1, $0xD;
	s1 =	sshrl.u32 s1, $0x2  }
0xc8: {  	s4 =	sand.u32 $0x4000, s31;
	s1 =	sadd.s32 s1, s30  }
0xc9: {  	s0 =	sor.u32 s4, s0;
	s1 =	sshll.u32 s1, $0x11  }
0xca: {  	s0 =	sor.u32 s1, s0  }
0xcb: {  	s0 =	sadd.s32 $0x8F2B, s0  }
0xcc: {  	[sflag:s0] =	ssyncadd.remote.s32 $0x1  }
0xcd: {  	_ =	sfence.sel $0xFFFF  }
0xce: {  	[dreg:$0x0] =	wrdreg $0xFFFFFFFF;
	(pc) =	sbr.abs _section_cstart, $3  }
0xcf: {  	[dreg:$0x1] =	wrdreg $0xFFFFFFFF  }
0xd0: {  	_ =	task.clear_ibuf [dreg:s22], $0x2FFFF;
	_ =	strace $0x9FFFFFFF  }
0xd1: {  	(tm) =	ssettm $0x7FFFFFFF  }
tec
execute0_lowered:
.L_overlay_start_1:
0x0: {  	(tag) =	ssettag $0x1  }
0x1: {  	s4 =	rddreg [dreg:$0x0]  }
0x2: {  	s2 =	rddreg [dreg:$0x1];
	s1 =	srdreg.scid  }
0x3: {  	s0 =	rddreg [dreg:$0x2];
	s3 =	simm.s32 $0x0;
	s18 =	simm.s32 $0x4  }
0x4: {  	s19 =	simm.s32 $0x3;
	s20 =	simm.s32 $0x1;
	s21 =	simm.s32 $0x80  }
0x5: {  	s22 =	simm.s32 $0x2;
	s23 =	simm.s32 $0x1300;
	s5 =	sand.u32 $0x1, s1  }
0x6: {  	s24 =	simm.s32 $0x1380;
	s1 =	stileid.u32;
	s6 =	smul.u32 $0x13C000, s5  }
0x7: {  	s25 =	simm.s32 $0x0;
	[smem:$0x7FF] =	sst s3;
	s8 =	smul.u32 $0x13C00, s1  }
0x8: {  	s15 =	sadd.s32 $0xFBAC00, s4;
	s7 =	sshll.u32 s5, $0x4;
	s28 =	smul.u32 $0x4F000, s1  }
0x9: {  	_ =	strace $0x8000004D;
	s29 =	ssub.s32 $0x2, s5;
	s14 =	smul.u32 $0xA00000, s5  }
0xa: {  	s16 =	smul.u32 $0xA0000, s1;
	s7 =	sor.u32 s1, s7;
	s30 =	sshrl.u32 s29, $0x1  }
0xb: {  	s9 =	smul.u32 $0x280, s7;
	s6 =	sadd.s32 s8, s6;
	s8 =	sshrl.u32 s28, $0x2  }
0xc: {  	s31 =	smul.u32 $0x14000, s7;
	s13 =	ssub.s32 s29, s30;
	s14 =	sadd.s32 s16, s14  }
0xd: {  	s6 =	sshrl.u32 s6, $0x3;
	s16 =	sor.u32 $0xC000, s14;
	s14 =	sor.u32 $0x8000, s14  }
0xe: {  	s13 =	smax.u32 s13, $0x1;
	s10 =	sadd.s32 s9, s4;
	s12 =	sadd.s32 s6, s4  }
0xf: {  	s4 =	sadd.s32 s8, s2;
	s9 =	sadd.s32 s15, s31;
	s16 =	sshrl.u32 s16, $0x3  }
0x10: {  	s17 =	sshrl.u32 s14, $0x3;
	s5 =	sadd.s32 $0x4000, s4;
	s6 =	sadd.s32 $0x8000, s4  }
0x11: {  	s7 =	sadd.s32 $0xC000, s4;
	s8 =	sadd.s32 $0x10000, s4;
	s10 =	sadd.s32 $0xFB5C00, s10  }
0x12: {  	s11 =	sadd.s32 $0x800, s9;
	s12 =	sadd.s32 $0xABC00, s12;
	s14 =	sadd.s32 s16, s15  }
0x13: {  	v0 =	vimm.f32 $0.0e+00;
	s15 =	sadd.s32 s17, s15;
	s16 =	simm.s32 $0x1400;
	s17 =	simm.s32 $0x5400  }
.LBB2_1:
0x14: {  	s26 =	simm.s32 $0x0;
	s28 =	simm.s32 $0x200  }
.LBB2_2:
0x15: {  	p0 =	sne.s32 s28, $0xFE00;
	[tilespmem:s26+$0x1470] =	vst v0  }
0x16: {  	[tilespmem:s26+$0x1400] =	vst v0  }
0x17: {  	[tilespmem:s26+$0x1410] =	vst v0  }
.Ltmp0:
0x18: {  	[tilespmem:s26+$0x1420] =	vst v0;
	(pc) =	sbr.rel @p0 .LBB2_2-.Ltmp0, $4  }
0x19: {  	[tilespmem:s26+$0x1430] =	vst v0  }
0x1a: {  	[tilespmem:s26+$0x1440] =	vst v0  }
0x1b: {  	[tilespmem:s26+$0x1450] =	vst v0  }
0x1c: {  	[tilespmem:s26+$0x1460] =	vst v0;
	s26 =	sshra.s32 s28, $0x2;
	s28 =	sadd.s32 $0x200, s28  }
0x1d: {  	[tilespmem:s26+$0x1470] =	vst v0  }
0x1e: {  	[tilespmem:s26+$0x1400] =	vst v0  }
0x1f: {  	[tilespmem:s26+$0x1410] =	vst v0  }
0x20: {  	[tilespmem:s26+$0x1420] =	vst v0  }
0x21: {  	[tilespmem:s26+$0x1430] =	vst v0  }
0x22: {  	[tilespmem:s26+$0x1440] =	vst v0  }
0x23: {  	[tilespmem:s26+$0x1450] =	vst v0  }
0x24: {  	[tilespmem:s26+$0x1460] =	vst v0;
	s26 =	simm.s32 $0x0;
	s28 =	simm.s32 $0x200  }
.LBB2_4:
0x25: {  	p0 =	sne.s32 s28, $0xFE00;
	[tilespmem:s26+$0x5470] =	vst v0  }
0x26: {  	[tilespmem:s26+$0x5400] =	vst v0  }
0x27: {  	[tilespmem:s26+$0x5410] =	vst v0  }
.Ltmp1:
0x28: {  	[tilespmem:s26+$0x5420] =	vst v0;
	(pc) =	sbr.rel @p0 .LBB2_4-.Ltmp1, $4  }
0x29: {  	[tilespmem:s26+$0x5430] =	vst v0  }
0x2a: {  	[tilespmem:s26+$0x5440] =	vst v0  }
0x2b: {  	[tilespmem:s26+$0x5450] =	vst v0  }
0x2c: {  	[tilespmem:s26+$0x5460] =	vst v0;
	s26 =	sshra.s32 s28, $0x2;
	s28 =	sadd.s32 $0x200, s28  }
0x2d: {  	[tilespmem:s26+$0x5470] =	vst v0  }
0x2e: {  	[tilespmem:s26+$0x5400] =	vst v0  }
0x2f: {  	[tilespmem:s26+$0x5410] =	vst v0  }
0x30: {  	[tilespmem:s26+$0x5420] =	vst v0  }
0x31: {  	[tilespmem:s26+$0x5430] =	vst v0  }
0x32: {  	[tilespmem:s26+$0x5440] =	vst v0  }
0x33: {  	[tilespmem:s26+$0x5450] =	vst v0  }
0x34: {  	[tilespmem:s26+$0x5460] =	vst v0  }
0x35: {  	[spmem:s4] =	stream.linear.scatter [tilespmem:s16], [sflag:$0x3], $0x4000, $0x38;
	[tilespmem:$0x1D000] =	vst v63  }
0x36: {  	_ = 	snop  }
0x37: {  	[spmem:s5] =	stream.linear.scatter [tilespmem:s17], [sflag:$0x3], $0x4000, $0x38;
	[tilespmem:$0x1D000] =	vst v63  }
0x38: {  	_ = 	snop  }
0x39: {  	[spmem:s6] =	stream.linear.scatter [tilespmem:s16], [sflag:$0x3], $0x4000, $0x38;
	[tilespmem:$0x1D000] =	vst v63  }
0x3a: {  	_ = 	snop  }
0x3b: {  	[spmem:s7] =	stream.linear.scatter [tilespmem:s17], [sflag:$0x3], $0x4000, $0x38;
	[tilespmem:$0x1D000] =	vst v63  }
0x3c: {  	_ = 	snop  }
0x3d: {  	[spmem:s8] =	stream.linear.scatter [tilespmem:s16], [sflag:$0x3], $0x3C00, $0x38;
	[tilespmem:$0x1D000] =	vst v63  }
0x3e: {  	s30 =	simm.s32 $0x0  }
0x3f: {  	[tilespmem:s30], [sflag:$0x4] =	stream.linear.gather [hbm4b:s10+s30], $0x1400, $0x38;
	[tilespmem:$0x1D000] =	vst v63  }
0x40: {  	_ =	swait.ge [sflag:s18], $0x1400  }
0x41: {  	[sflag:s18] =	ssyncset.done $0x0  }
0x42: {  	[sflag:s18] =	ssyncadd.s32 $0xFFFFEC00  }
0x43: {  	_ =	swait.ge [sflag:s19], $0x4000  }
0x44: {  	[sflag:s19] =	ssyncset.done $0x0  }
0x45: {  	[sflag:s19] =	ssyncadd.s32 $0xFFFFC000  }
0x46: {  	_ =	swait.ge [sflag:s19], $0x4000  }
0x47: {  	[sflag:s19] =	ssyncset.done $0x0  }
0x48: {  	[sflag:s19] =	ssyncadd.s32 $0xFFFFC000  }
0x49: {  	_ =	swait.ge [sflag:s19], $0x4000  }
0x4a: {  	[sflag:s19] =	ssyncset.done $0x0  }
0x4b: {  	[sflag:s19] =	ssyncadd.s32 $0xFFFFC000  }
0x4c: {  	_ =	swait.ge [sflag:s19], $0x4000  }
0x4d: {  	[sflag:s19] =	ssyncset.done $0x0  }
0x4e: {  	[sflag:s19] =	ssyncadd.s32 $0xFFFFC000  }
0x4f: {  	_ =	swait.ge [sflag:s19], $0x3C00  }
0x50: {  	[sflag:s19] =	ssyncset.done $0x0  }
0x51: {  	[sflag:s19] =	ssyncadd.s32 $0xFFFFC400  }
0x52: {  	[bflag:$0x0] =	sbarrier.arrive $0xFFFF  }
0x53: {  	[tilespmem:s16], [sflag:$0x1] =	stream.linear.gather [hbm4b:s9+s30], $0x4000, $0x38;
	[tilespmem:$0x1D000] =	vst v63  }
0x54: {  	_ = 	snop  }
0x55: {  	[tilespmem:s17], [sflag:$0x2] =	stream.linear.gather [hbm4b:s11+s30], $0x4000, $0x38;
	[tilespmem:$0x1D000] =	vst v63  }
0x56: {  	_ =	swait.ge [sflag:s20], $0x4000  }
0x57: {  	[sflag:s20] =	ssyncset.done $0x0  }
0x58: {  	s31 =	simm.s32 $0x0;
	[sflag:s20] =	ssyncadd.s32 $0xFFFFC000  }
0x59: {  	[spmem:s2] =	stream.indirect.scatter.add.f32 [tilespmem:s16], [sflag:$0x4], $0x80, s31, s21, $0xb8;
	[tilespmem:$0x1D000] =	vst v63  }
0x5a: {  	_ =	swait.ge [sflag:s18], $0x4000  }
0x5b: {  	[sflag:s18] =	ssyncset.done $0x0  }
0x5c: {  	s30 =	sadd.s32 $0x0, s15;
	[sflag:s18] =	ssyncadd.s32 $0xFFFFC000  }
0x5d: {  	[tilespmem:s16], [sflag:$0x1] =	stream.linear.gather [hbm4b:s30+s3], $0x4000, $0x38;
	[tilespmem:$0x1D000] =	vst v63  }
0x5e: {  	_ =	swait.ge [sflag:s22], $0x4000  }
0x5f: {  	[sflag:s22] =	ssyncset.done $0x0  }
0x60: {  	s31 =	simm.s32 $0x80;
	[sflag:s22] =	ssyncadd.s32 $0xFFFFC000  }
0x61: {  	[spmem:s2] =	stream.indirect.scatter.add.f32 [tilespmem:s17], [sflag:$0x4], $0x80, s31, s21, $0xb8;
	[tilespmem:$0x1D000] =	vst v63  }
0x62: {  	_ =	swait.ge [sflag:s18], $0x4000  }
0x63: {  	s26 =	simm.s32 $0x1000;
	[sflag:s18] =	ssyncset.done $0x0  }
0x64: {  	s29 =	sadd.s32 $0x0, s14;
	s28 =	simm.s32 $0x180;
	[sflag:s18] =	ssyncadd.s32 $0xFFFFC000  }
.LBB2_6:
0x65: {  	[tilespmem:s17], [sflag:$0x2] =	stream.linear.gather [hbm4b:s29+s3], $0x4000, $0x38;
	[tilespmem:$0x1D000] =	vst v63  }
0x66: {  	s29 =	smov.u32 s26  }
0x67: {  	p0 =	sne.s32 s26, $0x12000;
	s26 =	sadd.s32 $0x1000, s26;
	_ =	swait.ge [sflag:s20], $0x4000  }
0x68: {  	[sflag:s20] =	ssyncset.done $0x0  }
0x69: {  	s30 =	sadd.s32 $0xFFFFFF80, s28;
	[sflag:s20] =	ssyncadd.s32 $0xFFFFC000  }
0x6a: {  	[spmem:s2] =	stream.indirect.scatter.add.f32 [tilespmem:s16], [sflag:$0x4], $0x80, s30, s21, $0xb8;
	[tilespmem:$0x1D000] =	vst v63  }
0x6b: {  	_ =	swait.ge [sflag:s18], $0x4000  }
0x6c: {  	[sflag:s18] =	ssyncset.done $0x0  }
0x6d: {  	s30 =	sadd.s32 s29, s15;
	[sflag:s18] =	ssyncadd.s32 $0xFFFFC000  }
0x6e: {  	[tilespmem:s16], [sflag:$0x1] =	stream.linear.gather [hbm4b:s30+s3], $0x4000, $0x38;
	[tilespmem:$0x1D000] =	vst v63  }
0x6f: {  	_ =	swait.ge [sflag:s22], $0x4000  }
0x70: {  	[sflag:s22] =	ssyncset.done $0x0  }
.Ltmp2:
0x71: {  	[sflag:s22] =	ssyncadd.s32 $0xFFFFC000;
	(pc) =	sbr.rel @p0 .LBB2_6-.Ltmp2, $4  }
0x72: {  	[spmem:s2] =	stream.indirect.scatter.add.f32 [tilespmem:s17], [sflag:$0x4], $0x80, s28, s21, $0xb8;
	[tilespmem:$0x1D000] =	vst v63  }
0x73: {  	_ =	swait.ge [sflag:s18], $0x4000  }
0x74: {  	[sflag:s18] =	ssyncset.done $0x0  }
0x75: {  	s29 =	sadd.s32 s29, s14;
	s28 =	sadd.s32 $0x100, s28;
	[sflag:s18] =	ssyncadd.s32 $0xFFFFC000  }
0x76: {  	[tilespmem:s17], [sflag:$0x2] =	stream.linear.gather [hbm4b:s29+s3], $0x4000, $0x38;
	[tilespmem:$0x1D000] =	vst v63  }
0x77: {  	_ =	swait.ge [sflag:s20], $0x4000  }
0x78: {  	[sflag:s20] =	ssyncset.done $0x0  }
0x79: {  	[sflag:s20] =	ssyncadd.s32 $0xFFFFC000  }
0x7a: {  	[spmem:s2] =	stream.indirect.scatter.add.f32 [tilespmem:s16], [sflag:$0x4], $0x80, s23, s21, $0xb8;
	[tilespmem:$0x1D000] =	vst v63  }
0x7b: {  	_ =	swait.ge [sflag:s18], $0x4000  }
0x7c: {  	[sflag:s18] =	ssyncset.done $0x0  }
0x7d: {  	[sflag:s18] =	ssyncadd.s32 $0xFFFFC000  }
0x7e: {  	_ =	swait.ge [sflag:s22], $0x4000  }
0x7f: {  	[sflag:s22] =	ssyncset.done $0x0  }
0x80: {  	[sflag:s22] =	ssyncadd.s32 $0xFFFFC000  }
0x81: {  	[spmem:s2] =	stream.indirect.scatter.add.f32 [tilespmem:s17], [sflag:$0x4], $0x80, s24, s21, $0xb8;
	[tilespmem:$0x1D000] =	vst v63  }
0x82: {  	_ =	swait.ge [sflag:s18], $0x4000  }
0x83: {  	s26 =	sshll.u32 s1, $0x6;
	s25 =	sadd.s32 $0x1, s25;
	[sflag:s18] =	ssyncset.done $0x0  }
0x84: {  	s28 =	sshrl.u32 s4, $0x3;
	p0 =	sne.s32 s25, s13;
	[sflag:s18] =	ssyncadd.s32 $0xFFFFC000  }
.Ltmp3:
0x85: {  	s26 =	sor.u32 $0x1C04, s26;
	[bflag:$0x0] =	sbarrier.arrive $0xFFFF;
	(pc) =	sbr.rel @p0 .LBB2_1-.Ltmp3, $4  }
0x86: {  	[hbm:s12], [sflag:s26] =	dma.local [spmem:s28], $0x2780  }
0x87: {  	_ =	swait.ge [sflag:s18], $0x2780  }
0x88: {  	[sflag:s18] =	ssyncset.done $0x0  }
0x89: {  	[sflag:s18] =	ssyncadd.s32 $0xFFFFD880  }
0x8a: {  	_ =	sfence.sel $0x180000  }
0x8b: {  	[bflag:$0x0] =	sbarrier.arrive $0xFFFF  }
0x8c: {  	p0 =	sne.s32 s1, $0x0;
	_ =	strace $0x9000004D  }
0x8d: {  	s0 =	sadd.s32 @!p0 $0x100000, s0;
	[bflag:$0x2] =	sbarrier.arrive $0xFFFF  }
0x8e: {  	[sflag:s0] =	ssyncadd.tile.s32 @!p0 $0x1;
	_ =	shalt  }
.Lfunc_end2:
_tile_overlayer_lowered:
.L_overlay_start_2:
0x8f: {  	(tag) =	ssettag $0x2  }
0x90: {  	s0 =	rddreg [dreg:$0x0];
	s2 =	stileid.u32  }
0x91: {  	s1 =	rddreg [dreg:$0x1];
	p0 =	sne.s32 s2, $0x0  }
0x92: {  	s3 =	rddreg [dreg:$0x2];
	[bflag:$0x3] =	sbarrier.arrive $0xFFFF;
	s2 =	simm.s32 @!p0 $0x1C04  }
0x93: {  	[timem:s3], [sflag:s2] =	dma.local @!p0 [hbm:s0], s1  }
0x94: {  	s0 =	simm.s32 @!p0 $0x4  }
0x95: {  	_ =	swait.ge @!p0 [sflag:s0], s1  }
0x96: {  	s1 =	ssub.s32 @!p0 $0x0, s1;
	[sflag:s0] =	ssyncset.done @!p0 $0x0  }
0x97: {  	[sflag:s0] =	ssyncadd.s32 @!p0 s1  }
0x98: {  	[bflag:$0x3] =	sbarrier.arrive $0xFFFF  }
0x99: {  	_ =	shalt  }

</sc_bundles>
